<compile_context>
chip_gen: v7x
topology: tpu7x:2x2x1
jax: 0.10.2.dev20260603
libtpu: 0.0.44.dev20260713+nightly
codegen_flags: <defaults>
</compile_context>

<pallas_src>
import functools

import jax
import jax.numpy as jnp
from jax import lax
from jax.experimental import pallas as pl
from jax.experimental.pallas import tpu as pltpu
from jax.experimental.pallas import tpu_sc as plsc

B = 4096
HIST = 50
D64 = 64
D32 = 32

NC = 2
NS = 16
LANES = 16
NW = NC * NS
ROWS_W = B // NW
NBUF = 5


def _sc_rows_body(uid, iid, cat, w_user, w_item, w_cat,
                  e_user, e_item, e_cat,
                  vidx, rbuf, cbuf, rsem):
    c = lax.axis_index("c")
    s = lax.axis_index("s")
    wid = s * NC + c
    base = wid * ROWS_W

    def one(ids, table, buf, out):
        pltpu.sync_copy(ids.at[pl.ds(base, ROWS_W)], vidx)

        @pl.loop(0, ROWS_W // LANES)
        def _(g):
            v = vidx[pl.ds(g * LANES, LANES)]
            for lane in range(LANES):
                r = v[lane]
                pltpu.make_async_copy(
                    table.at[pl.ds(r, 1)],
                    buf.at[pl.ds(g * LANES + lane, 1)], rsem).start()

        pltpu.make_async_copy(table.at[pl.ds(0, ROWS_W)], buf, rsem).wait()
        pltpu.sync_copy(buf, out.at[pl.ds(base, ROWS_W)])

    one(uid, w_user, rbuf, e_user)
    one(iid, w_item, rbuf, e_item)
    one(cat, w_cat, cbuf, e_cat)


def _sc_rows(uid, iid, cat, w_user, w_item, w_cat):
    f32 = jnp.float32
    mesh = plsc.VectorSubcoreMesh(core_axis_name="c", subcore_axis_name="s",
                                  num_cores=NC, num_subcores=NS)
    return pl.kernel(
        _sc_rows_body,
        out_type=(
            jax.ShapeDtypeStruct((B, D64), f32),
            jax.ShapeDtypeStruct((B, D64), f32),
            jax.ShapeDtypeStruct((B, D32), f32),
        ),
        mesh=mesh,
        compiler_params=pltpu.CompilerParams(use_tc_tiling_on_sc=True),
        scratch_types=[
            pltpu.VMEM((ROWS_W,), jnp.int32),
            pltpu.VMEM((ROWS_W, D64), f32),
            pltpu.VMEM((ROWS_W, D32), f32),
            pltpu.SemaphoreType.DMA,
        ],
    )(uid, iid, cat, w_user, w_item, w_cat)


def _sc_gather_body(hist_t, w_hist, hist_sum,
                    hidx, hbufs, myidx, acc, gsems):
    c = lax.axis_index("c")
    s = lax.axis_index("s")
    wid = s * NC + c
    base = wid * ROWS_W

    pltpu.sync_copy(hist_t.at[:, pl.ds(base, ROWS_W)], hidx)

    for k in range(ROWS_W // LANES):
        myidx[pl.ds(k * LANES, LANES)] = (
            lax.iota(jnp.int32, LANES) + (s * ROWS_W + k * LANES))

    def gcopy(jj, bb):
        return pltpu.make_async_copy(w_hist.at[hidx.at[jj]], hbufs[bb],
                                     gsems[bb])

    for bb in range(NBUF):
        gcopy(bb, bb).start()

    @pl.loop(0, HIST, step=NBUF)
    def _ring(j0):
        for bb in range(NBUF):
            j = j0 + bb
            gcopy(j, bb).wait()
            if bb == 0:
                @pl.when(j0 == 0)
                def _():
                    pltpu.sync_copy(hbufs[0], acc.at[myidx])

                @pl.when(j0 > 0)
                def _():
                    pltpu.sync_copy(hbufs[0], acc.at[myidx], add=True)
            else:
                pltpu.sync_copy(hbufs[bb], acc.at[myidx], add=True)

            @pl.when(j + NBUF < HIST)
            def _():
                gcopy(j + NBUF, bb).start()

    pltpu.sync_copy(acc.at[pl.ds(s * ROWS_W, ROWS_W)],
                    hist_sum.at[pl.ds(base, ROWS_W)])


def _sc_gather(hist_t, w_hist):
    f32 = jnp.float32
    mesh = plsc.VectorSubcoreMesh(core_axis_name="c", subcore_axis_name="s",
                                  num_cores=NC, num_subcores=NS)
    return pl.kernel(
        _sc_gather_body,
        out_type=jax.ShapeDtypeStruct((B, D64), f32),
        mesh=mesh,
        compiler_params=pltpu.CompilerParams(use_tc_tiling_on_sc=False),
        scratch_types=[
            pltpu.VMEM((HIST, ROWS_W), jnp.int32),
            [pltpu.VMEM((ROWS_W, D64), f32)] * NBUF,
            pltpu.VMEM((ROWS_W,), jnp.int32),
            pltpu.VMEM_SHARED((NS * ROWS_W, D64), f32),
            [pltpu.SemaphoreType.DMA] * NBUF,
        ],
    )(hist_t, w_hist)


_BLK = 512


def _tc_body(nf, wnum, bnum, eu_r, ei_r, hs_r, ec_r, ve_r, vl_r):
    eu = eu_r[...]
    ei = ei_r[...]
    eh = hs_r[...] * (1.0 / HIST)
    ec = ec_r[...]
    en = nf[...] * wnum[...] + bnum[...]

    ve_r[...] = jnp.concatenate([eu, ei, eh, ec, en], axis=-1)

    def ln(e):
        mu = jnp.mean(e, axis=-1, keepdims=True)
        var = jnp.mean((e - mu) ** 2, axis=-1, keepdims=True)
        return (e - mu) * lax.rsqrt(var + 1e-5)

    vl_r[...] = jnp.concatenate([ln(eu), ln(ei), ln(eh), ln(ec), ln(en)],
                                axis=-1)


def _tc_assemble(num_feat, w_num, b_num, e_user, e_item, hist_sum, e_cat):
    f32 = jnp.float32
    n = B // _BLK
    big = pl.BlockSpec((_BLK, D64), lambda i: (i, 0))
    return pl.pallas_call(
        _tc_body,
        grid=(n,),
        in_specs=[
            pl.BlockSpec((_BLK, 1), lambda i: (i, 0)),
            pl.BlockSpec((1, D32), lambda i: (0, 0)),
            pl.BlockSpec((1, D32), lambda i: (0, 0)),
            big, big, big,
            pl.BlockSpec((_BLK, D32), lambda i: (i, 0)),
        ],
        out_specs=[
            pl.BlockSpec((_BLK, 256), lambda i: (i, 0)),
            pl.BlockSpec((_BLK, 256), lambda i: (i, 0)),
        ],
        out_shape=[
            jax.ShapeDtypeStruct((B, 256), f32),
            jax.ShapeDtypeStruct((B, 256), f32),
        ],
    )(num_feat, w_num, b_num, e_user, e_item, hist_sum, e_cat)


def kernel(user_id, item_id, item_hist, category, num_feat,
           W_user, W_item, W_hist, W_cat, W_num, b_num):
    uid = user_id.astype(jnp.int32)
    iid = item_id.astype(jnp.int32)
    cat = category.astype(jnp.int32)
    hist_t = jnp.transpose(item_hist.astype(jnp.int32))

    hist_sum = _sc_gather(hist_t, W_hist)
    e_user, e_item, e_cat = _sc_rows(uid, iid, cat, W_user, W_item, W_cat)

    v_embed, v_embed_ln = _tc_assemble(
        num_feat, W_num, b_num.reshape(1, D32), e_user, e_item, hist_sum,
        e_cat)
    return (v_embed, v_embed_ln)

# --- scband reference (transcript-rebuilt; emitter-appended) ---
"""Pipeline reference for scband-feature-embedding-49752901156881 (READ-ONLY COPY).

The authoritative reference and input builder live on the scoring server;
editing this copy changes nothing except your own understanding.
"""

import jax, jax.numpy as jnp
import numpy as np

B = 4096
HIST = 50
V_USER = 100000
V_ITEM = 100000
V_CAT = 1000
D64 = 64
D32 = 32


def _layer_norm(x, eps=1e-5):
    mu = jnp.mean(x, axis=-1, keepdims=True)
    var = jnp.mean((x - mu) ** 2, axis=-1, keepdims=True)
    return (x - mu) / jnp.sqrt(var + eps)


def setup_inputs(seed: int = 0) -> dict:
    key = jax.random.key(seed)
    ks = jax.random.split(key, 12)
    user_id = jax.random.randint(ks[0], (B,), 0, V_USER, dtype=jnp.int64 if jax.config.jax_enable_x64 else jnp.int32)
    item_id = jax.random.randint(ks[1], (B,), 0, V_ITEM, dtype=jnp.int32)
    item_hist = jax.random.randint(ks[2], (B, HIST), 0, V_ITEM, dtype=jnp.int32)
    category = jax.random.randint(ks[3], (B,), 0, V_CAT, dtype=jnp.int32)
    num_feat = jax.random.normal(ks[4], (B, 1), dtype=jnp.float32)
    W_user = jax.random.normal(ks[5], (V_USER, D64), dtype=jnp.float32) * 0.01
    W_item = jax.random.normal(ks[6], (V_ITEM, D64), dtype=jnp.float32) * 0.01
    W_hist = jax.random.normal(ks[7], (V_ITEM, D64), dtype=jnp.float32) * 0.01
    W_cat = jax.random.normal(ks[8], (V_CAT, D32), dtype=jnp.float32) * 0.01
    W_num = jax.random.normal(ks[9], (1, D32), dtype=jnp.float32) * 0.1
    b_num = jax.random.normal(ks[10], (D32,), dtype=jnp.float32) * 0.01
    return {
        "user_id": user_id, "item_id": item_id, "item_hist": item_hist,
        "category": category, "num_feat": num_feat,
        "W_user": W_user, "W_item": W_item, "W_hist": W_hist,
        "W_cat": W_cat, "W_num": W_num, "b_num": b_num,
    }


def reference(user_id, item_id, item_hist, category, num_feat,
              W_user, W_item, W_hist, W_cat, W_num, b_num):
    # categorical: table gather; sequence feature mean-pooled over dim 1;
    # numerical: Linear(1 -> embed_size). Per-feature LayerNorm (no affine).
    e_user = jnp.take(W_user, user_id, axis=0)
    e_item = jnp.take(W_item, item_id, axis=0)
    e_hist = jnp.mean(jnp.take(W_hist, item_hist, axis=0), axis=1)
    e_cat = jnp.take(W_cat, category, axis=0)
    e_num = num_feat @ W_num + b_num
    embs = [e_user, e_item, e_hist, e_cat, e_num]
    v_embed = jnp.concatenate(embs, axis=-1)
    v_embed_ln = jnp.concatenate([_layer_norm(e) for e in embs], axis=-1)
    return (v_embed, v_embed_ln)

if __name__ == "__main__":
    import jax
    _d = setup_inputs()
    print(jax.jit(kernel)(*tuple(_d.values())))

</pallas_src>

<mosaic_0001>
#map = affine_map<(d0, d1) -> (0)>
#map1 = affine_map<(d0, d1) -> (0, 0)>
module attributes {stable_mosaic.version = 14 : i64} {
  func.func @_sc_rows_body(%arg0: i32, %arg1: i32, %arg2: memref<4096xi32, #tpu.memory_space<hbm>>, %arg3: memref<4096xi32, #tpu.memory_space<hbm>>, %arg4: memref<4096xi32, #tpu.memory_space<hbm>>, %arg5: memref<100000x64xf32, #tpu.memory_space<hbm>>, %arg6: memref<100000x64xf32, #tpu.memory_space<hbm>>, %arg7: memref<1000x32xf32, #tpu.memory_space<hbm>>, %arg8: memref<4096x64xf32, #tpu.memory_space<hbm>>, %arg9: memref<4096x64xf32, #tpu.memory_space<hbm>>, %arg10: memref<4096x32xf32, #tpu.memory_space<hbm>>, %arg11: memref<128xi32, #tpu.memory_space<vmem>>, %arg12: memref<128x64xf32, #tpu.memory_space<vmem>>, %arg13: memref<128x32xf32, #tpu.memory_space<vmem>>, %arg14: memref<!tpu.dma_semaphore, #tpu.memory_space<semaphore_mem>>) attributes {dimension_semantics = [#tpu.dimension_semantics<core_parallel>, #tpu.dimension_semantics<subcore_parallel>], iteration_bounds = array<i64: 2, 16>, scalar_prefetch = 0 : i64, scratch_operands = 4 : i64, tpu.core_type = #tpu.core_type<sc_vector_subcore>, window_params = [{transform_indices = #map}, {transform_indices = #map}, {transform_indices = #map}, {transform_indices = #map1}, {transform_indices = #map1}, {transform_indices = #map1}, {transform_indices = #map1}, {transform_indices = #map1}, {transform_indices = #map1}]} {
    %mul3A = arith.constant 2 : i32
    %mul3A_0 = arith.muli %arg1, %mul3A : i32
    %add3A = arith.addi %mul3A_0, %arg0 : i32
    %mul3A_1 = arith.constant 128 : i32
    %mul3A_2 = arith.muli %add3A, %mul3A_1 : i32
    "tpu.region"() ({
      %run_scoped3A = tpu.sem_alloc : memref<!tpu.dma_semaphore, #tpu.memory_space<semaphore_mem>>
      %dma_start3A = tpu.memref_slice %arg2[%mul3A_2] : memref<4096xi32, #tpu.memory_space<hbm>> -> memref<128xi32, #tpu.memory_space<hbm>>
      %dma_start3A_34 = tpu.memref_slice %arg2[%mul3A_2] : memref<4096xi32, #tpu.memory_space<hbm>> -> memref<128xi32, #tpu.memory_space<hbm>>
      tpu.enqueue_dma source(%dma_start3A_34 : memref<128xi32, #tpu.memory_space<hbm>>) target(%arg11 : memref<128xi32, #tpu.memory_space<vmem>>) target_semaphore(%run_scoped3A : memref<!tpu.dma_semaphore, #tpu.memory_space<semaphore_mem>>)
      %dma_wait3A_35 = tpu.memref_slice %arg2[%mul3A_2] : memref<4096xi32, #tpu.memory_space<hbm>> -> memref<128xi32, #tpu.memory_space<hbm>>
      %dma_wait3A_36 = tpu.memref_slice %arg2[%mul3A_2] : memref<4096xi32, #tpu.memory_space<hbm>> -> memref<128xi32, #tpu.memory_space<hbm>>
      tpu.wait_dma2 semaphore(%run_scoped3A : memref<!tpu.dma_semaphore, #tpu.memory_space<semaphore_mem>>) src(%dma_wait3A_36 : memref<128xi32, #tpu.memory_space<hbm>>) dst(%arg11 : memref<128xi32, #tpu.memory_space<vmem>>)
      tpu.yield
    }) : () -> ()
    %scan3A = arith.constant 0 : i32
    %scan3A_3 = arith.constant 8 : i32
    %scan3A_4 = arith.addi %scan3A, %scan3A_3 : i32
    %scan3A_5 = arith.constant 1 : i32
    scf.for %scan3A_34 = %scan3A to %scan3A_4 step %scan3A_5  : i32 {
      %mul3A_35 = arith.constant 1 : i32
      %mul3A_36 = arith.muli %scan3A_34, %mul3A_35 : i32
      %add3A_37 = arith.constant 0 : i32
      %add3A_38 = arith.addi %add3A_37, %mul3A_36 : i32
      %mul3A_39 = arith.constant 16 : i32
      %mul3A_40 = arith.muli %add3A_38, %mul3A_39 : i32
      %get3A = arith.index_cast %mul3A_40 : i32 to index
      %get3A_41 = tpu.vector_load %arg11[%get3A] {strides = array<i32>} : memref<128xi32, #tpu.memory_space<vmem>>, vector<16xi32>,
      %get3A_42 = vector.shape_cast %get3A_41 : vector<16xi32> to vector<16xi32>
      %slice3A = vector.extract_strided_slice %get3A_42 {offsets = [0], sizes = [1], strides = [1]} : vector<16xi32> to vector<1xi32>
      %squeeze3A = vector.extract %slice3A[0] : i32 from vector<1xi32>
      %mul3A_43 = arith.constant 16 : i32
      %mul3A_44 = arith.muli %add3A_38, %mul3A_43 : i32
      %add3A_45 = arith.constant 0 : i32
      %add3A_46 = arith.addi %mul3A_44, %add3A_45 : i32
      %dma_start3A = arith.constant 0 : i32
      %dma_start3A_47 = tpu.memref_slice %arg12[%add3A_46, %dma_start3A] : memref<128x64xf32, #tpu.memory_space<vmem>> -> memref<1x64xf32, #tpu.memory_space<vmem>>
      %dma_start3A_48 = arith.constant 0 : i32
      %dma_start3A_49 = tpu.memref_slice %arg5[%squeeze3A, %dma_start3A_48] : memref<100000x64xf32, #tpu.memory_space<hbm>> -> memref<1x64xf32, #tpu.memory_space<hbm>>
      %dma_start3A_50 = arith.constant 0 : i32
      %dma_start3A_51 = tpu.memref_slice %arg12[%add3A_46, %dma_start3A_50] : memref<128x64xf32, #tpu.memory_space<vmem>> -> memref<1x64xf32, #tpu.memory_space<vmem>>
      %dma_start3A_52 = arith.constant 0 : i32
      %dma_start3A_53 = tpu.memref_slice %arg5[%squeeze3A, %dma_start3A_52] : memref<100000x64xf32, #tpu.memory_space<hbm>> -> memref<1x64xf32, #tpu.memory_space<hbm>>
      tpu.enqueue_dma source(%dma_start3A_53 : memref<1x64xf32, #tpu.memory_space<hbm>>) target(%dma_start3A_51 : memref<1x64xf32, #tpu.memory_space<vmem>>) target_semaphore(%arg14 : memref<!tpu.dma_semaphore, #tpu.memory_space<semaphore_mem>>)
      %slice3A_54 = vector.extract_strided_slice %get3A_42 {offsets = [1], sizes = [1], strides = [1]} : vector<16xi32> to vector<1xi32>
      %squeeze3A_55 = vector.extract %slice3A_54[0] : i32 from vector<1xi32>
      %mul3A_56 = arith.constant 16 : i32
      %mul3A_57 = arith.muli %add3A_38, %mul3A_56 : i32
      %add3A_58 = arith.constant 1 : i32
      %add3A_59 = arith.addi %mul3A_57, %add3A_58 : i32
      %dma_start3A_60 = arith.constant 0 : i32
      %dma_start3A_61 = tpu.memref_slice %arg12[%add3A_59, %dma_start3A_60] : memref<128x64xf32, #tpu.memory_space<vmem>> -> memref<1x64xf32, #tpu.memory_space<vmem>>
      %dma_start3A_62 = arith.constant 0 : i32
      %dma_start3A_63 = tpu.memref_slice %arg5[%squeeze3A_55, %dma_start3A_62] : memref<100000x64xf32, #tpu.memory_space<hbm>> -> memref<1x64xf32, #tpu.memory_space<hbm>>
      %dma_start3A_64 = arith.constant 0 : i32
      %dma_start3A_65 = tpu.memref_slice %arg12[%add3A_59, %dma_start3A_64] : memref<128x64xf32, #tpu.memory_space<vmem>> -> memref<1x64xf32, #tpu.memory_space<vmem>>
      %dma_start3A_66 = arith.constant 0 : i32
      %dma_start3A_67 = tpu.memref_slice %arg5[%squeeze3A_55, %dma_start3A_66] : memref<100000x64xf32, #tpu.memory_space<hbm>> -> memref<1x64xf32, #tpu.memory_space<hbm>>
      tpu.enqueue_dma source(%dma_start3A_67 : memref<1x64xf32, #tpu.memory_space<hbm>>) target(%dma_start3A_65 : memref<1x64xf32, #tpu.memory_space<vmem>>) target_semaphore(%arg14 : memref<!tpu.dma_semaphore, #tpu.memory_space<semaphore_mem>>)
      %slice3A_68 = vector.extract_strided_slice %get3A_42 {offsets = [2], sizes = [1], strides = [1]} : vector<16xi32> to vector<1xi32>
      %squeeze3A_69 = vector.extract %slice3A_68[0] : i32 from vector<1xi32>
      %mul3A_70 = arith.constant 16 : i32
      %mul3A_71 = arith.muli %add3A_38, %mul3A_70 : i32
      %add3A_72 = arith.constant 2 : i32
      %add3A_73 = arith.addi %mul3A_71, %add3A_72 : i32
      %dma_start3A_74 = arith.constant 0 : i32
      %dma_start3A_75 = tpu.memref_slice %arg12[%add3A_73, %dma_start3A_74] : memref<128x64xf32, #tpu.memory_space<vmem>> -> memref<1x64xf32, #tpu.memory_space<vmem>>
      %dma_start3A_76 = arith.constant 0 : i32
      %dma_start3A_77 = tpu.memref_slice %arg5[%squeeze3A_69, %dma_start3A_76] : memref<100000x64xf32, #tpu.memory_space<hbm>> -> memref<1x64xf32, #tpu.memory_space<hbm>>
      %dma_start3A_78 = arith.constant 0 : i32
      %dma_start3A_79 = tpu.memref_slice %arg12[%add3A_73, %dma_start3A_78] : memref<128x64xf32, #tpu.memory_space<vmem>> -> memref<1x64xf32, #tpu.memory_space<vmem>>
      %dma_start3A_80 = arith.constant 0 : i32
      %dma_start3A_81 = tpu.memref_slice %arg5[%squeeze3A_69, %dma_start3A_80] : memref<100000x64xf32, #tpu.memory_space<hbm>> -> memref<1x64xf32, #tpu.memory_space<hbm>>
      tpu.enqueue_dma source(%dma_start3A_81 : memref<1x64xf32, #tpu.memory_space<hbm>>) target(%dma_start3A_79 : memref<1x64xf32, #tpu.memory_space<vmem>>) target_semaphore(%arg14 : memref<!tpu.dma_semaphore, #tpu.memory_space<semaphore_mem>>)
      %slice3A_82 = vector.extract_strided_slice %get3A_42 {offsets = [3], sizes = [1], strides = [1]} : vector<16xi32> to vector<1xi32>
      %squeeze3A_83 = vector.extract %slice3A_82[0] : i32 from vector<1xi32>
      %mul3A_84 = arith.constant 16 : i32
      %mul3A_85 = arith.muli %add3A_38, %mul3A_84 : i32
      %add3A_86 = arith.constant 3 : i32
      %add3A_87 = arith.addi %mul3A_85, %add3A_86 : i32
      %dma_start3A_88 = arith.constant 0 : i32
      %dma_start3A_89 = tpu.memref_slice %arg12[%add3A_87, %dma_start3A_88] : memref<128x64xf32, #tpu.memory_space<vmem>> -> memref<1x64xf32, #tpu.memory_space<vmem>>
      %dma_start3A_90 = arith.constant 0 : i32
      %dma_start3A_91 = tpu.memref_slice %arg5[%squeeze3A_83, %dma_start3A_90] : memref<100000x64xf32, #tpu.memory_space<hbm>> -> memref<1x64xf32, #tpu.memory_space<hbm>>
      %dma_start3A_92 = arith.constant 0 : i32
      %dma_start3A_93 = tpu.memref_slice %arg12[%add3A_87, %dma_start3A_92] : memref<128x64xf32, #tpu.memory_space<vmem>> -> memref<1x64xf32, #tpu.memory_space<vmem>>
      %dma_start3A_94 = arith.constant 0 : i32
      %dma_start3A_95 = tpu.memref_slice %arg5[%squeeze3A_83, %dma_start3A_94] : memref<100000x64xf32, #tpu.memory_space<hbm>> -> memref<1x64xf32, #tpu.memory_space<hbm>>
      tpu.enqueue_dma source(%dma_start3A_95 : memref<1x64xf32, #tpu.memory_space<hbm>>) target(%dma_start3A_93 : memref<1x64xf32, #tpu.memory_space<vmem>>) target_semaphore(%arg14 : memref<!tpu.dma_semaphore, #tpu.memory_space<semaphore_mem>>)
      %slice3A_96 = vector.extract_strided_slice %get3A_42 {offsets = [4], sizes = [1], strides = [1]} : vector<16xi32> to vector<1xi32>
      %squeeze3A_97 = vector.extract %slice3A_96[0] : i32 from vector<1xi32>
      %mul3A_98 = arith.constant 16 : i32
      %mul3A_99 = arith.muli %add3A_38, %mul3A_98 : i32
      %add3A_100 = arith.constant 4 : i32
      %add3A_101 = arith.addi %mul3A_99, %add3A_100 : i32
      %dma_start3A_102 = arith.constant 0 : i32
      %dma_start3A_103 = tpu.memref_slice %arg12[%add3A_101, %dma_start3A_102] : memref<128x64xf32, #tpu.memory_space<vmem>> -> memref<1x64xf32, #tpu.memory_space<vmem>>
      %dma_start3A_104 = arith.constant 0 : i32
      %dma_start3A_105 = tpu.memref_slice %arg5[%squeeze3A_97, %dma_start3A_104] : memref<100000x64xf32, #tpu.memory_space<hbm>> -> memref<1x64xf32, #tpu.memory_space<hbm>>
      %dma_start3A_106 = arith.constant 0 : i32
      %dma_start3A_107 = tpu.memref_slice %arg12[%add3A_101, %dma_start3A_106] : memref<128x64xf32, #tpu.memory_space<vmem>> -> memref<1x64xf32, #tpu.memory_space<vmem>>
      %dma_start3A_108 = arith.constant 0 : i32
      %dma_start3A_109 = tpu.memref_slice %arg5[%squeeze3A_97, %dma_start3A_108] : memref<100000x64xf32, #tpu.memory_space<hbm>> -> memref<1x64xf32, #tpu.memory_space<hbm>>
      tpu.enqueue_dma source(%dma_start3A_109 : memref<1x64xf32, #tpu.memory_space<hbm>>) target(%dma_start3A_107 : memref<1x64xf32, #tpu.memory_space<vmem>>) target_semaphore(%arg14 : memref<!tpu.dma_semaphore, #tpu.memory_space<semaphore_mem>>)
      %slice3A_110 = vector.extract_strided_slice %get3A_42 {offsets = [5], sizes = [1], strides = [1]} : vector<16xi32> to vector<1xi32>
      %squeeze3A_111 = vector.extract %slice3A_110[0] : i32 from vector<1xi32>
      %mul3A_112 = arith.constant 16 : i32
      %mul3A_113 = arith.muli %add3A_38, %mul3A_112 : i32
      %add3A_114 = arith.constant 5 : i32
      %add3A_115 = arith.addi %mul3A_113, %add3A_114 : i32
      %dma_start3A_116 = arith.constant 0 : i32
      %dma_start3A_117 = tpu.memref_slice %arg12[%add3A_115, %dma_start3A_116] : memref<128x64xf32, #tpu.memory_space<vmem>> -> memref<1x64xf32, #tpu.memory_space<vmem>>
      %dma_start3A_118 = arith.constant 0 : i32
      %dma_start3A_119 = tpu.memref_slice %arg5[%squeeze3A_111, %dma_start3A_118] : memref<100000x64xf32, #tpu.memory_space<hbm>> -> memref<1x64xf32, #tpu.memory_space<hbm>>
      %dma_start3A_120 = arith.constant 0 : i32
      %dma_start3A_121 = tpu.memref_slice %arg12[%add3A_115, %dma_start3A_120] : memref<128x64xf32, #tpu.memory_space<vmem>> -> memref<1x64xf32, #tpu.memory_space<vmem>>
      %dma_start3A_122 = arith.constant 0 : i32
      %dma_start3A_123 = tpu.memref_slice %arg5[%squeeze3A_111, %dma_start3A_122] : memref<100000x64xf32, #tpu.memory_space<hbm>> -> memref<1x64xf32, #tpu.memory_space<hbm>>
      tpu.enqueue_dma source(%dma_start3A_123 : memref<1x64xf32, #tpu.memory_space<hbm>>) target(%dma_start3A_121 : memref<1x64xf32, #tpu.memory_space<vmem>>) target_semaphore(%arg14 : memref<!tpu.dma_semaphore, #tpu.memory_space<semaphore_mem>>)
      %slice3A_124 = vector.extract_strided_slice %get3A_42 {offsets = [6], sizes = [1], strides = [1]} : vector<16xi32> to vector<1xi32>
      %squeeze3A_125 = vector.extract %slice3A_124[0] : i32 from vector<1xi32>
      %mul3A_126 = arith.constant 16 : i32
      %mul3A_127 = arith.muli %add3A_38, %mul3A_126 : i32
      %add3A_128 = arith.constant 6 : i32
      %add3A_129 = arith.addi %mul3A_127, %add3A_128 : i32
      %dma_start3A_130 = arith.constant 0 : i32
      %dma_start3A_131 = tpu.memref_slice %arg12[%add3A_129, %dma_start3A_130] : memref<128x64xf32, #tpu.memory_space<vmem>> -> memref<1x64xf32, #tpu.memory_space<vmem>>
      %dma_start3A_132 = arith.constant 0 : i32
      %dma_start3A_133 = tpu.memref_slice %arg5[%squeeze3A_125, %dma_start3A_132] : memref<100000x64xf32, #tpu.memory_space<hbm>> -> memref<1x64xf32, #tpu.memory_space<hbm>>
      %dma_start3A_134 = arith.constant 0 : i32
      %dma_start3A_135 = tpu.memref_slice %arg12[%add3A_129, %dma_start3A_134] : memref<128x64xf32, #tpu.memory_space<vmem>> -> memref<1x64xf32, #tpu.memory_space<vmem>>
      %dma_start3A_136 = arith.constant 0 : i32
      %dma_start3A_137 = tpu.memref_slice %arg5[%squeeze3A_125, %dma_start3A_136] : memref<100000x64xf32, #tpu.memory_space<hbm>> -> memref<1x64xf32, #tpu.memory_space<hbm>>
      tpu.enqueue_dma source(%dma_start3A_137 : memref<1x64xf32, #tpu.memory_space<hbm>>) target(%dma_start3A_135 : memref<1x64xf32, #tpu.memory_space<vmem>>) target_semaphore(%arg14 : memref<!tpu.dma_semaphore, #tpu.memory_space<semaphore_mem>>)
      %slice3A_138 = vector.extract_strided_slice %get3A_42 {offsets = [7], sizes = [1], strides = [1]} : vector<16xi32> to vector<1xi32>
      %squeeze3A_139 = vector.extract %slice3A_138[0] : i32 from vector<1xi32>
      %mul3A_140 = arith.constant 16 : i32
      %mul3A_141 = arith.muli %add3A_38, %mul3A_140 : i32
      %add3A_142 = arith.constant 7 : i32
      %add3A_143 = arith.addi %mul3A_141, %add3A_142 : i32
      %dma_start3A_144 = arith.constant 0 : i32
      %dma_start3A_145 = tpu.memref_slice %arg12[%add3A_143, %dma_start3A_144] : memref<128x64xf32, #tpu.memory_space<vmem>> -> memref<1x64xf32, #tpu.memory_space<vmem>>
      %dma_start3A_146 = arith.constant 0 : i32
      %dma_start3A_147 = tpu.memref_slice %arg5[%squeeze3A_139, %dma_start3A_146] : memref<100000x64xf32, #tpu.memory_space<hbm>> -> memref<1x64xf32, #tpu.memory_space<hbm>>
      %dma_start3A_148 = arith.constant 0 : i32
      %dma_start3A_149 = tpu.memref_slice %arg12[%add3A_143, %dma_start3A_148] : memref<128x64xf32, #tpu.memory_space<vmem>> -> memref<1x64xf32, #tpu.memory_space<vmem>>
      %dma_start3A_150 = arith.constant 0 : i32
      %dma_start3A_151 = tpu.memref_slice %arg5[%squeeze3A_139, %dma_start3A_150] : memref<100000x64xf32, #tpu.memory_space<hbm>> -> memref<1x64xf32, #tpu.memory_space<hbm>>
      tpu.enqueue_dma source(%dma_start3A_151 : memref<1x64xf32, #tpu.memory_space<hbm>>) target(%dma_start3A_149 : memref<1x64xf32, #tpu.memory_space<vmem>>) target_semaphore(%arg14 : memref<!tpu.dma_semaphore, #tpu.memory_space<semaphore_mem>>)
      %slice3A_152 = vector.extract_strided_slice %get3A_42 {offsets = [8], sizes = [1], strides = [1]} : vector<16xi32> to vector<1xi32>
      %squeeze3A_153 = vector.extract %slice3A_152[0] : i32 from vector<1xi32>
      %mul3A_154 = arith.constant 16 : i32
      %mul3A_155 = arith.muli %add3A_38, %mul3A_154 : i32
      %add3A_156 = arith.constant 8 : i32
      %add3A_157 = arith.addi %mul3A_155, %add3A_156 : i32
      %dma_start3A_158 = arith.constant 0 : i32
      %dma_start3A_159 = tpu.memref_slice %arg12[%add3A_157, %dma_start3A_158] : memref<128x64xf32, #tpu.memory_space<vmem>> -> memref<1x64xf32, #tpu.memory_space<vmem>>
      %dma_start3A_160 = arith.constant 0 : i32
      %dma_start3A_161 = tpu.memref_slice %arg5[%squeeze3A_153, %dma_start3A_160] : memref<100000x64xf32, #tpu.memory_space<hbm>> -> memref<1x64xf32, #tpu.memory_space<hbm>>
      %dma_start3A_162 = arith.constant 0 : i32
      %dma_start3A_163 = tpu.memref_slice %arg12[%add3A_157, %dma_start3A_162] : memref<128x64xf32, #tpu.memory_space<vmem>> -> memref<1x64xf32, #tpu.memory_space<vmem>>
      %dma_start3A_164 = arith.constant 0 : i32
      %dma_start3A_165 = tpu.memref_slice %arg5[%squeeze3A_153, %dma_start3A_164] : memref<100000x64xf32, #tpu.memory_space<hbm>> -> memref<1x64xf32, #tpu.memory_space<hbm>>
      tpu.enqueue_dma source(%dma_start3A_165 : memref<1x64xf32, #tpu.memory_space<hbm>>) target(%dma_start3A_163 : memref<1x64xf32, #tpu.memory_space<vmem>>) target_semaphore(%arg14 : memref<!tpu.dma_semaphore, #tpu.memory_space<semaphore_mem>>)
      %slice3A_166 = vector.extract_strided_slice %get3A_42 {offsets = [9], sizes = [1], strides = [1]} : vector<16xi32> to vector<1xi32>
      %squeeze3A_167 = vector.extract %slice3A_166[0] : i32 from vector<1xi32>
      %mul3A_168 = arith.constant 16 : i32
      %mul3A_169 = arith.muli %add3A_38, %mul3A_168 : i32
      %add3A_170 = arith.constant 9 : i32
      %add3A_171 = arith.addi %mul3A_169, %add3A_170 : i32
      %dma_start3A_172 = arith.constant 0 : i32
      %dma_start3A_173 = tpu.memref_slice %arg12[%add3A_171, %dma_start3A_172] : memref<128x64xf32, #tpu.memory_space<vmem>> -> memref<1x64xf32, #tpu.memory_space<vmem>>
      %dma_start3A_174 = arith.constant 0 : i32
      %dma_start3A_175 = tpu.memref_slice %arg5[%squeeze3A_167, %dma_start3A_174] : memref<100000x64xf32, #tpu.memory_space<hbm>> -> memref<1x64xf32, #tpu.memory_space<hbm>>
      %dma_start3A_176 = arith.constant 0 : i32
      %dma_start3A_177 = tpu.memref_slice %arg12[%add3A_171, %dma_start3A_176] : memref<128x64xf32, #tpu.memory_space<vmem>> -> memref<1x64xf32, #tpu.memory_space<vmem>>
      %dma_start3A_178 = arith.constant 0 : i32
      %dma_start3A_179 = tpu.memref_slice %arg5[%squeeze3A_167, %dma_start3A_178] : memref<100000x64xf32, #tpu.memory_space<hbm>> -> memref<1x64xf32, #tpu.memory_space<hbm>>
      tpu.enqueue_dma source(%dma_start3A_179 : memref<1x64xf32, #tpu.memory_space<hbm>>) target(%dma_start3A_177 : memref<1x64xf32, #tpu.memory_space<vmem>>) target_semaphore(%arg14 : memref<!tpu.dma_semaphore, #tpu.memory_space<semaphore_mem>>)
      %slice3A_180 = vector.extract_strided_slice %get3A_42 {offsets = [10], sizes = [1], strides = [1]} : vector<16xi32> to vector<1xi32>
      %squeeze3A_181 = vector.extract %slice3A_180[0] : i32 from vector<1xi32>
      %mul3A_182 = arith.constant 16 : i32
      %mul3A_183 = arith.muli %add3A_38, %mul3A_182 : i32
      %add3A_184 = arith.constant 10 : i32
      %add3A_185 = arith.addi %mul3A_183, %add3A_184 : i32
      %dma_start3A_186 = arith.constant 0 : i32
      %dma_start3A_187 = tpu.memref_slice %arg12[%add3A_185, %dma_start3A_186] : memref<128x64xf32, #tpu.memory_space<vmem>> -> memref<1x64xf32, #tpu.memory_space<vmem>>
      %dma_start3A_188 = arith.constant 0 : i32
      %dma_start3A_189 = tpu.memref_slice %arg5[%squeeze3A_181, %dma_start3A_188] : memref<100000x64xf32, #tpu.memory_space<hbm>> -> memref<1x64xf32, #tpu.memory_space<hbm>>
      %dma_start3A_190 = arith.constant 0 : i32
      %dma_start3A_191 = tpu.memref_slice %arg12[%add3A_185, %dma_start3A_190] : memref<128x64xf32, #tpu.memory_space<vmem>> -> memref<1x64xf32, #tpu.memory_space<vmem>>
      %dma_start3A_192 = arith.constant 0 : i32
      %dma_start3A_193 = tpu.memref_slice %arg5[%squeeze3A_181, %dma_start3A_192] : memref<100000x64xf32, #tpu.memory_space<hbm>> -> memref<1x64xf32, #tpu.memory_space<hbm>>
      tpu.enqueue_dma source(%dma_start3A_193 : memref<1x64xf32, #tpu.memory_space<hbm>>) target(%dma_start3A_191 : memref<1x64xf32, #tpu.memory_space<vmem>>) target_semaphore(%arg14 : memref<!tpu.dma_semaphore, #tpu.memory_space<semaphore_mem>>)
      %slice3A_194 = vector.extract_strided_slice %get3A_42 {offsets = [11], sizes = [1], strides = [1]} : vector<16xi32> to vector<1xi32>
      %squeeze3A_195 = vector.extract %slice3A_194[0] : i32 from vector<1xi32>
      %mul3A_196 = arith.constant 16 : i32
      %mul3A_197 = arith.muli %add3A_38, %mul3A_196 : i32
      %add3A_198 = arith.constant 11 : i32
      %add3A_199 = arith.addi %mul3A_197, %add3A_198 : i32
      %dma_start3A_200 = arith.constant 0 : i32
      %dma_start3A_201 = tpu.memref_slice %arg12[%add3A_199, %dma_start3A_200] : memref<128x64xf32, #tpu.memory_space<vmem>> -> memref<1x64xf32, #tpu.memory_space<vmem>>
      %dma_start3A_202 = arith.constant 0 : i32
      %dma_start3A_203 = tpu.memref_slice %arg5[%squeeze3A_195, %dma_start3A_202] : memref<100000x64xf32, #tpu.memory_space<hbm>> -> memref<1x64xf32, #tpu.memory_space<hbm>>
      %dma_start3A_204 = arith.constant 0 : i32
      %dma_start3A_205 = tpu.memref_slice %arg12[%add3A_199, %dma_start3A_204] : memref<128x64xf32, #tpu.memory_space<vmem>> -> memref<1x64xf32, #tpu.memory_space<vmem>>
      %dma_start3A_206 = arith.constant 0 : i32
      %dma_start3A_207 = tpu.memref_slice %arg5[%squeeze3A_195, %dma_start3A_206] : memref<100000x64xf32, #tpu.memory_space<hbm>> -> memref<1x64xf32, #tpu.memory_space<hbm>>
      tpu.enqueue_dma source(%dma_start3A_207 : memref<1x64xf32, #tpu.memory_space<hbm>>) target(%dma_start3A_205 : memref<1x64xf32, #tpu.memory_space<vmem>>) target_semaphore(%arg14 : memref<!tpu.dma_semaphore, #tpu.memory_space<semaphore_mem>>)
      %slice3A_208 = vector.extract_strided_slice %get3A_42 {offsets = [12], sizes = [1], strides = [1]} : vector<16xi32> to vector<1xi32>
      %squeeze3A_209 = vector.extract %slice3A_208[0] : i32 from vector<1xi32>
      %mul3A_210 = arith.constant 16 : i32
      %mul3A_211 = arith.muli %add3A_38, %mul3A_210 : i32
      %add3A_212 = arith.constant 12 : i32
      %add3A_213 = arith.addi %mul3A_211, %add3A_212 : i32
      %dma_start3A_214 = arith.constant 0 : i32
      %dma_start3A_215 = tpu.memref_slice %arg12[%add3A_213, %dma_start3A_214] : memref<128x64xf32, #tpu.memory_space<vmem>> -> memref<1x64xf32, #tpu.memory_space<vmem>>
      %dma_start3A_216 = arith.constant 0 : i32
      %dma_start3A_217 = tpu.memref_slice %arg5[%squeeze3A_209, %dma_start3A_216] : memref<100000x64xf32, #tpu.memory_space<hbm>> -> memref<1x64xf32, #tpu.memory_space<hbm>>
      %dma_start3A_218 = arith.constant 0 : i32
      %dma_start3A_219 = tpu.memref_slice %arg12[%add3A_213, %dma_start3A_218] : memref<128x64xf32, #tpu.memory_space<vmem>> -> memref<1x64xf32, #tpu.memory_space<vmem>>
      %dma_start3A_220 = arith.constant 0 : i32
      %dma_start3A_221 = tpu.memref_slice %arg5[%squeeze3A_209, %dma_start3A_220] : memref<100000x64xf32, #tpu.memory_space<hbm>> -> memref<1x64xf32, #tpu.memory_space<hbm>>
      tpu.enqueue_dma source(%dma_start3A_221 : memref<1x64xf32, #tpu.memory_space<hbm>>) target(%dma_start3A_219 : memref<1x64xf32, #tpu.memory_space<vmem>>) target_semaphore(%arg14 : memref<!tpu.dma_semaphore, #tpu.memory_space<semaphore_mem>>)
      %slice3A_222 = vector.extract_strided_slice %get3A_42 {offsets = [13], sizes = [1], strides = [1]} : vector<16xi32> to vector<1xi32>
      %squeeze3A_223 = vector.extract %slice3A_222[0] : i32 from vector<1xi32>
      %mul3A_224 = arith.constant 16 : i32
      %mul3A_225 = arith.muli %add3A_38, %mul3A_224 : i32
      %add3A_226 = arith.constant 13 : i32
      %add3A_227 = arith.addi %mul3A_225, %add3A_226 : i32
      %dma_start3A_228 = arith.constant 0 : i32
      %dma_start3A_229 = tpu.memref_slice %arg12[%add3A_227, %dma_start3A_228] : memref<128x64xf32, #tpu.memory_space<vmem>> -> memref<1x64xf32, #tpu.memory_space<vmem>>
      %dma_start3A_230 = arith.constant 0 : i32
      %dma_start3A_231 = tpu.memref_slice %arg5[%squeeze3A_223, %dma_start3A_230] : memref<100000x64xf32, #tpu.memory_space<hbm>> -> memref<1x64xf32, #tpu.memory_space<hbm>>
      %dma_start3A_232 = arith.constant 0 : i32
      %dma_start3A_233 = tpu.memref_slice %arg12[%add3A_227, %dma_start3A_232] : memref<128x64xf32, #tpu.memory_space<vmem>> -> memref<1x64xf32, #tpu.memory_space<vmem>>
      %dma_start3A_234 = arith.constant 0 : i32
      %dma_start3A_235 = tpu.memref_slice %arg5[%squeeze3A_223, %dma_start3A_234] : memref<100000x64xf32, #tpu.memory_space<hbm>> -> memref<1x64xf32, #tpu.memory_space<hbm>>
      tpu.enqueue_dma source(%dma_start3A_235 : memref<1x64xf32, #tpu.memory_space<hbm>>) target(%dma_start3A_233 : memref<1x64xf32, #tpu.memory_space<vmem>>) target_semaphore(%arg14 : memref<!tpu.dma_semaphore, #tpu.memory_space<semaphore_mem>>)
      %slice3A_236 = vector.extract_strided_slice %get3A_42 {offsets = [14], sizes = [1], strides = [1]} : vector<16xi32> to vector<1xi32>
      %squeeze3A_237 = vector.extract %slice3A_236[0] : i32 from vector<1xi32>
      %mul3A_238 = arith.constant 16 : i32
      %mul3A_239 = arith.muli %add3A_38, %mul3A_238 : i32
      %add3A_240 = arith.constant 14 : i32
      %add3A_241 = arith.addi %mul3A_239, %add3A_240 : i32
      %dma_start3A_242 = arith.constant 0 : i32
      %dma_start3A_243 = tpu.memref_slice %arg12[%add3A_241, %dma_start3A_242] : memref<128x64xf32, #tpu.memory_space<vmem>> -> memref<1x64xf32, #tpu.memory_space<vmem>>
      %dma_start3A_244 = arith.constant 0 : i32
      %dma_start3A_245 = tpu.memref_slice %arg5[%squeeze3A_237, %dma_start3A_244] : memref<100000x64xf32, #tpu.memory_space<hbm>> -> memref<1x64xf32, #tpu.memory_space<hbm>>
      %dma_start3A_246 = arith.constant 0 : i32
      %dma_start3A_247 = tpu.memref_slice %arg12[%add3A_241, %dma_start3A_246] : memref<128x64xf32, #tpu.memory_space<vmem>> -> memref<1x64xf32, #tpu.memory_space<vmem>>
      %dma_start3A_248 = arith.constant 0 : i32
      %dma_start3A_249 = tpu.memref_slice %arg5[%squeeze3A_237, %dma_start3A_248] : memref<100000x64xf32, #tpu.memory_space<hbm>> -> memref<1x64xf32, #tpu.memory_space<hbm>>
      tpu.enqueue_dma source(%dma_start3A_249 : memref<1x64xf32, #tpu.memory_space<hbm>>) target(%dma_start3A_247 : memref<1x64xf32, #tpu.memory_space<vmem>>) target_semaphore(%arg14 : memref<!tpu.dma_semaphore, #tpu.memory_space<semaphore_mem>>)
      %slice3A_250 = vector.extract_strided_slice %get3A_42 {offsets = [15], sizes = [1], strides = [1]} : vector<16xi32> to vector<1xi32>
      %squeeze3A_251 = vector.extract %slice3A_250[0] : i32 from vector<1xi32>
      %mul3A_252 = arith.constant 16 : i32
      %mul3A_253 = arith.muli %add3A_38, %mul3A_252 : i32
      %add3A_254 = arith.constant 15 : i32
      %add3A_255 = arith.addi %mul3A_253, %add3A_254 : i32
      %dma_start3A_256 = arith.constant 0 : i32
      %dma_start3A_257 = tpu.memref_slice %arg12[%add3A_255, %dma_start3A_256] : memref<128x64xf32, #tpu.memory_space<vmem>> -> memref<1x64xf32, #tpu.memory_space<vmem>>
      %dma_start3A_258 = arith.constant 0 : i32
      %dma_start3A_259 = tpu.memref_slice %arg5[%squeeze3A_251, %dma_start3A_258] : memref<100000x64xf32, #tpu.memory_space<hbm>> -> memref<1x64xf32, #tpu.memory_space<hbm>>
      %dma_start3A_260 = arith.constant 0 : i32
      %dma_start3A_261 = tpu.memref_slice %arg12[%add3A_255, %dma_start3A_260] : memref<128x64xf32, #tpu.memory_space<vmem>> -> memref<1x64xf32, #tpu.memory_space<vmem>>
      %dma_start3A_262 = arith.constant 0 : i32
      %dma_start3A_263 = tpu.memref_slice %arg5[%squeeze3A_251, %dma_start3A_262] : memref<100000x64xf32, #tpu.memory_space<hbm>> -> memref<1x64xf32, #tpu.memory_space<hbm>>
      tpu.enqueue_dma source(%dma_start3A_263 : memref<1x64xf32, #tpu.memory_space<hbm>>) target(%dma_start3A_261 : memref<1x64xf32, #tpu.memory_space<vmem>>) target_semaphore(%arg14 : memref<!tpu.dma_semaphore, #tpu.memory_space<semaphore_mem>>)
    }
    %scan3A_6 = arith.constant 8 : i32
    %dma_wait3A = arith.constant 0 : i32
    %dma_wait3A_7 = arith.constant 0 : i32
    %dma_wait3A_8 = tpu.memref_slice %arg5[%dma_wait3A, %dma_wait3A_7] : memref<100000x64xf32, #tpu.memory_space<hbm>> -> memref<128x64xf32, #tpu.memory_space<hbm>>
    %dma_wait3A_9 = arith.constant 0 : i32
    %dma_wait3A_10 = arith.constant 0 : i32
    %dma_wait3A_11 = tpu.memref_slice %arg5[%dma_wait3A_9, %dma_wait3A_10] : memref<100000x64xf32, #tpu.memory_space<hbm>> -> memref<128x64xf32, #tpu.memory_space<hbm>>
    tpu.wait_dma2 semaphore(%arg14 : memref<!tpu.dma_semaphore, #tpu.memory_space<semaphore_mem>>) src(%dma_wait3A_11 : memref<128x64xf32, #tpu.memory_space<hbm>>) dst(%arg12 : memref<128x64xf32, #tpu.memory_space<vmem>>)
    "tpu.region"() ({
      %run_scoped3A = tpu.sem_alloc : memref<!tpu.dma_semaphore, #tpu.memory_space<semaphore_mem>>
      %dma_start3A = arith.constant 0 : i32
      %dma_start3A_34 = tpu.memref_slice %arg8[%mul3A_2, %dma_start3A] : memref<4096x64xf32, #tpu.memory_space<hbm>> -> memref<128x64xf32, #tpu.memory_space<hbm>>
      %dma_start3A_35 = arith.constant 0 : i32
      %dma_start3A_36 = tpu.memref_slice %arg8[%mul3A_2, %dma_start3A_35] : memref<4096x64xf32, #tpu.memory_space<hbm>> -> memref<128x64xf32, #tpu.memory_space<hbm>>
      tpu.enqueue_dma source(%arg12 : memref<128x64xf32, #tpu.memory_space<vmem>>) target(%dma_start3A_36 : memref<128x64xf32, #tpu.memory_space<hbm>>) target_semaphore(%run_scoped3A : memref<!tpu.dma_semaphore, #tpu.memory_space<semaphore_mem>>)
      %dma_wait3A_37 = arith.constant 0 : i32
      %dma_wait3A_38 = tpu.memref_slice %arg8[%mul3A_2, %dma_wait3A_37] : memref<4096x64xf32, #tpu.memory_space<hbm>> -> memref<128x64xf32, #tpu.memory_space<hbm>>
      %dma_wait3A_39 = arith.constant 0 : i32
      %dma_wait3A_40 = tpu.memref_slice %arg8[%mul3A_2, %dma_wait3A_39] : memref<4096x64xf32, #tpu.memory_space<hbm>> -> memref<128x64xf32, #tpu.memory_space<hbm>>
      tpu.wait_dma2 semaphore(%run_scoped3A : memref<!tpu.dma_semaphore, #tpu.memory_space<semaphore_mem>>) src(%arg12 : memref<128x64xf32, #tpu.memory_space<vmem>>) dst(%dma_wait3A_40 : memref<128x64xf32, #tpu.memory_space<hbm>>)
      tpu.yield
    }) : () -> ()
    "tpu.region"() ({
      %run_scoped3A = tpu.sem_alloc : memref<!tpu.dma_semaphore, #tpu.memory_space<semaphore_mem>>
      %dma_start3A = tpu.memref_slice %arg3[%mul3A_2] : memref<4096xi32, #tpu.memory_space<hbm>> -> memref<128xi32, #tpu.memory_space<hbm>>
      %dma_start3A_34 = tpu.memref_slice %arg3[%mul3A_2] : memref<4096xi32, #tpu.memory_space<hbm>> -> memref<128xi32, #tpu.memory_space<hbm>>
      tpu.enqueue_dma source(%dma_start3A_34 : memref<128xi32, #tpu.memory_space<hbm>>) target(%arg11 : memref<128xi32, #tpu.memory_space<vmem>>) target_semaphore(%run_scoped3A : memref<!tpu.dma_semaphore, #tpu.memory_space<semaphore_mem>>)
      %dma_wait3A_35 = tpu.memref_slice %arg3[%mul3A_2] : memref<4096xi32, #tpu.memory_space<hbm>> -> memref<128xi32, #tpu.memory_space<hbm>>
      %dma_wait3A_36 = tpu.memref_slice %arg3[%mul3A_2] : memref<4096xi32, #tpu.memory_space<hbm>> -> memref<128xi32, #tpu.memory_space<hbm>>
      tpu.wait_dma2 semaphore(%run_scoped3A : memref<!tpu.dma_semaphore, #tpu.memory_space<semaphore_mem>>) src(%dma_wait3A_36 : memref<128xi32, #tpu.memory_space<hbm>>) dst(%arg11 : memref<128xi32, #tpu.memory_space<vmem>>)
      tpu.yield
    }) : () -> ()
    %scan3A_12 = arith.constant 0 : i32
    %scan3A_13 = arith.constant 8 : i32
    %scan3A_14 = arith.addi %scan3A_12, %scan3A_13 : i32
    %scan3A_15 = arith.constant 1 : i32
    scf.for %scan3A_34 = %scan3A_12 to %scan3A_14 step %scan3A_15  : i32 {
      %mul3A_35 = arith.constant 1 : i32
      %mul3A_36 = arith.muli %scan3A_34, %mul3A_35 : i32
      %add3A_37 = arith.constant 0 : i32
      %add3A_38 = arith.addi %add3A_37, %mul3A_36 : i32
      %mul3A_39 = arith.constant 16 : i32
      %mul3A_40 = arith.muli %add3A_38, %mul3A_39 : i32
      %get3A = arith.index_cast %mul3A_40 : i32 to index
      %get3A_41 = tpu.vector_load %arg11[%get3A] {strides = array<i32>} : memref<128xi32, #tpu.memory_space<vmem>>, vector<16xi32>,
      %get3A_42 = vector.shape_cast %get3A_41 : vector<16xi32> to vector<16xi32>
      %slice3A = vector.extract_strided_slice %get3A_42 {offsets = [0], sizes = [1], strides = [1]} : vector<16xi32> to vector<1xi32>
      %squeeze3A = vector.extract %slice3A[0] : i32 from vector<1xi32>
      %mul3A_43 = arith.constant 16 : i32
      %mul3A_44 = arith.muli %add3A_38, %mul3A_43 : i32
      %add3A_45 = arith.constant 0 : i32
      %add3A_46 = arith.addi %mul3A_44, %add3A_45 : i32
      %dma_start3A = arith.constant 0 : i32
      %dma_start3A_47 = tpu.memref_slice %arg12[%add3A_46, %dma_start3A] : memref<128x64xf32, #tpu.memory_space<vmem>> -> memref<1x64xf32, #tpu.memory_space<vmem>>
      %dma_start3A_48 = arith.constant 0 : i32
      %dma_start3A_49 = tpu.memref_slice %arg6[%squeeze3A, %dma_start3A_48] : memref<100000x64xf32, #tpu.memory_space<hbm>> -> memref<1x64xf32, #tpu.memory_space<hbm>>
      %dma_start3A_50 = arith.constant 0 : i32
      %dma_start3A_51 = tpu.memref_slice %arg12[%add3A_46, %dma_start3A_50] : memref<128x64xf32, #tpu.memory_space<vmem>> -> memref<1x64xf32, #tpu.memory_space<vmem>>
      %dma_start3A_52 = arith.constant 0 : i32
      %dma_start3A_53 = tpu.memref_slice %arg6[%squeeze3A, %dma_start3A_52] : memref<100000x64xf32, #tpu.memory_space<hbm>> -> memref<1x64xf32, #tpu.memory_space<hbm>>
      tpu.enqueue_dma source(%dma_start3A_53 : memref<1x64xf32, #tpu.memory_space<hbm>>) target(%dma_start3A_51 : memref<1x64xf32, #tpu.memory_space<vmem>>) target_semaphore(%arg14 : memref<!tpu.dma_semaphore, #tpu.memory_space<semaphore_mem>>)
      %slice3A_54 = vector.extract_strided_slice %get3A_42 {offsets = [1], sizes = [1], strides = [1]} : vector<16xi32> to vector<1xi32>
      %squeeze3A_55 = vector.extract %slice3A_54[0] : i32 from vector<1xi32>
      %mul3A_56 = arith.constant 16 : i32
      %mul3A_57 = arith.muli %add3A_38, %mul3A_56 : i32
      %add3A_58 = arith.constant 1 : i32
      %add3A_59 = arith.addi %mul3A_57, %add3A_58 : i32
      %dma_start3A_60 = arith.constant 0 : i32
      %dma_start3A_61 = tpu.memref_slice %arg12[%add3A_59, %dma_start3A_60] : memref<128x64xf32, #tpu.memory_space<vmem>> -> memref<1x64xf32, #tpu.memory_space<vmem>>
      %dma_start3A_62 = arith.constant 0 : i32
      %dma_start3A_63 = tpu.memref_slice %arg6[%squeeze3A_55, %dma_start3A_62] : memref<100000x64xf32, #tpu.memory_space<hbm>> -> memref<1x64xf32, #tpu.memory_space<hbm>>
      %dma_start3A_64 = arith.constant 0 : i32
      %dma_start3A_65 = tpu.memref_slice %arg12[%add3A_59, %dma_start3A_64] : memref<128x64xf32, #tpu.memory_space<vmem>> -> memref<1x64xf32, #tpu.memory_space<vmem>>
      %dma_start3A_66 = arith.constant 0 : i32
      %dma_start3A_67 = tpu.memref_slice %arg6[%squeeze3A_55, %dma_start3A_66] : memref<100000x64xf32, #tpu.memory_space<hbm>> -> memref<1x64xf32, #tpu.memory_space<hbm>>
      tpu.enqueue_dma source(%dma_start3A_67 : memref<1x64xf32, #tpu.memory_space<hbm>>) target(%dma_start3A_65 : memref<1x64xf32, #tpu.memory_space<vmem>>) target_semaphore(%arg14 : memref<!tpu.dma_semaphore, #tpu.memory_space<semaphore_mem>>)
      %slice3A_68 = vector.extract_strided_slice %get3A_42 {offsets = [2], sizes = [1], strides = [1]} : vector<16xi32> to vector<1xi32>
      %squeeze3A_69 = vector.extract %slice3A_68[0] : i32 from vector<1xi32>
      %mul3A_70 = arith.constant 16 : i32
      %mul3A_71 = arith.muli %add3A_38, %mul3A_70 : i32
      %add3A_72 = arith.constant 2 : i32
      %add3A_73 = arith.addi %mul3A_71, %add3A_72 : i32
      %dma_start3A_74 = arith.constant 0 : i32
      %dma_start3A_75 = tpu.memref_slice %arg12[%add3A_73, %dma_start3A_74] : memref<128x64xf32, #tpu.memory_space<vmem>> -> memref<1x64xf32, #tpu.memory_space<vmem>>
      %dma_start3A_76 = arith.constant 0 : i32
      %dma_start3A_77 = tpu.memref_slice %arg6[%squeeze3A_69, %dma_start3A_76] : memref<100000x64xf32, #tpu.memory_space<hbm>> -> memref<1x64xf32, #tpu.memory_space<hbm>>
      %dma_start3A_78 = arith.constant 0 : i32
      %dma_start3A_79 = tpu.memref_slice %arg12[%add3A_73, %dma_start3A_78] : memref<128x64xf32, #tpu.memory_space<vmem>> -> memref<1x64xf32, #tpu.memory_space<vmem>>
      %dma_start3A_80 = arith.constant 0 : i32
      %dma_start3A_81 = tpu.memref_slice %arg6[%squeeze3A_69, %dma_start3A_80] : memref<100000x64xf32, #tpu.memory_space<hbm>> -> memref<1x64xf32, #tpu.memory_space<hbm>>
      tpu.enqueue_dma source(%dma_start3A_81 : memref<1x64xf32, #tpu.memory_space<hbm>>) target(%dma_start3A_79 : memref<1x64xf32, #tpu.memory_space<vmem>>) target_semaphore(%arg14 : memref<!tpu.dma_semaphore, #tpu.memory_space<semaphore_mem>>)
      %slice3A_82 = vector.extract_strided_slice %get3A_42 {offsets = [3], sizes = [1], strides = [1]} : vector<16xi32> to vector<1xi32>
      %squeeze3A_83 = vector.extract %slice3A_82[0] : i32 from vector<1xi32>
      %mul3A_84 = arith.constant 16 : i32
      %mul3A_85 = arith.muli %add3A_38, %mul3A_84 : i32
      %add3A_86 = arith.constant 3 : i32
      %add3A_87 = arith.addi %mul3A_85, %add3A_86 : i32
      %dma_start3A_88 = arith.constant 0 : i32
      %dma_start3A_89 = tpu.memref_slice %arg12[%add3A_87, %dma_start3A_88] : memref<128x64xf32, #tpu.memory_space<vmem>> -> memref<1x64xf32, #tpu.memory_space<vmem>>
      %dma_start3A_90 = arith.constant 0 : i32
      %dma_start3A_91 = tpu.memref_slice %arg6[%squeeze3A_83, %dma_start3A_90] : memref<100000x64xf32, #tpu.memory_space<hbm>> -> memref<1x64xf32, #tpu.memory_space<hbm>>
      %dma_start3A_92 = arith.constant 0 : i32
      %dma_start3A_93 = tpu.memref_slice %arg12[%add3A_87, %dma_start3A_92] : memref<128x64xf32, #tpu.memory_space<vmem>> -> memref<1x64xf32, #tpu.memory_space<vmem>>
      %dma_start3A_94 = arith.constant 0 : i32
      %dma_start3A_95 = tpu.memref_slice %arg6[%squeeze3A_83, %dma_start3A_94] : memref<100000x64xf32, #tpu.memory_space<hbm>> -> memref<1x64xf32, #tpu.memory_space<hbm>>
      tpu.enqueue_dma source(%dma_start3A_95 : memref<1x64xf32, #tpu.memory_space<hbm>>) target(%dma_start3A_93 : memref<1x64xf32, #tpu.memory_space<vmem>>) target_semaphore(%arg14 : memref<!tpu.dma_semaphore, #tpu.memory_space<semaphore_mem>>)
      %slice3A_96 = vector.extract_strided_slice %get3A_42 {offsets = [4], sizes = [1], strides = [1]} : vector<16xi32> to vector<1xi32>
      %squeeze3A_97 = vector.extract %slice3A_96[0] : i32 from vector<1xi32>
      %mul3A_98 = arith.constant 16 : i32
      %mul3A_99 = arith.muli %add3A_38, %mul3A_98 : i32
      %add3A_100 = arith.constant 4 : i32
      %add3A_101 = arith.addi %mul3A_99, %add3A_100 : i32
      %dma_start3A_102 = arith.constant 0 : i32
      %dma_start3A_103 = tpu.memref_slice %arg12[%add3A_101, %dma_start3A_102] : memref<128x64xf32, #tpu.memory_space<vmem>> -> memref<1x64xf32, #tpu.memory_space<vmem>>
      %dma_start3A_104 = arith.constant 0 : i32
      %dma_start3A_105 = tpu.memref_slice %arg6[%squeeze3A_97, %dma_start3A_104] : memref<100000x64xf32, #tpu.memory_space<hbm>> -> memref<1x64xf32, #tpu.memory_space<hbm>>
      %dma_start3A_106 = arith.constant 0 : i32
      %dma_start3A_107 = tpu.memref_slice %arg12[%add3A_101, %dma_start3A_106] : memref<128x64xf32, #tpu.memory_space<vmem>> -> memref<1x64xf32, #tpu.memory_space<vmem>>
      %dma_start3A_108 = arith.constant 0 : i32
      %dma_start3A_109 = tpu.memref_slice %arg6[%squeeze3A_97, %dma_start3A_108] : memref<100000x64xf32, #tpu.memory_space<hbm>> -> memref<1x64xf32, #tpu.memory_space<hbm>>
      tpu.enqueue_dma source(%dma_start3A_109 : memref<1x64xf32, #tpu.memory_space<hbm>>) target(%dma_start3A_107 : memref<1x64xf32, #tpu.memory_space<vmem>>) target_semaphore(%arg14 : memref<!tpu.dma_semaphore, #tpu.memory_space<semaphore_mem>>)
      %slice3A_110 = vector.extract_strided_slice %get3A_42 {offsets = [5], sizes = [1], strides = [1]} : vector<16xi32> to vector<1xi32>
      %squeeze3A_111 = vector.extract %slice3A_110[0] : i32 from vector<1xi32>
      %mul3A_112 = arith.constant 16 : i32
      %mul3A_113 = arith.muli %add3A_38, %mul3A_112 : i32
      %add3A_114 = arith.constant 5 : i32
      %add3A_115 = arith.addi %mul3A_113, %add3A_114 : i32
      %dma_start3A_116 = arith.constant 0 : i32
      %dma_start3A_117 = tpu.memref_slice %arg12[%add3A_115, %dma_start3A_116] : memref<128x64xf32, #tpu.memory_space<vmem>> -> memref<1x64xf32, #tpu.memory_space<vmem>>
      %dma_start3A_118 = arith.constant 0 : i32
      %dma_start3A_119 = tpu.memref_slice %arg6[%squeeze3A_111, %dma_start3A_118] : memref<100000x64xf32, #tpu.memory_space<hbm>> -> memref<1x64xf32, #tpu.memory_space<hbm>>
      %dma_start3A_120 = arith.constant 0 : i32
      %dma_start3A_121 = tpu.memref_slice %arg12[%add3A_115, %dma_start3A_120] : memref<128x64xf32, #tpu.memory_space<vmem>> -> memref<1x64xf32, #tpu.memory_space<vmem>>
      %dma_start3A_122 = arith.constant 0 : i32
      %dma_start3A_123 = tpu.memref_slice %arg6[%squeeze3A_111, %dma_start3A_122] : memref<100000x64xf32, #tpu.memory_space<hbm>> -> memref<1x64xf32, #tpu.memory_space<hbm>>
      tpu.enqueue_dma source(%dma_start3A_123 : memref<1x64xf32, #tpu.memory_space<hbm>>) target(%dma_start3A_121 : memref<1x64xf32, #tpu.memory_space<vmem>>) target_semaphore(%arg14 : memref<!tpu.dma_semaphore, #tpu.memory_space<semaphore_mem>>)
      %slice3A_124 = vector.extract_strided_slice %get3A_42 {offsets = [6], sizes = [1], strides = [1]} : vector<16xi32> to vector<1xi32>
      %squeeze3A_125 = vector.extract %slice3A_124[0] : i32 from vector<1xi32>
      %mul3A_126 = arith.constant 16 : i32
      %mul3A_127 = arith.muli %add3A_38, %mul3A_126 : i32
      %add3A_128 = arith.constant 6 : i32
      %add3A_129 = arith.addi %mul3A_127, %add3A_128 : i32
      %dma_start3A_130 = arith.constant 0 : i32
      %dma_start3A_131 = tpu.memref_slice %arg12[%add3A_129, %dma_start3A_130] : memref<128x64xf32, #tpu.memory_space<vmem>> -> memref<1x64xf32, #tpu.memory_space<vmem>>
      %dma_start3A_132 = arith.constant 0 : i32
      %dma_start3A_133 = tpu.memref_slice %arg6[%squeeze3A_125, %dma_start3A_132] : memref<100000x64xf32, #tpu.memory_space<hbm>> -> memref<1x64xf32, #tpu.memory_space<hbm>>
      %dma_start3A_134 = arith.constant 0 : i32
      %dma_start3A_135 = tpu.memref_slice %arg12[%add3A_129, %dma_start3A_134] : memref<128x64xf32, #tpu.memory_space<vmem>> -> memref<1x64xf32, #tpu.memory_space<vmem>>
      %dma_start3A_136 = arith.constant 0 : i32
      %dma_start3A_137 = tpu.memref_slice %arg6[%squeeze3A_125, %dma_start3A_136] : memref<100000x64xf32, #tpu.memory_space<hbm>> -> memref<1x64xf32, #tpu.memory_space<hbm>>
      tpu.enqueue_dma source(%dma_start3A_137 : memref<1x64xf32, #tpu.memory_space<hbm>>) target(%dma_start3A_135 : memref<1x64xf32, #tpu.memory_space<vmem>>) target_semaphore(%arg14 : memref<!tpu.dma_semaphore, #tpu.memory_space<semaphore_mem>>)
      %slice3A_138 = vector.extract_strided_slice %get3A_42 {offsets = [7], sizes = [1], strides = [1]} : vector<16xi32> to vector<1xi32>
      %squeeze3A_139 = vector.extract %slice3A_138[0] : i32 from vector<1xi32>
      %mul3A_140 = arith.constant 16 : i32
      %mul3A_141 = arith.muli %add3A_38, %mul3A_140 : i32
      %add3A_142 = arith.constant 7 : i32
      %add3A_143 = arith.addi %mul3A_141, %add3A_142 : i32
      %dma_start3A_144 = arith.constant 0 : i32
      %dma_start3A_145 = tpu.memref_slice %arg12[%add3A_143, %dma_start3A_144] : memref<128x64xf32, #tpu.memory_space<vmem>> -> memref<1x64xf32, #tpu.memory_space<vmem>>
      %dma_start3A_146 = arith.constant 0 : i32
      %dma_start3A_147 = tpu.memref_slice %arg6[%squeeze3A_139, %dma_start3A_146] : memref<100000x64xf32, #tpu.memory_space<hbm>> -> memref<1x64xf32, #tpu.memory_space<hbm>>
      %dma_start3A_148 = arith.constant 0 : i32
      %dma_start3A_149 = tpu.memref_slice %arg12[%add3A_143, %dma_start3A_148] : memref<128x64xf32, #tpu.memory_space<vmem>> -> memref<1x64xf32, #tpu.memory_space<vmem>>
      %dma_start3A_150 = arith.constant 0 : i32
      %dma_start3A_151 = tpu.memref_slice %arg6[%squeeze3A_139, %dma_start3A_150] : memref<100000x64xf32, #tpu.memory_space<hbm>> -> memref<1x64xf32, #tpu.memory_space<hbm>>
      tpu.enqueue_dma source(%dma_start3A_151 : memref<1x64xf32, #tpu.memory_space<hbm>>) target(%dma_start3A_149 : memref<1x64xf32, #tpu.memory_space<vmem>>) target_semaphore(%arg14 : memref<!tpu.dma_semaphore, #tpu.memory_space<semaphore_mem>>)
      %slice3A_152 = vector.extract_strided_slice %get3A_42 {offsets = [8], sizes = [1], strides = [1]} : vector<16xi32> to vector<1xi32>
      %squeeze3A_153 = vector.extract %slice3A_152[0] : i32 from vector<1xi32>
      %mul3A_154 = arith.constant 16 : i32
      %mul3A_155 = arith.muli %add3A_38, %mul3A_154 : i32
      %add3A_156 = arith.constant 8 : i32
      %add3A_157 = arith.addi %mul3A_155, %add3A_156 : i32
      %dma_start3A_158 = arith.constant 0 : i32
      %dma_start3A_159 = tpu.memref_slice %arg12[%add3A_157, %dma_start3A_158] : memref<128x64xf32, #tpu.memory_space<vmem>> -> memref<1x64xf32, #tpu.memory_space<vmem>>
      %dma_start3A_160 = arith.constant 0 : i32
      %dma_start3A_161 = tpu.memref_slice %arg6[%squeeze3A_153, %dma_start3A_160] : memref<100000x64xf32, #tpu.memory_space<hbm>> -> memref<1x64xf32, #tpu.memory_space<hbm>>
      %dma_start3A_162 = arith.constant 0 : i32
      %dma_start3A_163 = tpu.memref_slice %arg12[%add3A_157, %dma_start3A_162] : memref<128x64xf32, #tpu.memory_space<vmem>> -> memref<1x64xf32, #tpu.memory_space<vmem>>
      %dma_start3A_164 = arith.constant 0 : i32
      %dma_start3A_165 = tpu.memref_slice %arg6[%squeeze3A_153, %dma_start3A_164] : memref<100000x64xf32, #tpu.memory_space<hbm>> -> memref<1x64xf32, #tpu.memory_space<hbm>>
      tpu.enqueue_dma source(%dma_start3A_165 : memref<1x64xf32, #tpu.memory_space<hbm>>) target(%dma_start3A_163 : memref<1x64xf32, #tpu.memory_space<vmem>>) target_semaphore(%arg14 : memref<!tpu.dma_semaphore, #tpu.memory_space<semaphore_mem>>)
      %slice3A_166 = vector.extract_strided_slice %get3A_42 {offsets = [9], sizes = [1], strides = [1]} : vector<16xi32> to vector<1xi32>
      %squeeze3A_167 = vector.extract %slice3A_166[0] : i32 from vector<1xi32>
      %mul3A_168 = arith.constant 16 : i32
      %mul3A_169 = arith.muli %add3A_38, %mul3A_168 : i32
      %add3A_170 = arith.constant 9 : i32
      %add3A_171 = arith.addi %mul3A_169, %add3A_170 : i32
      %dma_start3A_172 = arith.constant 0 : i32
      %dma_start3A_173 = tpu.memref_slice %arg12[%add3A_171, %dma_start3A_172] : memref<128x64xf32, #tpu.memory_space<vmem>> -> memref<1x64xf32, #tpu.memory_space<vmem>>
      %dma_start3A_174 = arith.constant 0 : i32
      %dma_start3A_175 = tpu.memref_slice %arg6[%squeeze3A_167, %dma_start3A_174] : memref<100000x64xf32, #tpu.memory_space<hbm>> -> memref<1x64xf32, #tpu.memory_space<hbm>>
      %dma_start3A_176 = arith.constant 0 : i32
      %dma_start3A_177 = tpu.memref_slice %arg12[%add3A_171, %dma_start3A_176] : memref<128x64xf32, #tpu.memory_space<vmem>> -> memref<1x64xf32, #tpu.memory_space<vmem>>
      %dma_start3A_178 = arith.constant 0 : i32
      %dma_start3A_179 = tpu.memref_slice %arg6[%squeeze3A_167, %dma_start3A_178] : memref<100000x64xf32, #tpu.memory_space<hbm>> -> memref<1x64xf32, #tpu.memory_space<hbm>>
      tpu.enqueue_dma source(%dma_start3A_179 : memref<1x64xf32, #tpu.memory_space<hbm>>) target(%dma_start3A_177 : memref<1x64xf32, #tpu.memory_space<vmem>>) target_semaphore(%arg14 : memref<!tpu.dma_semaphore, #tpu.memory_space<semaphore_mem>>)
      %slice3A_180 = vector.extract_strided_slice %get3A_42 {offsets = [10], sizes = [1], strides = [1]} : vector<16xi32> to vector<1xi32>
      %squeeze3A_181 = vector.extract %slice3A_180[0] : i32 from vector<1xi32>
      %mul3A_182 = arith.constant 16 : i32
      %mul3A_183 = arith.muli %add3A_38, %mul3A_182 : i32
      %add3A_184 = arith.constant 10 : i32
      %add3A_185 = arith.addi %mul3A_183, %add3A_184 : i32
      %dma_start3A_186 = arith.constant 0 : i32
      %dma_start3A_187 = tpu.memref_slice %arg12[%add3A_185, %dma_start3A_186] : memref<128x64xf32, #tpu.memory_space<vmem>> -> memref<1x64xf32, #tpu.memory_space<vmem>>
      %dma_start3A_188 = arith.constant 0 : i32
      %dma_start3A_189 = tpu.memref_slice %arg6[%squeeze3A_181, %dma_start3A_188] : memref<100000x64xf32, #tpu.memory_space<hbm>> -> memref<1x64xf32, #tpu.memory_space<hbm>>
      %dma_start3A_190 = arith.constant 0 : i32
      %dma_start3A_191 = tpu.memref_slice %arg12[%add3A_185, %dma_start3A_190] : memref<128x64xf32, #tpu.memory_space<vmem>> -> memref<1x64xf32, #tpu.memory_space<vmem>>
      %dma_start3A_192 = arith.constant 0 : i32
      %dma_start3A_193 = tpu.memref_slice %arg6[%squeeze3A_181, %dma_start3A_192] : memref<100000x64xf32, #tpu.memory_space<hbm>> -> memref<1x64xf32, #tpu.memory_space<hbm>>
      tpu.enqueue_dma source(%dma_start3A_193 : memref<1x64xf32, #tpu.memory_space<hbm>>) target(%dma_start3A_191 : memref<1x64xf32, #tpu.memory_space<vmem>>) target_semaphore(%arg14 : memref<!tpu.dma_semaphore, #tpu.memory_space<semaphore_mem>>)
      %slice3A_194 = vector.extract_strided_slice %get3A_42 {offsets = [11], sizes = [1], strides = [1]} : vector<16xi32> to vector<1xi32>
      %squeeze3A_195 = vector.extract %slice3A_194[0] : i32 from vector<1xi32>
      %mul3A_196 = arith.constant 16 : i32
      %mul3A_197 = arith.muli %add3A_38, %mul3A_196 : i32
      %add3A_198 = arith.constant 11 : i32
      %add3A_199 = arith.addi %mul3A_197, %add3A_198 : i32
      %dma_start3A_200 = arith.constant 0 : i32
      %dma_start3A_201 = tpu.memref_slice %arg12[%add3A_199, %dma_start3A_200] : memref<128x64xf32, #tpu.memory_space<vmem>> -> memref<1x64xf32, #tpu.memory_space<vmem>>
      %dma_start3A_202 = arith.constant 0 : i32
      %dma_start3A_203 = tpu.memref_slice %arg6[%squeeze3A_195, %dma_start3A_202] : memref<100000x64xf32, #tpu.memory_space<hbm>> -> memref<1x64xf32, #tpu.memory_space<hbm>>
      %dma_start3A_204 = arith.constant 0 : i32
      %dma_start3A_205 = tpu.memref_slice %arg12[%add3A_199, %dma_start3A_204] : memref<128x64xf32, #tpu.memory_space<vmem>> -> memref<1x64xf32, #tpu.memory_space<vmem>>
      %dma_start3A_206 = arith.constant 0 : i32
      %dma_start3A_207 = tpu.memref_slice %arg6[%squeeze3A_195, %dma_start3A_206] : memref<100000x64xf32, #tpu.memory_space<hbm>> -> memref<1x64xf32, #tpu.memory_space<hbm>>
      tpu.enqueue_dma source(%dma_start3A_207 : memref<1x64xf32, #tpu.memory_space<hbm>>) target(%dma_start3A_205 : memref<1x64xf32, #tpu.memory_space<vmem>>) target_semaphore(%arg14 : memref<!tpu.dma_semaphore, #tpu.memory_space<semaphore_mem>>)
      %slice3A_208 = vector.extract_strided_slice %get3A_42 {offsets = [12], sizes = [1], strides = [1]} : vector<16xi32> to vector<1xi32>
      %squeeze3A_209 = vector.extract %slice3A_208[0] : i32 from vector<1xi32>
      %mul3A_210 = arith.constant 16 : i32
      %mul3A_211 = arith.muli %add3A_38, %mul3A_210 : i32
      %add3A_212 = arith.constant 12 : i32
      %add3A_213 = arith.addi %mul3A_211, %add3A_212 : i32
      %dma_start3A_214 = arith.constant 0 : i32
      %dma_start3A_215 = tpu.memref_slice %arg12[%add3A_213, %dma_start3A_214] : memref<128x64xf32, #tpu.memory_space<vmem>> -> memref<1x64xf32, #tpu.memory_space<vmem>>
      %dma_start3A_216 = arith.constant 0 : i32
      %dma_start3A_217 = tpu.memref_slice %arg6[%squeeze3A_209, %dma_start3A_216] : memref<100000x64xf32, #tpu.memory_space<hbm>> -> memref<1x64xf32, #tpu.memory_space<hbm>>
      %dma_start3A_218 = arith.constant 0 : i32
      %dma_start3A_219 = tpu.memref_slice %arg12[%add3A_213, %dma_start3A_218] : memref<128x64xf32, #tpu.memory_space<vmem>> -> memref<1x64xf32, #tpu.memory_space<vmem>>
      %dma_start3A_220 = arith.constant 0 : i32
      %dma_start3A_221 = tpu.memref_slice %arg6[%squeeze3A_209, %dma_start3A_220] : memref<100000x64xf32, #tpu.memory_space<hbm>> -> memref<1x64xf32, #tpu.memory_space<hbm>>
      tpu.enqueue_dma source(%dma_start3A_221 : memref<1x64xf32, #tpu.memory_space<hbm>>) target(%dma_start3A_219 : memref<1x64xf32, #tpu.memory_space<vmem>>) target_semaphore(%arg14 : memref<!tpu.dma_semaphore, #tpu.memory_space<semaphore_mem>>)
      %slice3A_222 = vector.extract_strided_slice %get3A_42 {offsets = [13], sizes = [1], strides = [1]} : vector<16xi32> to vector<1xi32>
      %squeeze3A_223 = vector.extract %slice3A_222[0] : i32 from vector<1xi32>
      %mul3A_224 = arith.constant 16 : i32
      %mul3A_225 = arith.muli %add3A_38, %mul3A_224 : i32
      %add3A_226 = arith.constant 13 : i32
      %add3A_227 = arith.addi %mul3A_225, %add3A_226 : i32
      %dma_start3A_228 = arith.constant 0 : i32
      %dma_start3A_229 = tpu.memref_slice %arg12[%add3A_227, %dma_start3A_228] : memref<128x64xf32, #tpu.memory_space<vmem>> -> memref<1x64xf32, #tpu.memory_space<vmem>>
      %dma_start3A_230 = arith.constant 0 : i32
      %dma_start3A_231 = tpu.memref_slice %arg6[%squeeze3A_223, %dma_start3A_230] : memref<100000x64xf32, #tpu.memory_space<hbm>> -> memref<1x64xf32, #tpu.memory_space<hbm>>
      %dma_start3A_232 = arith.constant 0 : i32
      %dma_start3A_233 = tpu.memref_slice %arg12[%add3A_227, %dma_start3A_232] : memref<128x64xf32, #tpu.memory_space<vmem>> -> memref<1x64xf32, #tpu.memory_space<vmem>>
      %dma_start3A_234 = arith.constant 0 : i32
      %dma_start3A_235 = tpu.memref_slice %arg6[%squeeze3A_223, %dma_start3A_234] : memref<100000x64xf32, #tpu.memory_space<hbm>> -> memref<1x64xf32, #tpu.memory_space<hbm>>
      tpu.enqueue_dma source(%dma_start3A_235 : memref<1x64xf32, #tpu.memory_space<hbm>>) target(%dma_start3A_233 : memref<1x64xf32, #tpu.memory_space<vmem>>) target_semaphore(%arg14 : memref<!tpu.dma_semaphore, #tpu.memory_space<semaphore_mem>>)
      %slice3A_236 = vector.extract_strided_slice %get3A_42 {offsets = [14], sizes = [1], strides = [1]} : vector<16xi32> to vector<1xi32>
      %squeeze3A_237 = vector.extract %slice3A_236[0] : i32 from vector<1xi32>
      %mul3A_238 = arith.constant 16 : i32
      %mul3A_239 = arith.muli %add3A_38, %mul3A_238 : i32
      %add3A_240 = arith.constant 14 : i32
      %add3A_241 = arith.addi %mul3A_239, %add3A_240 : i32
      %dma_start3A_242 = arith.constant 0 : i32
      %dma_start3A_243 = tpu.memref_slice %arg12[%add3A_241, %dma_start3A_242] : memref<128x64xf32, #tpu.memory_space<vmem>> -> memref<1x64xf32, #tpu.memory_space<vmem>>
      %dma_start3A_244 = arith.constant 0 : i32
      %dma_start3A_245 = tpu.memref_slice %arg6[%squeeze3A_237, %dma_start3A_244] : memref<100000x64xf32, #tpu.memory_space<hbm>> -> memref<1x64xf32, #tpu.memory_space<hbm>>
      %dma_start3A_246 = arith.constant 0 : i32
      %dma_start3A_247 = tpu.memref_slice %arg12[%add3A_241, %dma_start3A_246] : memref<128x64xf32, #tpu.memory_space<vmem>> -> memref<1x64xf32, #tpu.memory_space<vmem>>
      %dma_start3A_248 = arith.constant 0 : i32
      %dma_start3A_249 = tpu.memref_slice %arg6[%squeeze3A_237, %dma_start3A_248] : memref<100000x64xf32, #tpu.memory_space<hbm>> -> memref<1x64xf32, #tpu.memory_space<hbm>>
      tpu.enqueue_dma source(%dma_start3A_249 : memref<1x64xf32, #tpu.memory_space<hbm>>) target(%dma_start3A_247 : memref<1x64xf32, #tpu.memory_space<vmem>>) target_semaphore(%arg14 : memref<!tpu.dma_semaphore, #tpu.memory_space<semaphore_mem>>)
      %slice3A_250 = vector.extract_strided_slice %get3A_42 {offsets = [15], sizes = [1], strides = [1]} : vector<16xi32> to vector<1xi32>
      %squeeze3A_251 = vector.extract %slice3A_250[0] : i32 from vector<1xi32>
      %mul3A_252 = arith.constant 16 : i32
      %mul3A_253 = arith.muli %add3A_38, %mul3A_252 : i32
      %add3A_254 = arith.constant 15 : i32
      %add3A_255 = arith.addi %mul3A_253, %add3A_254 : i32
      %dma_start3A_256 = arith.constant 0 : i32
      %dma_start3A_257 = tpu.memref_slice %arg12[%add3A_255, %dma_start3A_256] : memref<128x64xf32, #tpu.memory_space<vmem>> -> memref<1x64xf32, #tpu.memory_space<vmem>>
      %dma_start3A_258 = arith.constant 0 : i32
      %dma_start3A_259 = tpu.memref_slice %arg6[%squeeze3A_251, %dma_start3A_258] : memref<100000x64xf32, #tpu.memory_space<hbm>> -> memref<1x64xf32, #tpu.memory_space<hbm>>
      %dma_start3A_260 = arith.constant 0 : i32
      %dma_start3A_261 = tpu.memref_slice %arg12[%add3A_255, %dma_start3A_260] : memref<128x64xf32, #tpu.memory_space<vmem>> -> memref<1x64xf32, #tpu.memory_space<vmem>>
      %dma_start3A_262 = arith.constant 0 : i32
      %dma_start3A_263 = tpu.memref_slice %arg6[%squeeze3A_251, %dma_start3A_262] : memref<100000x64xf32, #tpu.memory_space<hbm>> -> memref<1x64xf32, #tpu.memory_space<hbm>>
      tpu.enqueue_dma source(%dma_start3A_263 : memref<1x64xf32, #tpu.memory_space<hbm>>) target(%dma_start3A_261 : memref<1x64xf32, #tpu.memory_space<vmem>>) target_semaphore(%arg14 : memref<!tpu.dma_semaphore, #tpu.memory_space<semaphore_mem>>)
    }
    %scan3A_16 = arith.constant 8 : i32
    %dma_wait3A_17 = arith.constant 0 : i32
    %dma_wait3A_18 = arith.constant 0 : i32
    %dma_wait3A_19 = tpu.memref_slice %arg6[%dma_wait3A_17, %dma_wait3A_18] : memref<100000x64xf32, #tpu.memory_space<hbm>> -> memref<128x64xf32, #tpu.memory_space<hbm>>
    %dma_wait3A_20 = arith.constant 0 : i32
    %dma_wait3A_21 = arith.constant 0 : i32
    %dma_wait3A_22 = tpu.memref_slice %arg6[%dma_wait3A_20, %dma_wait3A_21] : memref<100000x64xf32, #tpu.memory_space<hbm>> -> memref<128x64xf32, #tpu.memory_space<hbm>>
    tpu.wait_dma2 semaphore(%arg14 : memref<!tpu.dma_semaphore, #tpu.memory_space<semaphore_mem>>) src(%dma_wait3A_22 : memref<128x64xf32, #tpu.memory_space<hbm>>) dst(%arg12 : memref<128x64xf32, #tpu.memory_space<vmem>>)
    "tpu.region"() ({
      %run_scoped3A = tpu.sem_alloc : memref<!tpu.dma_semaphore, #tpu.memory_space<semaphore_mem>>
      %dma_start3A = arith.constant 0 : i32
      %dma_start3A_34 = tpu.memref_slice %arg9[%mul3A_2, %dma_start3A] : memref<4096x64xf32, #tpu.memory_space<hbm>> -> memref<128x64xf32, #tpu.memory_space<hbm>>
      %dma_start3A_35 = arith.constant 0 : i32
      %dma_start3A_36 = tpu.memref_slice %arg9[%mul3A_2, %dma_start3A_35] : memref<4096x64xf32, #tpu.memory_space<hbm>> -> memref<128x64xf32, #tpu.memory_space<hbm>>
      tpu.enqueue_dma source(%arg12 : memref<128x64xf32, #tpu.memory_space<vmem>>) target(%dma_start3A_36 : memref<128x64xf32, #tpu.memory_space<hbm>>) target_semaphore(%run_scoped3A : memref<!tpu.dma_semaphore, #tpu.memory_space<semaphore_mem>>)
      %dma_wait3A_37 = arith.constant 0 : i32
      %dma_wait3A_38 = tpu.memref_slice %arg9[%mul3A_2, %dma_wait3A_37] : memref<4096x64xf32, #tpu.memory_space<hbm>> -> memref<128x64xf32, #tpu.memory_space<hbm>>
      %dma_wait3A_39 = arith.constant 0 : i32
      %dma_wait3A_40 = tpu.memref_slice %arg9[%mul3A_2, %dma_wait3A_39] : memref<4096x64xf32, #tpu.memory_space<hbm>> -> memref<128x64xf32, #tpu.memory_space<hbm>>
      tpu.wait_dma2 semaphore(%run_scoped3A : memref<!tpu.dma_semaphore, #tpu.memory_space<semaphore_mem>>) src(%arg12 : memref<128x64xf32, #tpu.memory_space<vmem>>) dst(%dma_wait3A_40 : memref<128x64xf32, #tpu.memory_space<hbm>>)
      tpu.yield
    }) : () -> ()
    "tpu.region"() ({
      %run_scoped3A = tpu.sem_alloc : memref<!tpu.dma_semaphore, #tpu.memory_space<semaphore_mem>>
      %dma_start3A = tpu.memref_slice %arg4[%mul3A_2] : memref<4096xi32, #tpu.memory_space<hbm>> -> memref<128xi32, #tpu.memory_space<hbm>>
      %dma_start3A_34 = tpu.memref_slice %arg4[%mul3A_2] : memref<4096xi32, #tpu.memory_space<hbm>> -> memref<128xi32, #tpu.memory_space<hbm>>
      tpu.enqueue_dma source(%dma_start3A_34 : memref<128xi32, #tpu.memory_space<hbm>>) target(%arg11 : memref<128xi32, #tpu.memory_space<vmem>>) target_semaphore(%run_scoped3A : memref<!tpu.dma_semaphore, #tpu.memory_space<semaphore_mem>>)
      %dma_wait3A_35 = tpu.memref_slice %arg4[%mul3A_2] : memref<4096xi32, #tpu.memory_space<hbm>> -> memref<128xi32, #tpu.memory_space<hbm>>
      %dma_wait3A_36 = tpu.memref_slice %arg4[%mul3A_2] : memref<4096xi32, #tpu.memory_space<hbm>> -> memref<128xi32, #tpu.memory_space<hbm>>
      tpu.wait_dma2 semaphore(%run_scoped3A : memref<!tpu.dma_semaphore, #tpu.memory_space<semaphore_mem>>) src(%dma_wait3A_36 : memref<128xi32, #tpu.memory_space<hbm>>) dst(%arg11 : memref<128xi32, #tpu.memory_space<vmem>>)
      tpu.yield
    }) : () -> ()
    %scan3A_23 = arith.constant 0 : i32
    %scan3A_24 = arith.constant 8 : i32
    %scan3A_25 = arith.addi %scan3A_23, %scan3A_24 : i32
    %scan3A_26 = arith.constant 1 : i32
    scf.for %scan3A_34 = %scan3A_23 to %scan3A_25 step %scan3A_26  : i32 {
      %mul3A_35 = arith.constant 1 : i32
      %mul3A_36 = arith.muli %scan3A_34, %mul3A_35 : i32
      %add3A_37 = arith.constant 0 : i32
      %add3A_38 = arith.addi %add3A_37, %mul3A_36 : i32
      %mul3A_39 = arith.constant 16 : i32
      %mul3A_40 = arith.muli %add3A_38, %mul3A_39 : i32
      %get3A = arith.index_cast %mul3A_40 : i32 to index
      %get3A_41 = tpu.vector_load %arg11[%get3A] {strides = array<i32>} : memref<128xi32, #tpu.memory_space<vmem>>, vector<16xi32>,
      %get3A_42 = vector.shape_cast %get3A_41 : vector<16xi32> to vector<16xi32>
      %slice3A = vector.extract_strided_slice %get3A_42 {offsets = [0], sizes = [1], strides = [1]} : vector<16xi32> to vector<1xi32>
      %squeeze3A = vector.extract %slice3A[0] : i32 from vector<1xi32>
      %mul3A_43 = arith.constant 16 : i32
      %mul3A_44 = arith.muli %add3A_38, %mul3A_43 : i32
      %add3A_45 = arith.constant 0 : i32
      %add3A_46 = arith.addi %mul3A_44, %add3A_45 : i32
      %dma_start3A = arith.constant 0 : i32
      %dma_start3A_47 = tpu.memref_slice %arg13[%add3A_46, %dma_start3A] : memref<128x32xf32, #tpu.memory_space<vmem>> -> memref<1x32xf32, #tpu.memory_space<vmem>>
      %dma_start3A_48 = arith.constant 0 : i32
      %dma_start3A_49 = tpu.memref_slice %arg7[%squeeze3A, %dma_start3A_48] : memref<1000x32xf32, #tpu.memory_space<hbm>> -> memref<1x32xf32, #tpu.memory_space<hbm>>
      %dma_start3A_50 = arith.constant 0 : i32
      %dma_start3A_51 = tpu.memref_slice %arg13[%add3A_46, %dma_start3A_50] : memref<128x32xf32, #tpu.memory_space<vmem>> -> memref<1x32xf32, #tpu.memory_space<vmem>>
      %dma_start3A_52 = arith.constant 0 : i32
      %dma_start3A_53 = tpu.memref_slice %arg7[%squeeze3A, %dma_start3A_52] : memref<1000x32xf32, #tpu.memory_space<hbm>> -> memref<1x32xf32, #tpu.memory_space<hbm>>
      tpu.enqueue_dma source(%dma_start3A_53 : memref<1x32xf32, #tpu.memory_space<hbm>>) target(%dma_start3A_51 : memref<1x32xf32, #tpu.memory_space<vmem>>) target_semaphore(%arg14 : memref<!tpu.dma_semaphore, #tpu.memory_space<semaphore_mem>>)
      %slice3A_54 = vector.extract_strided_slice %get3A_42 {offsets = [1], sizes = [1], strides = [1]} : vector<16xi32> to vector<1xi32>
      %squeeze3A_55 = vector.extract %slice3A_54[0] : i32 from vector<1xi32>
      %mul3A_56 = arith.constant 16 : i32
      %mul3A_57 = arith.muli %add3A_38, %mul3A_56 : i32
      %add3A_58 = arith.constant 1 : i32
      %add3A_59 = arith.addi %mul3A_57, %add3A_58 : i32
      %dma_start3A_60 = arith.constant 0 : i32
      %dma_start3A_61 = tpu.memref_slice %arg13[%add3A_59, %dma_start3A_60] : memref<128x32xf32, #tpu.memory_space<vmem>> -> memref<1x32xf32, #tpu.memory_space<vmem>>
      %dma_start3A_62 = arith.constant 0 : i32
      %dma_start3A_63 = tpu.memref_slice %arg7[%squeeze3A_55, %dma_start3A_62] : memref<1000x32xf32, #tpu.memory_space<hbm>> -> memref<1x32xf32, #tpu.memory_space<hbm>>
      %dma_start3A_64 = arith.constant 0 : i32
      %dma_start3A_65 = tpu.memref_slice %arg13[%add3A_59, %dma_start3A_64] : memref<128x32xf32, #tpu.memory_space<vmem>> -> memref<1x32xf32, #tpu.memory_space<vmem>>
      %dma_start3A_66 = arith.constant 0 : i32
      %dma_start3A_67 = tpu.memref_slice %arg7[%squeeze3A_55, %dma_start3A_66] : memref<1000x32xf32, #tpu.memory_space<hbm>> -> memref<1x32xf32, #tpu.memory_space<hbm>>
      tpu.enqueue_dma source(%dma_start3A_67 : memref<1x32xf32, #tpu.memory_space<hbm>>) target(%dma_start3A_65 : memref<1x32xf32, #tpu.memory_space<vmem>>) target_semaphore(%arg14 : memref<!tpu.dma_semaphore, #tpu.memory_space<semaphore_mem>>)
      %slice3A_68 = vector.extract_strided_slice %get3A_42 {offsets = [2], sizes = [1], strides = [1]} : vector<16xi32> to vector<1xi32>
      %squeeze3A_69 = vector.extract %slice3A_68[0] : i32 from vector<1xi32>
      %mul3A_70 = arith.constant 16 : i32
      %mul3A_71 = arith.muli %add3A_38, %mul3A_70 : i32
      %add3A_72 = arith.constant 2 : i32
      %add3A_73 = arith.addi %mul3A_71, %add3A_72 : i32
      %dma_start3A_74 = arith.constant 0 : i32
      %dma_start3A_75 = tpu.memref_slice %arg13[%add3A_73, %dma_start3A_74] : memref<128x32xf32, #tpu.memory_space<vmem>> -> memref<1x32xf32, #tpu.memory_space<vmem>>
      %dma_start3A_76 = arith.constant 0 : i32
      %dma_start3A_77 = tpu.memref_slice %arg7[%squeeze3A_69, %dma_start3A_76] : memref<1000x32xf32, #tpu.memory_space<hbm>> -> memref<1x32xf32, #tpu.memory_space<hbm>>
      %dma_start3A_78 = arith.constant 0 : i32
      %dma_start3A_79 = tpu.memref_slice %arg13[%add3A_73, %dma_start3A_78] : memref<128x32xf32, #tpu.memory_space<vmem>> -> memref<1x32xf32, #tpu.memory_space<vmem>>
      %dma_start3A_80 = arith.constant 0 : i32
      %dma_start3A_81 = tpu.memref_slice %arg7[%squeeze3A_69, %dma_start3A_80] : memref<1000x32xf32, #tpu.memory_space<hbm>> -> memref<1x32xf32, #tpu.memory_space<hbm>>
      tpu.enqueue_dma source(%dma_start3A_81 : memref<1x32xf32, #tpu.memory_space<hbm>>) target(%dma_start3A_79 : memref<1x32xf32, #tpu.memory_space<vmem>>) target_semaphore(%arg14 : memref<!tpu.dma_semaphore, #tpu.memory_space<semaphore_mem>>)
      %slice3A_82 = vector.extract_strided_slice %get3A_42 {offsets = [3], sizes = [1], strides = [1]} : vector<16xi32> to vector<1xi32>
      %squeeze3A_83 = vector.extract %slice3A_82[0] : i32 from vector<1xi32>
      %mul3A_84 = arith.constant 16 : i32
      %mul3A_85 = arith.muli %add3A_38, %mul3A_84 : i32
      %add3A_86 = arith.constant 3 : i32
      %add3A_87 = arith.addi %mul3A_85, %add3A_86 : i32
      %dma_start3A_88 = arith.constant 0 : i32
      %dma_start3A_89 = tpu.memref_slice %arg13[%add3A_87, %dma_start3A_88] : memref<128x32xf32, #tpu.memory_space<vmem>> -> memref<1x32xf32, #tpu.memory_space<vmem>>
      %dma_start3A_90 = arith.constant 0 : i32
      %dma_start3A_91 = tpu.memref_slice %arg7[%squeeze3A_83, %dma_start3A_90] : memref<1000x32xf32, #tpu.memory_space<hbm>> -> memref<1x32xf32, #tpu.memory_space<hbm>>
      %dma_start3A_92 = arith.constant 0 : i32
      %dma_start3A_93 = tpu.memref_slice %arg13[%add3A_87, %dma_start3A_92] : memref<128x32xf32, #tpu.memory_space<vmem>> -> memref<1x32xf32, #tpu.memory_space<vmem>>
      %dma_start3A_94 = arith.constant 0 : i32
      %dma_start3A_95 = tpu.memref_slice %arg7[%squeeze3A_83, %dma_start3A_94] : memref<1000x32xf32, #tpu.memory_space<hbm>> -> memref<1x32xf32, #tpu.memory_space<hbm>>
      tpu.enqueue_dma source(%dma_start3A_95 : memref<1x32xf32, #tpu.memory_space<hbm>>) target(%dma_start3A_93 : memref<1x32xf32, #tpu.memory_space<vmem>>) target_semaphore(%arg14 : memref<!tpu.dma_semaphore, #tpu.memory_space<semaphore_mem>>)
      %slice3A_96 = vector.extract_strided_slice %get3A_42 {offsets = [4], sizes = [1], strides = [1]} : vector<16xi32> to vector<1xi32>
      %squeeze3A_97 = vector.extract %slice3A_96[0] : i32 from vector<1xi32>
      %mul3A_98 = arith.constant 16 : i32
      %mul3A_99 = arith.muli %add3A_38, %mul3A_98 : i32
      %add3A_100 = arith.constant 4 : i32
      %add3A_101 = arith.addi %mul3A_99, %add3A_100 : i32
      %dma_start3A_102 = arith.constant 0 : i32
      %dma_start3A_103 = tpu.memref_slice %arg13[%add3A_101, %dma_start3A_102] : memref<128x32xf32, #tpu.memory_space<vmem>> -> memref<1x32xf32, #tpu.memory_space<vmem>>
      %dma_start3A_104 = arith.constant 0 : i32
      %dma_start3A_105 = tpu.memref_slice %arg7[%squeeze3A_97, %dma_start3A_104] : memref<1000x32xf32, #tpu.memory_space<hbm>> -> memref<1x32xf32, #tpu.memory_space<hbm>>
      %dma_start3A_106 = arith.constant 0 : i32
      %dma_start3A_107 = tpu.memref_slice %arg13[%add3A_101, %dma_start3A_106] : memref<128x32xf32, #tpu.memory_space<vmem>> -> memref<1x32xf32, #tpu.memory_space<vmem>>
      %dma_start3A_108 = arith.constant 0 : i32
      %dma_start3A_109 = tpu.memref_slice %arg7[%squeeze3A_97, %dma_start3A_108] : memref<1000x32xf32, #tpu.memory_space<hbm>> -> memref<1x32xf32, #tpu.memory_space<hbm>>
      tpu.enqueue_dma source(%dma_start3A_109 : memref<1x32xf32, #tpu.memory_space<hbm>>) target(%dma_start3A_107 : memref<1x32xf32, #tpu.memory_space<vmem>>) target_semaphore(%arg14 : memref<!tpu.dma_semaphore, #tpu.memory_space<semaphore_mem>>)
      %slice3A_110 = vector.extract_strided_slice %get3A_42 {offsets = [5], sizes = [1], strides = [1]} : vector<16xi32> to vector<1xi32>
      %squeeze3A_111 = vector.extract %slice3A_110[0] : i32 from vector<1xi32>
      %mul3A_112 = arith.constant 16 : i32
      %mul3A_113 = arith.muli %add3A_38, %mul3A_112 : i32
      %add3A_114 = arith.constant 5 : i32
      %add3A_115 = arith.addi %mul3A_113, %add3A_114 : i32
      %dma_start3A_116 = arith.constant 0 : i32
      %dma_start3A_117 = tpu.memref_slice %arg13[%add3A_115, %dma_start3A_116] : memref<128x32xf32, #tpu.memory_space<vmem>> -> memref<1x32xf32, #tpu.memory_space<vmem>>
      %dma_start3A_118 = arith.constant 0 : i32
      %dma_start3A_119 = tpu.memref_slice %arg7[%squeeze3A_111, %dma_start3A_118] : memref<1000x32xf32, #tpu.memory_space<hbm>> -> memref<1x32xf32, #tpu.memory_space<hbm>>
      %dma_start3A_120 = arith.constant 0 : i32
      %dma_start3A_121 = tpu.memref_slice %arg13[%add3A_115, %dma_start3A_120] : memref<128x32xf32, #tpu.memory_space<vmem>> -> memref<1x32xf32, #tpu.memory_space<vmem>>
      %dma_start3A_122 = arith.constant 0 : i32
      %dma_start3A_123 = tpu.memref_slice %arg7[%squeeze3A_111, %dma_start3A_122] : memref<1000x32xf32, #tpu.memory_space<hbm>> -> memref<1x32xf32, #tpu.memory_space<hbm>>
      tpu.enqueue_dma source(%dma_start3A_123 : memref<1x32xf32, #tpu.memory_space<hbm>>) target(%dma_start3A_121 : memref<1x32xf32, #tpu.memory_space<vmem>>) target_semaphore(%arg14 : memref<!tpu.dma_semaphore, #tpu.memory_space<semaphore_mem>>)
      %slice3A_124 = vector.extract_strided_slice %get3A_42 {offsets = [6], sizes = [1], strides = [1]} : vector<16xi32> to vector<1xi32>
      %squeeze3A_125 = vector.extract %slice3A_124[0] : i32 from vector<1xi32>
      %mul3A_126 = arith.constant 16 : i32
      %mul3A_127 = arith.muli %add3A_38, %mul3A_126 : i32
      %add3A_128 = arith.constant 6 : i32
      %add3A_129 = arith.addi %mul3A_127, %add3A_128 : i32
      %dma_start3A_130 = arith.constant 0 : i32
      %dma_start3A_131 = tpu.memref_slice %arg13[%add3A_129, %dma_start3A_130] : memref<128x32xf32, #tpu.memory_space<vmem>> -> memref<1x32xf32, #tpu.memory_space<vmem>>
      %dma_start3A_132 = arith.constant 0 : i32
      %dma_start3A_133 = tpu.memref_slice %arg7[%squeeze3A_125, %dma_start3A_132] : memref<1000x32xf32, #tpu.memory_space<hbm>> -> memref<1x32xf32, #tpu.memory_space<hbm>>
      %dma_start3A_134 = arith.constant 0 : i32
      %dma_start3A_135 = tpu.memref_slice %arg13[%add3A_129, %dma_start3A_134] : memref<128x32xf32, #tpu.memory_space<vmem>> -> memref<1x32xf32, #tpu.memory_space<vmem>>
      %dma_start3A_136 = arith.constant 0 : i32
      %dma_start3A_137 = tpu.memref_slice %arg7[%squeeze3A_125, %dma_start3A_136] : memref<1000x32xf32, #tpu.memory_space<hbm>> -> memref<1x32xf32, #tpu.memory_space<hbm>>
      tpu.enqueue_dma source(%dma_start3A_137 : memref<1x32xf32, #tpu.memory_space<hbm>>) target(%dma_start3A_135 : memref<1x32xf32, #tpu.memory_space<vmem>>) target_semaphore(%arg14 : memref<!tpu.dma_semaphore, #tpu.memory_space<semaphore_mem>>)
      %slice3A_138 = vector.extract_strided_slice %get3A_42 {offsets = [7], sizes = [1], strides = [1]} : vector<16xi32> to vector<1xi32>
      %squeeze3A_139 = vector.extract %slice3A_138[0] : i32 from vector<1xi32>
      %mul3A_140 = arith.constant 16 : i32
      %mul3A_141 = arith.muli %add3A_38, %mul3A_140 : i32
      %add3A_142 = arith.constant 7 : i32
      %add3A_143 = arith.addi %mul3A_141, %add3A_142 : i32
      %dma_start3A_144 = arith.constant 0 : i32
      %dma_start3A_145 = tpu.memref_slice %arg13[%add3A_143, %dma_start3A_144] : memref<128x32xf32, #tpu.memory_space<vmem>> -> memref<1x32xf32, #tpu.memory_space<vmem>>
      %dma_start3A_146 = arith.constant 0 : i32
      %dma_start3A_147 = tpu.memref_slice %arg7[%squeeze3A_139, %dma_start3A_146] : memref<1000x32xf32, #tpu.memory_space<hbm>> -> memref<1x32xf32, #tpu.memory_space<hbm>>
      %dma_start3A_148 = arith.constant 0 : i32
      %dma_start3A_149 = tpu.memref_slice %arg13[%add3A_143, %dma_start3A_148] : memref<128x32xf32, #tpu.memory_space<vmem>> -> memref<1x32xf32, #tpu.memory_space<vmem>>
      %dma_start3A_150 = arith.constant 0 : i32
      %dma_start3A_151 = tpu.memref_slice %arg7[%squeeze3A_139, %dma_start3A_150] : memref<1000x32xf32, #tpu.memory_space<hbm>> -> memref<1x32xf32, #tpu.memory_space<hbm>>
      tpu.enqueue_dma source(%dma_start3A_151 : memref<1x32xf32, #tpu.memory_space<hbm>>) target(%dma_start3A_149 : memref<1x32xf32, #tpu.memory_space<vmem>>) target_semaphore(%arg14 : memref<!tpu.dma_semaphore, #tpu.memory_space<semaphore_mem>>)
      %slice3A_152 = vector.extract_strided_slice %get3A_42 {offsets = [8], sizes = [1], strides = [1]} : vector<16xi32> to vector<1xi32>
      %squeeze3A_153 = vector.extract %slice3A_152[0] : i32 from vector<1xi32>
      %mul3A_154 = arith.constant 16 : i32
      %mul3A_155 = arith.muli %add3A_38, %mul3A_154 : i32
      %add3A_156 = arith.constant 8 : i32
      %add3A_157 = arith.addi %mul3A_155, %add3A_156 : i32
      %dma_start3A_158 = arith.constant 0 : i32
      %dma_start3A_159 = tpu.memref_slice %arg13[%add3A_157, %dma_start3A_158] : memref<128x32xf32, #tpu.memory_space<vmem>> -> memref<1x32xf32, #tpu.memory_space<vmem>>
      %dma_start3A_160 = arith.constant 0 : i32
      %dma_start3A_161 = tpu.memref_slice %arg7[%squeeze3A_153, %dma_start3A_160] : memref<1000x32xf32, #tpu.memory_space<hbm>> -> memref<1x32xf32, #tpu.memory_space<hbm>>
      %dma_start3A_162 = arith.constant 0 : i32
      %dma_start3A_163 = tpu.memref_slice %arg13[%add3A_157, %dma_start3A_162] : memref<128x32xf32, #tpu.memory_space<vmem>> -> memref<1x32xf32, #tpu.memory_space<vmem>>
      %dma_start3A_164 = arith.constant 0 : i32
      %dma_start3A_165 = tpu.memref_slice %arg7[%squeeze3A_153, %dma_start3A_164] : memref<1000x32xf32, #tpu.memory_space<hbm>> -> memref<1x32xf32, #tpu.memory_space<hbm>>
      tpu.enqueue_dma source(%dma_start3A_165 : memref<1x32xf32, #tpu.memory_space<hbm>>) target(%dma_start3A_163 : memref<1x32xf32, #tpu.memory_space<vmem>>) target_semaphore(%arg14 : memref<!tpu.dma_semaphore, #tpu.memory_space<semaphore_mem>>)
      %slice3A_166 = vector.extract_strided_slice %get3A_42 {offsets = [9], sizes = [1], strides = [1]} : vector<16xi32> to vector<1xi32>
      %squeeze3A_167 = vector.extract %slice3A_166[0] : i32 from vector<1xi32>
      %mul3A_168 = arith.constant 16 : i32
      %mul3A_169 = arith.muli %add3A_38, %mul3A_168 : i32
      %add3A_170 = arith.constant 9 : i32
      %add3A_171 = arith.addi %mul3A_169, %add3A_170 : i32
      %dma_start3A_172 = arith.constant 0 : i32
      %dma_start3A_173 = tpu.memref_slice %arg13[%add3A_171, %dma_start3A_172] : memref<128x32xf32, #tpu.memory_space<vmem>> -> memref<1x32xf32, #tpu.memory_space<vmem>>
      %dma_start3A_174 = arith.constant 0 : i32
      %dma_start3A_175 = tpu.memref_slice %arg7[%squeeze3A_167, %dma_start3A_174] : memref<1000x32xf32, #tpu.memory_space<hbm>> -> memref<1x32xf32, #tpu.memory_space<hbm>>
      %dma_start3A_176 = arith.constant 0 : i32
      %dma_start3A_177 = tpu.memref_slice %arg13[%add3A_171, %dma_start3A_176] : memref<128x32xf32, #tpu.memory_space<vmem>> -> memref<1x32xf32, #tpu.memory_space<vmem>>
      %dma_start3A_178 = arith.constant 0 : i32
      %dma_start3A_179 = tpu.memref_slice %arg7[%squeeze3A_167, %dma_start3A_178] : memref<1000x32xf32, #tpu.memory_space<hbm>> -> memref<1x32xf32, #tpu.memory_space<hbm>>
      tpu.enqueue_dma source(%dma_start3A_179 : memref<1x32xf32, #tpu.memory_space<hbm>>) target(%dma_start3A_177 : memref<1x32xf32, #tpu.memory_space<vmem>>) target_semaphore(%arg14 : memref<!tpu.dma_semaphore, #tpu.memory_space<semaphore_mem>>)
      %slice3A_180 = vector.extract_strided_slice %get3A_42 {offsets = [10], sizes = [1], strides = [1]} : vector<16xi32> to vector<1xi32>
      %squeeze3A_181 = vector.extract %slice3A_180[0] : i32 from vector<1xi32>
      %mul3A_182 = arith.constant 16 : i32
      %mul3A_183 = arith.muli %add3A_38, %mul3A_182 : i32
      %add3A_184 = arith.constant 10 : i32
      %add3A_185 = arith.addi %mul3A_183, %add3A_184 : i32
      %dma_start3A_186 = arith.constant 0 : i32
      %dma_start3A_187 = tpu.memref_slice %arg13[%add3A_185, %dma_start3A_186] : memref<128x32xf32, #tpu.memory_space<vmem>> -> memref<1x32xf32, #tpu.memory_space<vmem>>
      %dma_start3A_188 = arith.constant 0 : i32
      %dma_start3A_189 = tpu.memref_slice %arg7[%squeeze3A_181, %dma_start3A_188] : memref<1000x32xf32, #tpu.memory_space<hbm>> -> memref<1x32xf32, #tpu.memory_space<hbm>>
      %dma_start3A_190 = arith.constant 0 : i32
      %dma_start3A_191 = tpu.memref_slice %arg13[%add3A_185, %dma_start3A_190] : memref<128x32xf32, #tpu.memory_space<vmem>> -> memref<1x32xf32, #tpu.memory_space<vmem>>
      %dma_start3A_192 = arith.constant 0 : i32
      %dma_start3A_193 = tpu.memref_slice %arg7[%squeeze3A_181, %dma_start3A_192] : memref<1000x32xf32, #tpu.memory_space<hbm>> -> memref<1x32xf32, #tpu.memory_space<hbm>>
      tpu.enqueue_dma source(%dma_start3A_193 : memref<1x32xf32, #tpu.memory_space<hbm>>) target(%dma_start3A_191 : memref<1x32xf32, #tpu.memory_space<vmem>>) target_semaphore(%arg14 : memref<!tpu.dma_semaphore, #tpu.memory_space<semaphore_mem>>)
      %slice3A_194 = vector.extract_strided_slice %get3A_42 {offsets = [11], sizes = [1], strides = [1]} : vector<16xi32> to vector<1xi32>
      %squeeze3A_195 = vector.extract %slice3A_194[0] : i32 from vector<1xi32>
      %mul3A_196 = arith.constant 16 : i32
      %mul3A_197 = arith.muli %add3A_38, %mul3A_196 : i32
      %add3A_198 = arith.constant 11 : i32
      %add3A_199 = arith.addi %mul3A_197, %add3A_198 : i32
      %dma_start3A_200 = arith.constant 0 : i32
      %dma_start3A_201 = tpu.memref_slice %arg13[%add3A_199, %dma_start3A_200] : memref<128x32xf32, #tpu.memory_space<vmem>> -> memref<1x32xf32, #tpu.memory_space<vmem>>
      %dma_start3A_202 = arith.constant 0 : i32
      %dma_start3A_203 = tpu.memref_slice %arg7[%squeeze3A_195, %dma_start3A_202] : memref<1000x32xf32, #tpu.memory_space<hbm>> -> memref<1x32xf32, #tpu.memory_space<hbm>>
      %dma_start3A_204 = arith.constant 0 : i32
      %dma_start3A_205 = tpu.memref_slice %arg13[%add3A_199, %dma_start3A_204] : memref<128x32xf32, #tpu.memory_space<vmem>> -> memref<1x32xf32, #tpu.memory_space<vmem>>
      %dma_start3A_206 = arith.constant 0 : i32
      %dma_start3A_207 = tpu.memref_slice %arg7[%squeeze3A_195, %dma_start3A_206] : memref<1000x32xf32, #tpu.memory_space<hbm>> -> memref<1x32xf32, #tpu.memory_space<hbm>>
      tpu.enqueue_dma source(%dma_start3A_207 : memref<1x32xf32, #tpu.memory_space<hbm>>) target(%dma_start3A_205 : memref<1x32xf32, #tpu.memory_space<vmem>>) target_semaphore(%arg14 : memref<!tpu.dma_semaphore, #tpu.memory_space<semaphore_mem>>)
      %slice3A_208 = vector.extract_strided_slice %get3A_42 {offsets = [12], sizes = [1], strides = [1]} : vector<16xi32> to vector<1xi32>
      %squeeze3A_209 = vector.extract %slice3A_208[0] : i32 from vector<1xi32>
      %mul3A_210 = arith.constant 16 : i32
      %mul3A_211 = arith.muli %add3A_38, %mul3A_210 : i32
      %add3A_212 = arith.constant 12 : i32
      %add3A_213 = arith.addi %mul3A_211, %add3A_212 : i32
      %dma_start3A_214 = arith.constant 0 : i32
      %dma_start3A_215 = tpu.memref_slice %arg13[%add3A_213, %dma_start3A_214] : memref<128x32xf32, #tpu.memory_space<vmem>> -> memref<1x32xf32, #tpu.memory_space<vmem>>
      %dma_start3A_216 = arith.constant 0 : i32
      %dma_start3A_217 = tpu.memref_slice %arg7[%squeeze3A_209, %dma_start3A_216] : memref<1000x32xf32, #tpu.memory_space<hbm>> -> memref<1x32xf32, #tpu.memory_space<hbm>>
      %dma_start3A_218 = arith.constant 0 : i32
      %dma_start3A_219 = tpu.memref_slice %arg13[%add3A_213, %dma_start3A_218] : memref<128x32xf32, #tpu.memory_space<vmem>> -> memref<1x32xf32, #tpu.memory_space<vmem>>
      %dma_start3A_220 = arith.constant 0 : i32
      %dma_start3A_221 = tpu.memref_slice %arg7[%squeeze3A_209, %dma_start3A_220] : memref<1000x32xf32, #tpu.memory_space<hbm>> -> memref<1x32xf32, #tpu.memory_space<hbm>>
      tpu.enqueue_dma source(%dma_start3A_221 : memref<1x32xf32, #tpu.memory_space<hbm>>) target(%dma_start3A_219 : memref<1x32xf32, #tpu.memory_space<vmem>>) target_semaphore(%arg14 : memref<!tpu.dma_semaphore, #tpu.memory_space<semaphore_mem>>)
      %slice3A_222 = vector.extract_strided_slice %get3A_42 {offsets = [13], sizes = [1], strides = [1]} : vector<16xi32> to vector<1xi32>
      %squeeze3A_223 = vector.extract %slice3A_222[0] : i32 from vector<1xi32>
      %mul3A_224 = arith.constant 16 : i32
      %mul3A_225 = arith.muli %add3A_38, %mul3A_224 : i32
      %add3A_226 = arith.constant 13 : i32
      %add3A_227 = arith.addi %mul3A_225, %add3A_226 : i32
      %dma_start3A_228 = arith.constant 0 : i32
      %dma_start3A_229 = tpu.memref_slice %arg13[%add3A_227, %dma_start3A_228] : memref<128x32xf32, #tpu.memory_space<vmem>> -> memref<1x32xf32, #tpu.memory_space<vmem>>
      %dma_start3A_230 = arith.constant 0 : i32
      %dma_start3A_231 = tpu.memref_slice %arg7[%squeeze3A_223, %dma_start3A_230] : memref<1000x32xf32, #tpu.memory_space<hbm>> -> memref<1x32xf32, #tpu.memory_space<hbm>>
      %dma_start3A_232 = arith.constant 0 : i32
      %dma_start3A_233 = tpu.memref_slice %arg13[%add3A_227, %dma_start3A_232] : memref<128x32xf32, #tpu.memory_space<vmem>> -> memref<1x32xf32, #tpu.memory_space<vmem>>
      %dma_start3A_234 = arith.constant 0 : i32
      %dma_start3A_235 = tpu.memref_slice %arg7[%squeeze3A_223, %dma_start3A_234] : memref<1000x32xf32, #tpu.memory_space<hbm>> -> memref<1x32xf32, #tpu.memory_space<hbm>>
      tpu.enqueue_dma source(%dma_start3A_235 : memref<1x32xf32, #tpu.memory_space<hbm>>) target(%dma_start3A_233 : memref<1x32xf32, #tpu.memory_space<vmem>>) target_semaphore(%arg14 : memref<!tpu.dma_semaphore, #tpu.memory_space<semaphore_mem>>)
      %slice3A_236 = vector.extract_strided_slice %get3A_42 {offsets = [14], sizes = [1], strides = [1]} : vector<16xi32> to vector<1xi32>
      %squeeze3A_237 = vector.extract %slice3A_236[0] : i32 from vector<1xi32>
      %mul3A_238 = arith.constant 16 : i32
      %mul3A_239 = arith.muli %add3A_38, %mul3A_238 : i32
      %add3A_240 = arith.constant 14 : i32
      %add3A_241 = arith.addi %mul3A_239, %add3A_240 : i32
      %dma_start3A_242 = arith.constant 0 : i32
      %dma_start3A_243 = tpu.memref_slice %arg13[%add3A_241, %dma_start3A_242] : memref<128x32xf32, #tpu.memory_space<vmem>> -> memref<1x32xf32, #tpu.memory_space<vmem>>
      %dma_start3A_244 = arith.constant 0 : i32
      %dma_start3A_245 = tpu.memref_slice %arg7[%squeeze3A_237, %dma_start3A_244] : memref<1000x32xf32, #tpu.memory_space<hbm>> -> memref<1x32xf32, #tpu.memory_space<hbm>>
      %dma_start3A_246 = arith.constant 0 : i32
      %dma_start3A_247 = tpu.memref_slice %arg13[%add3A_241, %dma_start3A_246] : memref<128x32xf32, #tpu.memory_space<vmem>> -> memref<1x32xf32, #tpu.memory_space<vmem>>
      %dma_start3A_248 = arith.constant 0 : i32
      %dma_start3A_249 = tpu.memref_slice %arg7[%squeeze3A_237, %dma_start3A_248] : memref<1000x32xf32, #tpu.memory_space<hbm>> -> memref<1x32xf32, #tpu.memory_space<hbm>>
      tpu.enqueue_dma source(%dma_start3A_249 : memref<1x32xf32, #tpu.memory_space<hbm>>) target(%dma_start3A_247 : memref<1x32xf32, #tpu.memory_space<vmem>>) target_semaphore(%arg14 : memref<!tpu.dma_semaphore, #tpu.memory_space<semaphore_mem>>)
      %slice3A_250 = vector.extract_strided_slice %get3A_42 {offsets = [15], sizes = [1], strides = [1]} : vector<16xi32> to vector<1xi32>
      %squeeze3A_251 = vector.extract %slice3A_250[0] : i32 from vector<1xi32>
      %mul3A_252 = arith.constant 16 : i32
      %mul3A_253 = arith.muli %add3A_38, %mul3A_252 : i32
      %add3A_254 = arith.constant 15 : i32
      %add3A_255 = arith.addi %mul3A_253, %add3A_254 : i32
      %dma_start3A_256 = arith.constant 0 : i32
      %dma_start3A_257 = tpu.memref_slice %arg13[%add3A_255, %dma_start3A_256] : memref<128x32xf32, #tpu.memory_space<vmem>> -> memref<1x32xf32, #tpu.memory_space<vmem>>
      %dma_start3A_258 = arith.constant 0 : i32
      %dma_start3A_259 = tpu.memref_slice %arg7[%squeeze3A_251, %dma_start3A_258] : memref<1000x32xf32, #tpu.memory_space<hbm>> -> memref<1x32xf32, #tpu.memory_space<hbm>>
      %dma_start3A_260 = arith.constant 0 : i32
      %dma_start3A_261 = tpu.memref_slice %arg13[%add3A_255, %dma_start3A_260] : memref<128x32xf32, #tpu.memory_space<vmem>> -> memref<1x32xf32, #tpu.memory_space<vmem>>
      %dma_start3A_262 = arith.constant 0 : i32
      %dma_start3A_263 = tpu.memref_slice %arg7[%squeeze3A_251, %dma_start3A_262] : memref<1000x32xf32, #tpu.memory_space<hbm>> -> memref<1x32xf32, #tpu.memory_space<hbm>>
      tpu.enqueue_dma source(%dma_start3A_263 : memref<1x32xf32, #tpu.memory_space<hbm>>) target(%dma_start3A_261 : memref<1x32xf32, #tpu.memory_space<vmem>>) target_semaphore(%arg14 : memref<!tpu.dma_semaphore, #tpu.memory_space<semaphore_mem>>)
    }
    %scan3A_27 = arith.constant 8 : i32
    %dma_wait3A_28 = arith.constant 0 : i32
    %dma_wait3A_29 = arith.constant 0 : i32
    %dma_wait3A_30 = tpu.memref_slice %arg7[%dma_wait3A_28, %dma_wait3A_29] : memref<1000x32xf32, #tpu.memory_space<hbm>> -> memref<128x32xf32, #tpu.memory_space<hbm>>
    %dma_wait3A_31 = arith.constant 0 : i32
    %dma_wait3A_32 = arith.constant 0 : i32
    %dma_wait3A_33 = tpu.memref_slice %arg7[%dma_wait3A_31, %dma_wait3A_32] : memref<1000x32xf32, #tpu.memory_space<hbm>> -> memref<128x32xf32, #tpu.memory_space<hbm>>
    tpu.wait_dma2 semaphore(%arg14 : memref<!tpu.dma_semaphore, #tpu.memory_space<semaphore_mem>>) src(%dma_wait3A_33 : memref<128x32xf32, #tpu.memory_space<hbm>>) dst(%arg13 : memref<128x32xf32, #tpu.memory_space<vmem>>)
    "tpu.region"() ({
      %run_scoped3A = tpu.sem_alloc : memref<!tpu.dma_semaphore, #tpu.memory_space<semaphore_mem>>
      %dma_start3A = arith.constant 0 : i32
      %dma_start3A_34 = tpu.memref_slice %arg10[%mul3A_2, %dma_start3A] : memref<4096x32xf32, #tpu.memory_space<hbm>> -> memref<128x32xf32, #tpu.memory_space<hbm>>
      %dma_start3A_35 = arith.constant 0 : i32
      %dma_start3A_36 = tpu.memref_slice %arg10[%mul3A_2, %dma_start3A_35] : memref<4096x32xf32, #tpu.memory_space<hbm>> -> memref<128x32xf32, #tpu.memory_space<hbm>>
      tpu.enqueue_dma source(%arg13 : memref<128x32xf32, #tpu.memory_space<vmem>>) target(%dma_start3A_36 : memref<128x32xf32, #tpu.memory_space<hbm>>) target_semaphore(%run_scoped3A : memref<!tpu.dma_semaphore, #tpu.memory_space<semaphore_mem>>)
      %dma_wait3A_37 = arith.constant 0 : i32
      %dma_wait3A_38 = tpu.memref_slice %arg10[%mul3A_2, %dma_wait3A_37] : memref<4096x32xf32, #tpu.memory_space<hbm>> -> memref<128x32xf32, #tpu.memory_space<hbm>>
      %dma_wait3A_39 = arith.constant 0 : i32
      %dma_wait3A_40 = tpu.memref_slice %arg10[%mul3A_2, %dma_wait3A_39] : memref<4096x32xf32, #tpu.memory_space<hbm>> -> memref<128x32xf32, #tpu.memory_space<hbm>>
      tpu.wait_dma2 semaphore(%run_scoped3A : memref<!tpu.dma_semaphore, #tpu.memory_space<semaphore_mem>>) src(%arg13 : memref<128x32xf32, #tpu.memory_space<vmem>>) dst(%dma_wait3A_40 : memref<128x32xf32, #tpu.memory_space<hbm>>)
      tpu.yield
    }) : () -> ()
    return
  }
}

#map = affine_map<(d0, d1) -> (0, 0)>
module attributes {stable_mosaic.version = 14 : i64} {
  func.func @_sc_gather_body(%arg0: i32, %arg1: i32, %arg2: memref<50x4096xi32, #tpu.memory_space<hbm>>, %arg3: memref<100000x64xf32, #tpu.memory_space<hbm>>, %arg4: memref<4096x64xf32, #tpu.memory_space<hbm>>, %arg5: memref<50x128xi32, #tpu.memory_space<vmem>>, %arg6: memref<128x64xf32, #tpu.memory_space<vmem>>, %arg7: memref<128x64xf32, #tpu.memory_space<vmem>>, %arg8: memref<128x64xf32, #tpu.memory_space<vmem>>, %arg9: memref<128x64xf32, #tpu.memory_space<vmem>>, %arg10: memref<128x64xf32, #tpu.memory_space<vmem>>, %arg11: memref<128xi32, #tpu.memory_space<vmem>>, %arg12: memref<2048x64xf32, #tpu.memory_space<vmem_shared>>, %arg13: memref<!tpu.dma_semaphore, #tpu.memory_space<semaphore_mem>>, %arg14: memref<!tpu.dma_semaphore, #tpu.memory_space<semaphore_mem>>, %arg15: memref<!tpu.dma_semaphore, #tpu.memory_space<semaphore_mem>>, %arg16: memref<!tpu.dma_semaphore, #tpu.memory_space<semaphore_mem>>, %arg17: memref<!tpu.dma_semaphore, #tpu.memory_space<semaphore_mem>>) attributes {dimension_semantics = [#tpu.dimension_semantics<core_parallel>, #tpu.dimension_semantics<subcore_parallel>], iteration_bounds = array<i64: 2, 16>, scalar_prefetch = 0 : i64, scratch_operands = 13 : i64, tpu.core_type = #tpu.core_type<sc_vector_subcore>, window_params = [{transform_indices = #map}, {transform_indices = #map}, {transform_indices = #map}]} {
    %mul3A = arith.constant 2 : i32
    %mul3A_0 = arith.muli %arg1, %mul3A : i32
    %add3A = arith.addi %mul3A_0, %arg0 : i32
    %mul3A_1 = arith.constant 128 : i32
    %mul3A_2 = arith.muli %add3A, %mul3A_1 : i32
    "tpu.region"() ({
      %run_scoped3A = tpu.sem_alloc : memref<!tpu.dma_semaphore, #tpu.memory_space<semaphore_mem>>
      %dma_start3A_129 = arith.constant 0 : i32
      %dma_start3A_130 = tpu.memref_slice %arg2[%dma_start3A_129, %mul3A_2] : memref<50x4096xi32, #tpu.memory_space<hbm>> -> memref<50x128xi32, #tpu.memory_space<hbm>>
      %dma_start3A_131 = arith.constant 0 : i32
      %dma_start3A_132 = tpu.memref_slice %arg2[%dma_start3A_131, %mul3A_2] : memref<50x4096xi32, #tpu.memory_space<hbm>> -> memref<50x128xi32, #tpu.memory_space<hbm>>
      tpu.enqueue_dma source(%dma_start3A_132 : memref<50x128xi32, #tpu.memory_space<hbm>>) target(%arg5 : memref<50x128xi32, #tpu.memory_space<vmem>>) target_semaphore(%run_scoped3A : memref<!tpu.dma_semaphore, #tpu.memory_space<semaphore_mem>>)
      %dma_wait3A = arith.constant 0 : i32
      %dma_wait3A_133 = tpu.memref_slice %arg2[%dma_wait3A, %mul3A_2] : memref<50x4096xi32, #tpu.memory_space<hbm>> -> memref<50x128xi32, #tpu.memory_space<hbm>>
      %dma_wait3A_134 = arith.constant 0 : i32
      %dma_wait3A_135 = tpu.memref_slice %arg2[%dma_wait3A_134, %mul3A_2] : memref<50x4096xi32, #tpu.memory_space<hbm>> -> memref<50x128xi32, #tpu.memory_space<hbm>>
      tpu.wait_dma2 semaphore(%run_scoped3A : memref<!tpu.dma_semaphore, #tpu.memory_space<semaphore_mem>>) src(%dma_wait3A_135 : memref<50x128xi32, #tpu.memory_space<hbm>>) dst(%arg5 : memref<50x128xi32, #tpu.memory_space<vmem>>)
      tpu.yield
    }) : () -> ()
    %iota3A = tpu.iota {dimensions = array<i32: 0>} : vector<16xi32>
    %mul3A_3 = arith.constant 128 : i32
    %mul3A_4 = arith.muli %arg1, %mul3A_3 : i32
    %add3A_5 = arith.constant 0 : i32
    %add3A_6 = arith.addi %mul3A_4, %add3A_5 : i32
    %add3A_7 = vector.broadcast %add3A_6 : i32 to vector<16xi32>
    %add3A_8 = arith.addi %iota3A, %add3A_7 : vector<16xi32>
    %swap3A = arith.constant 0 : index
    %swap3A_9 = tpu.vector_load %arg11[%swap3A] {strides = array<i32>} : memref<128xi32, #tpu.memory_space<vmem>>, vector<16xi32>,
    %swap3A_10 = vector.shape_cast %swap3A_9 : vector<16xi32> to vector<16xi32>
    %swap3A_11 = vector.shape_cast %add3A_8 : vector<16xi32> to vector<16xi32>
    tpu.vector_store %arg11[%swap3A], %swap3A_11 {strides = array<i32>} : memref<128xi32, #tpu.memory_space<vmem>>, vector<16xi32>,
    %iota3A_12 = tpu.iota {dimensions = array<i32: 0>} : vector<16xi32>
    %mul3A_13 = arith.constant 128 : i32
    %mul3A_14 = arith.muli %arg1, %mul3A_13 : i32
    %add3A_15 = arith.constant 16 : i32
    %add3A_16 = arith.addi %mul3A_14, %add3A_15 : i32
    %add3A_17 = vector.broadcast %add3A_16 : i32 to vector<16xi32>
    %add3A_18 = arith.addi %iota3A_12, %add3A_17 : vector<16xi32>
    %swap3A_19 = arith.constant 16 : index
    %swap3A_20 = tpu.vector_load %arg11[%swap3A_19] {strides = array<i32>} : memref<128xi32, #tpu.memory_space<vmem>>, vector<16xi32>,
    %swap3A_21 = vector.shape_cast %swap3A_20 : vector<16xi32> to vector<16xi32>
    %swap3A_22 = vector.shape_cast %add3A_18 : vector<16xi32> to vector<16xi32>
    tpu.vector_store %arg11[%swap3A_19], %swap3A_22 {strides = array<i32>} : memref<128xi32, #tpu.memory_space<vmem>>, vector<16xi32>,
    %iota3A_23 = tpu.iota {dimensions = array<i32: 0>} : vector<16xi32>
    %mul3A_24 = arith.constant 128 : i32
    %mul3A_25 = arith.muli %arg1, %mul3A_24 : i32
    %add3A_26 = arith.constant 32 : i32
    %add3A_27 = arith.addi %mul3A_25, %add3A_26 : i32
    %add3A_28 = vector.broadcast %add3A_27 : i32 to vector<16xi32>
    %add3A_29 = arith.addi %iota3A_23, %add3A_28 : vector<16xi32>
    %swap3A_30 = arith.constant 32 : index
    %swap3A_31 = tpu.vector_load %arg11[%swap3A_30] {strides = array<i32>} : memref<128xi32, #tpu.memory_space<vmem>>, vector<16xi32>,
    %swap3A_32 = vector.shape_cast %swap3A_31 : vector<16xi32> to vector<16xi32>
    %swap3A_33 = vector.shape_cast %add3A_29 : vector<16xi32> to vector<16xi32>
    tpu.vector_store %arg11[%swap3A_30], %swap3A_33 {strides = array<i32>} : memref<128xi32, #tpu.memory_space<vmem>>, vector<16xi32>,
    %iota3A_34 = tpu.iota {dimensions = array<i32: 0>} : vector<16xi32>
    %mul3A_35 = arith.constant 128 : i32
    %mul3A_36 = arith.muli %arg1, %mul3A_35 : i32
    %add3A_37 = arith.constant 48 : i32
    %add3A_38 = arith.addi %mul3A_36, %add3A_37 : i32
    %add3A_39 = vector.broadcast %add3A_38 : i32 to vector<16xi32>
    %add3A_40 = arith.addi %iota3A_34, %add3A_39 : vector<16xi32>
    %swap3A_41 = arith.constant 48 : index
    %swap3A_42 = tpu.vector_load %arg11[%swap3A_41] {strides = array<i32>} : memref<128xi32, #tpu.memory_space<vmem>>, vector<16xi32>,
    %swap3A_43 = vector.shape_cast %swap3A_42 : vector<16xi32> to vector<16xi32>
    %swap3A_44 = vector.shape_cast %add3A_40 : vector<16xi32> to vector<16xi32>
    tpu.vector_store %arg11[%swap3A_41], %swap3A_44 {strides = array<i32>} : memref<128xi32, #tpu.memory_space<vmem>>, vector<16xi32>,
    %iota3A_45 = tpu.iota {dimensions = array<i32: 0>} : vector<16xi32>
    %mul3A_46 = arith.constant 128 : i32
    %mul3A_47 = arith.muli %arg1, %mul3A_46 : i32
    %add3A_48 = arith.constant 64 : i32
    %add3A_49 = arith.addi %mul3A_47, %add3A_48 : i32
    %add3A_50 = vector.broadcast %add3A_49 : i32 to vector<16xi32>
    %add3A_51 = arith.addi %iota3A_45, %add3A_50 : vector<16xi32>
    %swap3A_52 = arith.constant 64 : index
    %swap3A_53 = tpu.vector_load %arg11[%swap3A_52] {strides = array<i32>} : memref<128xi32, #tpu.memory_space<vmem>>, vector<16xi32>,
    %swap3A_54 = vector.shape_cast %swap3A_53 : vector<16xi32> to vector<16xi32>
    %swap3A_55 = vector.shape_cast %add3A_51 : vector<16xi32> to vector<16xi32>
    tpu.vector_store %arg11[%swap3A_52], %swap3A_55 {strides = array<i32>} : memref<128xi32, #tpu.memory_space<vmem>>, vector<16xi32>,
    %iota3A_56 = tpu.iota {dimensions = array<i32: 0>} : vector<16xi32>
    %mul3A_57 = arith.constant 128 : i32
    %mul3A_58 = arith.muli %arg1, %mul3A_57 : i32
    %add3A_59 = arith.constant 80 : i32
    %add3A_60 = arith.addi %mul3A_58, %add3A_59 : i32
    %add3A_61 = vector.broadcast %add3A_60 : i32 to vector<16xi32>
    %add3A_62 = arith.addi %iota3A_56, %add3A_61 : vector<16xi32>
    %swap3A_63 = arith.constant 80 : index
    %swap3A_64 = tpu.vector_load %arg11[%swap3A_63] {strides = array<i32>} : memref<128xi32, #tpu.memory_space<vmem>>, vector<16xi32>,
    %swap3A_65 = vector.shape_cast %swap3A_64 : vector<16xi32> to vector<16xi32>
    %swap3A_66 = vector.shape_cast %add3A_62 : vector<16xi32> to vector<16xi32>
    tpu.vector_store %arg11[%swap3A_63], %swap3A_66 {strides = array<i32>} : memref<128xi32, #tpu.memory_space<vmem>>, vector<16xi32>,
    %iota3A_67 = tpu.iota {dimensions = array<i32: 0>} : vector<16xi32>
    %mul3A_68 = arith.constant 128 : i32
    %mul3A_69 = arith.muli %arg1, %mul3A_68 : i32
    %add3A_70 = arith.constant 96 : i32
    %add3A_71 = arith.addi %mul3A_69, %add3A_70 : i32
    %add3A_72 = vector.broadcast %add3A_71 : i32 to vector<16xi32>
    %add3A_73 = arith.addi %iota3A_67, %add3A_72 : vector<16xi32>
    %swap3A_74 = arith.constant 96 : index
    %swap3A_75 = tpu.vector_load %arg11[%swap3A_74] {strides = array<i32>} : memref<128xi32, #tpu.memory_space<vmem>>, vector<16xi32>,
    %swap3A_76 = vector.shape_cast %swap3A_75 : vector<16xi32> to vector<16xi32>
    %swap3A_77 = vector.shape_cast %add3A_73 : vector<16xi32> to vector<16xi32>
    tpu.vector_store %arg11[%swap3A_74], %swap3A_77 {strides = array<i32>} : memref<128xi32, #tpu.memory_space<vmem>>, vector<16xi32>,
    %iota3A_78 = tpu.iota {dimensions = array<i32: 0>} : vector<16xi32>
    %mul3A_79 = arith.constant 128 : i32
    %mul3A_80 = arith.muli %arg1, %mul3A_79 : i32
    %add3A_81 = arith.constant 112 : i32
    %add3A_82 = arith.addi %mul3A_80, %add3A_81 : i32
    %add3A_83 = vector.broadcast %add3A_82 : i32 to vector<16xi32>
    %add3A_84 = arith.addi %iota3A_78, %add3A_83 : vector<16xi32>
    %swap3A_85 = arith.constant 112 : index
    %swap3A_86 = tpu.vector_load %arg11[%swap3A_85] {strides = array<i32>} : memref<128xi32, #tpu.memory_space<vmem>>, vector<16xi32>,
    %swap3A_87 = vector.shape_cast %swap3A_86 : vector<16xi32> to vector<16xi32>
    %swap3A_88 = vector.shape_cast %add3A_84 : vector<16xi32> to vector<16xi32>
    tpu.vector_store %arg11[%swap3A_85], %swap3A_88 {strides = array<i32>} : memref<128xi32, #tpu.memory_space<vmem>>, vector<16xi32>,
    %dma_start3A = arith.constant 0 : i32
    %dma_start3A_89 = arith.constant 0 : i32
    %dma_start3A_90 = tpu.memref_slice %arg5[%dma_start3A, %dma_start3A_89] : memref<50x128xi32, #tpu.memory_space<vmem>> -> memref<1x128xi32, #tpu.memory_space<vmem>>
    %dma_start3A_91 = tpu.memref_squeeze %dma_start3A_90 : memref<1x128xi32, #tpu.memory_space<vmem>> -> memref<128xi32, #tpu.memory_space<vmem>>
    %dma_start3A_92 = arith.constant 0 : i32
    %dma_start3A_93 = arith.constant 0 : i32
    %dma_start3A_94 = tpu.memref_slice %arg3[%dma_start3A_92, %dma_start3A_93] : memref<100000x64xf32, #tpu.memory_space<hbm>> -> memref<100000x64xf32, #tpu.memory_space<hbm>>
    tpu.enqueue_indirect_dma source(%dma_start3A_94 : memref<100000x64xf32, #tpu.memory_space<hbm>>) target(%arg6 : memref<128x64xf32, #tpu.memory_space<vmem>>) offsets(%dma_start3A_91 : memref<128xi32, #tpu.memory_space<vmem>>) semaphore(%arg13 : memref<!tpu.dma_semaphore, #tpu.memory_space<semaphore_mem>>)
    %dma_start3A_95 = arith.constant 1 : i32
    %dma_start3A_96 = arith.constant 0 : i32
    %dma_start3A_97 = tpu.memref_slice %arg5[%dma_start3A_95, %dma_start3A_96] : memref<50x128xi32, #tpu.memory_space<vmem>> -> memref<1x128xi32, #tpu.memory_space<vmem>>
    %dma_start3A_98 = tpu.memref_squeeze %dma_start3A_97 : memref<1x128xi32, #tpu.memory_space<vmem>> -> memref<128xi32, #tpu.memory_space<vmem>>
    %dma_start3A_99 = arith.constant 0 : i32
    %dma_start3A_100 = arith.constant 0 : i32
    %dma_start3A_101 = tpu.memref_slice %arg3[%dma_start3A_99, %dma_start3A_100] : memref<100000x64xf32, #tpu.memory_space<hbm>> -> memref<100000x64xf32, #tpu.memory_space<hbm>>
    tpu.enqueue_indirect_dma source(%dma_start3A_101 : memref<100000x64xf32, #tpu.memory_space<hbm>>) target(%arg7 : memref<128x64xf32, #tpu.memory_space<vmem>>) offsets(%dma_start3A_98 : memref<128xi32, #tpu.memory_space<vmem>>) semaphore(%arg14 : memref<!tpu.dma_semaphore, #tpu.memory_space<semaphore_mem>>)
    %dma_start3A_102 = arith.constant 2 : i32
    %dma_start3A_103 = arith.constant 0 : i32
    %dma_start3A_104 = tpu.memref_slice %arg5[%dma_start3A_102, %dma_start3A_103] : memref<50x128xi32, #tpu.memory_space<vmem>> -> memref<1x128xi32, #tpu.memory_space<vmem>>
    %dma_start3A_105 = tpu.memref_squeeze %dma_start3A_104 : memref<1x128xi32, #tpu.memory_space<vmem>> -> memref<128xi32, #tpu.memory_space<vmem>>
    %dma_start3A_106 = arith.constant 0 : i32
    %dma_start3A_107 = arith.constant 0 : i32
    %dma_start3A_108 = tpu.memref_slice %arg3[%dma_start3A_106, %dma_start3A_107] : memref<100000x64xf32, #tpu.memory_space<hbm>> -> memref<100000x64xf32, #tpu.memory_space<hbm>>
    tpu.enqueue_indirect_dma source(%dma_start3A_108 : memref<100000x64xf32, #tpu.memory_space<hbm>>) target(%arg8 : memref<128x64xf32, #tpu.memory_space<vmem>>) offsets(%dma_start3A_105 : memref<128xi32, #tpu.memory_space<vmem>>) semaphore(%arg15 : memref<!tpu.dma_semaphore, #tpu.memory_space<semaphore_mem>>)
    %dma_start3A_109 = arith.constant 3 : i32
    %dma_start3A_110 = arith.constant 0 : i32
    %dma_start3A_111 = tpu.memref_slice %arg5[%dma_start3A_109, %dma_start3A_110] : memref<50x128xi32, #tpu.memory_space<vmem>> -> memref<1x128xi32, #tpu.memory_space<vmem>>
    %dma_start3A_112 = tpu.memref_squeeze %dma_start3A_111 : memref<1x128xi32, #tpu.memory_space<vmem>> -> memref<128xi32, #tpu.memory_space<vmem>>
    %dma_start3A_113 = arith.constant 0 : i32
    %dma_start3A_114 = arith.constant 0 : i32
    %dma_start3A_115 = tpu.memref_slice %arg3[%dma_start3A_113, %dma_start3A_114] : memref<100000x64xf32, #tpu.memory_space<hbm>> -> memref<100000x64xf32, #tpu.memory_space<hbm>>
    tpu.enqueue_indirect_dma source(%dma_start3A_115 : memref<100000x64xf32, #tpu.memory_space<hbm>>) target(%arg9 : memref<128x64xf32, #tpu.memory_space<vmem>>) offsets(%dma_start3A_112 : memref<128xi32, #tpu.memory_space<vmem>>) semaphore(%arg16 : memref<!tpu.dma_semaphore, #tpu.memory_space<semaphore_mem>>)
    %dma_start3A_116 = arith.constant 4 : i32
    %dma_start3A_117 = arith.constant 0 : i32
    %dma_start3A_118 = tpu.memref_slice %arg5[%dma_start3A_116, %dma_start3A_117] : memref<50x128xi32, #tpu.memory_space<vmem>> -> memref<1x128xi32, #tpu.memory_space<vmem>>
    %dma_start3A_119 = tpu.memref_squeeze %dma_start3A_118 : memref<1x128xi32, #tpu.memory_space<vmem>> -> memref<128xi32, #tpu.memory_space<vmem>>
    %dma_start3A_120 = arith.constant 0 : i32
    %dma_start3A_121 = arith.constant 0 : i32
    %dma_start3A_122 = tpu.memref_slice %arg3[%dma_start3A_120, %dma_start3A_121] : memref<100000x64xf32, #tpu.memory_space<hbm>> -> memref<100000x64xf32, #tpu.memory_space<hbm>>
    tpu.enqueue_indirect_dma source(%dma_start3A_122 : memref<100000x64xf32, #tpu.memory_space<hbm>>) target(%arg10 : memref<128x64xf32, #tpu.memory_space<vmem>>) offsets(%dma_start3A_119 : memref<128xi32, #tpu.memory_space<vmem>>) semaphore(%arg17 : memref<!tpu.dma_semaphore, #tpu.memory_space<semaphore_mem>>)
    %scan3A = arith.constant 0 : i32
    %scan3A_123 = arith.constant 10 : i32
    %scan3A_124 = arith.addi %scan3A, %scan3A_123 : i32
    %scan3A_125 = arith.constant 1 : i32
    scf.for %scan3A_129 = %scan3A to %scan3A_124 step %scan3A_125  : i32 {
      %mul3A_130 = arith.constant 5 : i32
      %mul3A_131 = arith.muli %scan3A_129, %mul3A_130 : i32
      %add3A_132 = arith.constant 0 : i32
      %add3A_133 = arith.addi %add3A_132, %mul3A_131 : i32
      %add3A_134 = arith.constant 0 : i32
      %add3A_135 = arith.addi %add3A_133, %add3A_134 : i32
      %dma_wait3A = arith.constant 0 : i32
      %dma_wait3A_136 = tpu.memref_slice %arg5[%add3A_135, %dma_wait3A] : memref<50x128xi32, #tpu.memory_space<vmem>> -> memref<1x128xi32, #tpu.memory_space<vmem>>
      %dma_wait3A_137 = tpu.memref_squeeze %dma_wait3A_136 : memref<1x128xi32, #tpu.memory_space<vmem>> -> memref<128xi32, #tpu.memory_space<vmem>>
      %dma_wait3A_138 = arith.constant 0 : i32
      %dma_wait3A_139 = arith.constant 0 : i32
      %dma_wait3A_140 = tpu.memref_slice %arg3[%dma_wait3A_138, %dma_wait3A_139] : memref<100000x64xf32, #tpu.memory_space<hbm>> -> memref<100000x64xf32, #tpu.memory_space<hbm>>
      tpu.wait_indirect_dma semaphore(%arg13 : memref<!tpu.dma_semaphore, #tpu.memory_space<semaphore_mem>>) src(%dma_wait3A_140 : memref<100000x64xf32, #tpu.memory_space<hbm>>) dst(%arg6 : memref<128x64xf32, #tpu.memory_space<vmem>>)
      %eq3A = arith.constant 0 : i32
      %eq3A_141 = arith.cmpi eq, %add3A_133, %eq3A : i32
      %convert_element_type3A = arith.extui %eq3A_141 : i1 to i32
      %cond3A = arith.constant 0 : i32
      %cond3A_142 = arith.cmpi ne, %convert_element_type3A, %cond3A : i32
      scf.if %cond3A_142 {
        "tpu.region"() ({
          %run_scoped3A = tpu.sem_alloc : memref<!tpu.dma_semaphore, #tpu.memory_space<semaphore_mem>>
          %dma_start3A_213 = arith.constant 0 : i32
          %dma_start3A_214 = arith.constant 0 : i32
          %dma_start3A_215 = tpu.memref_slice %arg12[%dma_start3A_213, %dma_start3A_214] : memref<2048x64xf32, #tpu.memory_space<vmem_shared>> -> memref<2048x64xf32, #tpu.memory_space<vmem_shared>>
          tpu.enqueue_indirect_dma source(%arg6 : memref<128x64xf32, #tpu.memory_space<vmem>>) target(%dma_start3A_215 : memref<2048x64xf32, #tpu.memory_space<vmem_shared>>) offsets(%arg11 : memref<128xi32, #tpu.memory_space<vmem>>) semaphore(%run_scoped3A : memref<!tpu.dma_semaphore, #tpu.memory_space<semaphore_mem>>)
          %dma_wait3A_216 = arith.constant 0 : i32
          %dma_wait3A_217 = arith.constant 0 : i32
          %dma_wait3A_218 = tpu.memref_slice %arg12[%dma_wait3A_216, %dma_wait3A_217] : memref<2048x64xf32, #tpu.memory_space<vmem_shared>> -> memref<2048x64xf32, #tpu.memory_space<vmem_shared>>
          tpu.wait_indirect_dma semaphore(%run_scoped3A : memref<!tpu.dma_semaphore, #tpu.memory_space<semaphore_mem>>) src(%arg6 : memref<128x64xf32, #tpu.memory_space<vmem>>) dst(%dma_wait3A_218 : memref<2048x64xf32, #tpu.memory_space<vmem_shared>>)
          tpu.yield
        }) : () -> ()
      } else {
      }
      %gt3A = arith.constant 0 : i32
      %gt3A_143 = arith.cmpi sgt, %add3A_133, %gt3A : i32
      %convert_element_type3A_144 = arith.extui %gt3A_143 : i1 to i32
      %cond3A_145 = arith.constant 0 : i32
      %cond3A_146 = arith.cmpi ne, %convert_element_type3A_144, %cond3A_145 : i32
      scf.if %cond3A_146 {
        "tpu.region"() ({
          %run_scoped3A = tpu.sem_alloc : memref<!tpu.dma_semaphore, #tpu.memory_space<semaphore_mem>>
          %dma_start3A_213 = arith.constant 0 : i32
          %dma_start3A_214 = arith.constant 0 : i32
          %dma_start3A_215 = tpu.memref_slice %arg12[%dma_start3A_213, %dma_start3A_214] : memref<2048x64xf32, #tpu.memory_space<vmem_shared>> -> memref<2048x64xf32, #tpu.memory_space<vmem_shared>>
          tpu.enqueue_indirect_dma source(%arg6 : memref<128x64xf32, #tpu.memory_space<vmem>>) target(%dma_start3A_215 : memref<2048x64xf32, #tpu.memory_space<vmem_shared>>) offsets(%arg11 : memref<128xi32, #tpu.memory_space<vmem>>) semaphore(%run_scoped3A : memref<!tpu.dma_semaphore, #tpu.memory_space<semaphore_mem>>) {add = true}
          %dma_wait3A_216 = arith.constant 0 : i32
          %dma_wait3A_217 = arith.constant 0 : i32
          %dma_wait3A_218 = tpu.memref_slice %arg12[%dma_wait3A_216, %dma_wait3A_217] : memref<2048x64xf32, #tpu.memory_space<vmem_shared>> -> memref<2048x64xf32, #tpu.memory_space<vmem_shared>>
          tpu.wait_indirect_dma semaphore(%run_scoped3A : memref<!tpu.dma_semaphore, #tpu.memory_space<semaphore_mem>>) src(%arg6 : memref<128x64xf32, #tpu.memory_space<vmem>>) dst(%dma_wait3A_218 : memref<2048x64xf32, #tpu.memory_space<vmem_shared>>)
          tpu.yield
        }) : () -> ()
      } else {
      }
      %add3A_147 = arith.constant 5 : i32
      %add3A_148 = arith.addi %add3A_135, %add3A_147 : i32
      %lt3A = arith.constant 50 : i32
      %lt3A_149 = arith.cmpi slt, %add3A_148, %lt3A : i32
      %convert_element_type3A_150 = arith.extui %lt3A_149 : i1 to i32
      %cond3A_151 = arith.constant 0 : i32
      %cond3A_152 = arith.cmpi ne, %convert_element_type3A_150, %cond3A_151 : i32
      scf.if %cond3A_152 {
        %add3A_213 = arith.constant 5 : i32
        %add3A_214 = arith.addi %add3A_135, %add3A_213 : i32
        %dma_start3A_215 = arith.constant 0 : i32
        %dma_start3A_216 = tpu.memref_slice %arg5[%add3A_214, %dma_start3A_215] : memref<50x128xi32, #tpu.memory_space<vmem>> -> memref<1x128xi32, #tpu.memory_space<vmem>>
        %dma_start3A_217 = tpu.memref_squeeze %dma_start3A_216 : memref<1x128xi32, #tpu.memory_space<vmem>> -> memref<128xi32, #tpu.memory_space<vmem>>
        %dma_start3A_218 = arith.constant 0 : i32
        %dma_start3A_219 = arith.constant 0 : i32
        %dma_start3A_220 = tpu.memref_slice %arg3[%dma_start3A_218, %dma_start3A_219] : memref<100000x64xf32, #tpu.memory_space<hbm>> -> memref<100000x64xf32, #tpu.memory_space<hbm>>
        tpu.enqueue_indirect_dma source(%dma_start3A_220 : memref<100000x64xf32, #tpu.memory_space<hbm>>) target(%arg6 : memref<128x64xf32, #tpu.memory_space<vmem>>) offsets(%dma_start3A_217 : memref<128xi32, #tpu.memory_space<vmem>>) semaphore(%arg13 : memref<!tpu.dma_semaphore, #tpu.memory_space<semaphore_mem>>)
      } else {
      }
      %add3A_153 = arith.constant 1 : i32
      %add3A_154 = arith.addi %add3A_133, %add3A_153 : i32
      %dma_wait3A_155 = arith.constant 0 : i32
      %dma_wait3A_156 = tpu.memref_slice %arg5[%add3A_154, %dma_wait3A_155] : memref<50x128xi32, #tpu.memory_space<vmem>> -> memref<1x128xi32, #tpu.memory_space<vmem>>
      %dma_wait3A_157 = tpu.memref_squeeze %dma_wait3A_156 : memref<1x128xi32, #tpu.memory_space<vmem>> -> memref<128xi32, #tpu.memory_space<vmem>>
      %dma_wait3A_158 = arith.constant 0 : i32
      %dma_wait3A_159 = arith.constant 0 : i32
      %dma_wait3A_160 = tpu.memref_slice %arg3[%dma_wait3A_158, %dma_wait3A_159] : memref<100000x64xf32, #tpu.memory_space<hbm>> -> memref<100000x64xf32, #tpu.memory_space<hbm>>
      tpu.wait_indirect_dma semaphore(%arg14 : memref<!tpu.dma_semaphore, #tpu.memory_space<semaphore_mem>>) src(%dma_wait3A_160 : memref<100000x64xf32, #tpu.memory_space<hbm>>) dst(%arg7 : memref<128x64xf32, #tpu.memory_space<vmem>>)
      "tpu.region"() ({
        %run_scoped3A = tpu.sem_alloc : memref<!tpu.dma_semaphore, #tpu.memory_space<semaphore_mem>>
        %dma_start3A_213 = arith.constant 0 : i32
        %dma_start3A_214 = arith.constant 0 : i32
        %dma_start3A_215 = tpu.memref_slice %arg12[%dma_start3A_213, %dma_start3A_214] : memref<2048x64xf32, #tpu.memory_space<vmem_shared>> -> memref<2048x64xf32, #tpu.memory_space<vmem_shared>>
        tpu.enqueue_indirect_dma source(%arg7 : memref<128x64xf32, #tpu.memory_space<vmem>>) target(%dma_start3A_215 : memref<2048x64xf32, #tpu.memory_space<vmem_shared>>) offsets(%arg11 : memref<128xi32, #tpu.memory_space<vmem>>) semaphore(%run_scoped3A : memref<!tpu.dma_semaphore, #tpu.memory_space<semaphore_mem>>) {add = true}
        %dma_wait3A_216 = arith.constant 0 : i32
        %dma_wait3A_217 = arith.constant 0 : i32
        %dma_wait3A_218 = tpu.memref_slice %arg12[%dma_wait3A_216, %dma_wait3A_217] : memref<2048x64xf32, #tpu.memory_space<vmem_shared>> -> memref<2048x64xf32, #tpu.memory_space<vmem_shared>>
        tpu.wait_indirect_dma semaphore(%run_scoped3A : memref<!tpu.dma_semaphore, #tpu.memory_space<semaphore_mem>>) src(%arg7 : memref<128x64xf32, #tpu.memory_space<vmem>>) dst(%dma_wait3A_218 : memref<2048x64xf32, #tpu.memory_space<vmem_shared>>)
        tpu.yield
      }) : () -> ()
      %add3A_161 = arith.constant 5 : i32
      %add3A_162 = arith.addi %add3A_154, %add3A_161 : i32
      %lt3A_163 = arith.constant 50 : i32
      %lt3A_164 = arith.cmpi slt, %add3A_162, %lt3A_163 : i32
      %convert_element_type3A_165 = arith.extui %lt3A_164 : i1 to i32
      %cond3A_166 = arith.constant 0 : i32
      %cond3A_167 = arith.cmpi ne, %convert_element_type3A_165, %cond3A_166 : i32
      scf.if %cond3A_167 {
        %add3A_213 = arith.constant 5 : i32
        %add3A_214 = arith.addi %add3A_154, %add3A_213 : i32
        %dma_start3A_215 = arith.constant 0 : i32
        %dma_start3A_216 = tpu.memref_slice %arg5[%add3A_214, %dma_start3A_215] : memref<50x128xi32, #tpu.memory_space<vmem>> -> memref<1x128xi32, #tpu.memory_space<vmem>>
        %dma_start3A_217 = tpu.memref_squeeze %dma_start3A_216 : memref<1x128xi32, #tpu.memory_space<vmem>> -> memref<128xi32, #tpu.memory_space<vmem>>
        %dma_start3A_218 = arith.constant 0 : i32
        %dma_start3A_219 = arith.constant 0 : i32
        %dma_start3A_220 = tpu.memref_slice %arg3[%dma_start3A_218, %dma_start3A_219] : memref<100000x64xf32, #tpu.memory_space<hbm>> -> memref<100000x64xf32, #tpu.memory_space<hbm>>
        tpu.enqueue_indirect_dma source(%dma_start3A_220 : memref<100000x64xf32, #tpu.memory_space<hbm>>) target(%arg7 : memref<128x64xf32, #tpu.memory_space<vmem>>) offsets(%dma_start3A_217 : memref<128xi32, #tpu.memory_space<vmem>>) semaphore(%arg14 : memref<!tpu.dma_semaphore, #tpu.memory_space<semaphore_mem>>)
      } else {
      }
      %add3A_168 = arith.constant 2 : i32
      %add3A_169 = arith.addi %add3A_133, %add3A_168 : i32
      %dma_wait3A_170 = arith.constant 0 : i32
      %dma_wait3A_171 = tpu.memref_slice %arg5[%add3A_169, %dma_wait3A_170] : memref<50x128xi32, #tpu.memory_space<vmem>> -> memref<1x128xi32, #tpu.memory_space<vmem>>
      %dma_wait3A_172 = tpu.memref_squeeze %dma_wait3A_171 : memref<1x128xi32, #tpu.memory_space<vmem>> -> memref<128xi32, #tpu.memory_space<vmem>>
      %dma_wait3A_173 = arith.constant 0 : i32
      %dma_wait3A_174 = arith.constant 0 : i32
      %dma_wait3A_175 = tpu.memref_slice %arg3[%dma_wait3A_173, %dma_wait3A_174] : memref<100000x64xf32, #tpu.memory_space<hbm>> -> memref<100000x64xf32, #tpu.memory_space<hbm>>
      tpu.wait_indirect_dma semaphore(%arg15 : memref<!tpu.dma_semaphore, #tpu.memory_space<semaphore_mem>>) src(%dma_wait3A_175 : memref<100000x64xf32, #tpu.memory_space<hbm>>) dst(%arg8 : memref<128x64xf32, #tpu.memory_space<vmem>>)
      "tpu.region"() ({
        %run_scoped3A = tpu.sem_alloc : memref<!tpu.dma_semaphore, #tpu.memory_space<semaphore_mem>>
        %dma_start3A_213 = arith.constant 0 : i32
        %dma_start3A_214 = arith.constant 0 : i32
        %dma_start3A_215 = tpu.memref_slice %arg12[%dma_start3A_213, %dma_start3A_214] : memref<2048x64xf32, #tpu.memory_space<vmem_shared>> -> memref<2048x64xf32, #tpu.memory_space<vmem_shared>>
        tpu.enqueue_indirect_dma source(%arg8 : memref<128x64xf32, #tpu.memory_space<vmem>>) target(%dma_start3A_215 : memref<2048x64xf32, #tpu.memory_space<vmem_shared>>) offsets(%arg11 : memref<128xi32, #tpu.memory_space<vmem>>) semaphore(%run_scoped3A : memref<!tpu.dma_semaphore, #tpu.memory_space<semaphore_mem>>) {add = true}
        %dma_wait3A_216 = arith.constant 0 : i32
        %dma_wait3A_217 = arith.constant 0 : i32
        %dma_wait3A_218 = tpu.memref_slice %arg12[%dma_wait3A_216, %dma_wait3A_217] : memref<2048x64xf32, #tpu.memory_space<vmem_shared>> -> memref<2048x64xf32, #tpu.memory_space<vmem_shared>>
        tpu.wait_indirect_dma semaphore(%run_scoped3A : memref<!tpu.dma_semaphore, #tpu.memory_space<semaphore_mem>>) src(%arg8 : memref<128x64xf32, #tpu.memory_space<vmem>>) dst(%dma_wait3A_218 : memref<2048x64xf32, #tpu.memory_space<vmem_shared>>)
        tpu.yield
      }) : () -> ()
      %add3A_176 = arith.constant 5 : i32
      %add3A_177 = arith.addi %add3A_169, %add3A_176 : i32
      %lt3A_178 = arith.constant 50 : i32
      %lt3A_179 = arith.cmpi slt, %add3A_177, %lt3A_178 : i32
      %convert_element_type3A_180 = arith.extui %lt3A_179 : i1 to i32
      %cond3A_181 = arith.constant 0 : i32
      %cond3A_182 = arith.cmpi ne, %convert_element_type3A_180, %cond3A_181 : i32
      scf.if %cond3A_182 {
        %add3A_213 = arith.constant 5 : i32
        %add3A_214 = arith.addi %add3A_169, %add3A_213 : i32
        %dma_start3A_215 = arith.constant 0 : i32
        %dma_start3A_216 = tpu.memref_slice %arg5[%add3A_214, %dma_start3A_215] : memref<50x128xi32, #tpu.memory_space<vmem>> -> memref<1x128xi32, #tpu.memory_space<vmem>>
        %dma_start3A_217 = tpu.memref_squeeze %dma_start3A_216 : memref<1x128xi32, #tpu.memory_space<vmem>> -> memref<128xi32, #tpu.memory_space<vmem>>
        %dma_start3A_218 = arith.constant 0 : i32
        %dma_start3A_219 = arith.constant 0 : i32
        %dma_start3A_220 = tpu.memref_slice %arg3[%dma_start3A_218, %dma_start3A_219] : memref<100000x64xf32, #tpu.memory_space<hbm>> -> memref<100000x64xf32, #tpu.memory_space<hbm>>
        tpu.enqueue_indirect_dma source(%dma_start3A_220 : memref<100000x64xf32, #tpu.memory_space<hbm>>) target(%arg8 : memref<128x64xf32, #tpu.memory_space<vmem>>) offsets(%dma_start3A_217 : memref<128xi32, #tpu.memory_space<vmem>>) semaphore(%arg15 : memref<!tpu.dma_semaphore, #tpu.memory_space<semaphore_mem>>)
      } else {
      }
      %add3A_183 = arith.constant 3 : i32
      %add3A_184 = arith.addi %add3A_133, %add3A_183 : i32
      %dma_wait3A_185 = arith.constant 0 : i32
      %dma_wait3A_186 = tpu.memref_slice %arg5[%add3A_184, %dma_wait3A_185] : memref<50x128xi32, #tpu.memory_space<vmem>> -> memref<1x128xi32, #tpu.memory_space<vmem>>
      %dma_wait3A_187 = tpu.memref_squeeze %dma_wait3A_186 : memref<1x128xi32, #tpu.memory_space<vmem>> -> memref<128xi32, #tpu.memory_space<vmem>>
      %dma_wait3A_188 = arith.constant 0 : i32
      %dma_wait3A_189 = arith.constant 0 : i32
      %dma_wait3A_190 = tpu.memref_slice %arg3[%dma_wait3A_188, %dma_wait3A_189] : memref<100000x64xf32, #tpu.memory_space<hbm>> -> memref<100000x64xf32, #tpu.memory_space<hbm>>
      tpu.wait_indirect_dma semaphore(%arg16 : memref<!tpu.dma_semaphore, #tpu.memory_space<semaphore_mem>>) src(%dma_wait3A_190 : memref<100000x64xf32, #tpu.memory_space<hbm>>) dst(%arg9 : memref<128x64xf32, #tpu.memory_space<vmem>>)
      "tpu.region"() ({
        %run_scoped3A = tpu.sem_alloc : memref<!tpu.dma_semaphore, #tpu.memory_space<semaphore_mem>>
        %dma_start3A_213 = arith.constant 0 : i32
        %dma_start3A_214 = arith.constant 0 : i32
        %dma_start3A_215 = tpu.memref_slice %arg12[%dma_start3A_213, %dma_start3A_214] : memref<2048x64xf32, #tpu.memory_space<vmem_shared>> -> memref<2048x64xf32, #tpu.memory_space<vmem_shared>>
        tpu.enqueue_indirect_dma source(%arg9 : memref<128x64xf32, #tpu.memory_space<vmem>>) target(%dma_start3A_215 : memref<2048x64xf32, #tpu.memory_space<vmem_shared>>) offsets(%arg11 : memref<128xi32, #tpu.memory_space<vmem>>) semaphore(%run_scoped3A : memref<!tpu.dma_semaphore, #tpu.memory_space<semaphore_mem>>) {add = true}
        %dma_wait3A_216 = arith.constant 0 : i32
        %dma_wait3A_217 = arith.constant 0 : i32
        %dma_wait3A_218 = tpu.memref_slice %arg12[%dma_wait3A_216, %dma_wait3A_217] : memref<2048x64xf32, #tpu.memory_space<vmem_shared>> -> memref<2048x64xf32, #tpu.memory_space<vmem_shared>>
        tpu.wait_indirect_dma semaphore(%run_scoped3A : memref<!tpu.dma_semaphore, #tpu.memory_space<semaphore_mem>>) src(%arg9 : memref<128x64xf32, #tpu.memory_space<vmem>>) dst(%dma_wait3A_218 : memref<2048x64xf32, #tpu.memory_space<vmem_shared>>)
        tpu.yield
      }) : () -> ()
      %add3A_191 = arith.constant 5 : i32
      %add3A_192 = arith.addi %add3A_184, %add3A_191 : i32
      %lt3A_193 = arith.constant 50 : i32
      %lt3A_194 = arith.cmpi slt, %add3A_192, %lt3A_193 : i32
      %convert_element_type3A_195 = arith.extui %lt3A_194 : i1 to i32
      %cond3A_196 = arith.constant 0 : i32
      %cond3A_197 = arith.cmpi ne, %convert_element_type3A_195, %cond3A_196 : i32
      scf.if %cond3A_197 {
        %add3A_213 = arith.constant 5 : i32
        %add3A_214 = arith.addi %add3A_184, %add3A_213 : i32
        %dma_start3A_215 = arith.constant 0 : i32
        %dma_start3A_216 = tpu.memref_slice %arg5[%add3A_214, %dma_start3A_215] : memref<50x128xi32, #tpu.memory_space<vmem>> -> memref<1x128xi32, #tpu.memory_space<vmem>>
        %dma_start3A_217 = tpu.memref_squeeze %dma_start3A_216 : memref<1x128xi32, #tpu.memory_space<vmem>> -> memref<128xi32, #tpu.memory_space<vmem>>
        %dma_start3A_218 = arith.constant 0 : i32
        %dma_start3A_219 = arith.constant 0 : i32
        %dma_start3A_220 = tpu.memref_slice %arg3[%dma_start3A_218, %dma_start3A_219] : memref<100000x64xf32, #tpu.memory_space<hbm>> -> memref<100000x64xf32, #tpu.memory_space<hbm>>
        tpu.enqueue_indirect_dma source(%dma_start3A_220 : memref<100000x64xf32, #tpu.memory_space<hbm>>) target(%arg9 : memref<128x64xf32, #tpu.memory_space<vmem>>) offsets(%dma_start3A_217 : memref<128xi32, #tpu.memory_space<vmem>>) semaphore(%arg16 : memref<!tpu.dma_semaphore, #tpu.memory_space<semaphore_mem>>)
      } else {
      }
      %add3A_198 = arith.constant 4 : i32
      %add3A_199 = arith.addi %add3A_133, %add3A_198 : i32
      %dma_wait3A_200 = arith.constant 0 : i32
      %dma_wait3A_201 = tpu.memref_slice %arg5[%add3A_199, %dma_wait3A_200] : memref<50x128xi32, #tpu.memory_space<vmem>> -> memref<1x128xi32, #tpu.memory_space<vmem>>
      %dma_wait3A_202 = tpu.memref_squeeze %dma_wait3A_201 : memref<1x128xi32, #tpu.memory_space<vmem>> -> memref<128xi32, #tpu.memory_space<vmem>>
      %dma_wait3A_203 = arith.constant 0 : i32
      %dma_wait3A_204 = arith.constant 0 : i32
      %dma_wait3A_205 = tpu.memref_slice %arg3[%dma_wait3A_203, %dma_wait3A_204] : memref<100000x64xf32, #tpu.memory_space<hbm>> -> memref<100000x64xf32, #tpu.memory_space<hbm>>
      tpu.wait_indirect_dma semaphore(%arg17 : memref<!tpu.dma_semaphore, #tpu.memory_space<semaphore_mem>>) src(%dma_wait3A_205 : memref<100000x64xf32, #tpu.memory_space<hbm>>) dst(%arg10 : memref<128x64xf32, #tpu.memory_space<vmem>>)
      "tpu.region"() ({
        %run_scoped3A = tpu.sem_alloc : memref<!tpu.dma_semaphore, #tpu.memory_space<semaphore_mem>>
        %dma_start3A_213 = arith.constant 0 : i32
        %dma_start3A_214 = arith.constant 0 : i32
        %dma_start3A_215 = tpu.memref_slice %arg12[%dma_start3A_213, %dma_start3A_214] : memref<2048x64xf32, #tpu.memory_space<vmem_shared>> -> memref<2048x64xf32, #tpu.memory_space<vmem_shared>>
        tpu.enqueue_indirect_dma source(%arg10 : memref<128x64xf32, #tpu.memory_space<vmem>>) target(%dma_start3A_215 : memref<2048x64xf32, #tpu.memory_space<vmem_shared>>) offsets(%arg11 : memref<128xi32, #tpu.memory_space<vmem>>) semaphore(%run_scoped3A : memref<!tpu.dma_semaphore, #tpu.memory_space<semaphore_mem>>) {add = true}
        %dma_wait3A_216 = arith.constant 0 : i32
        %dma_wait3A_217 = arith.constant 0 : i32
        %dma_wait3A_218 = tpu.memref_slice %arg12[%dma_wait3A_216, %dma_wait3A_217] : memref<2048x64xf32, #tpu.memory_space<vmem_shared>> -> memref<2048x64xf32, #tpu.memory_space<vmem_shared>>
        tpu.wait_indirect_dma semaphore(%run_scoped3A : memref<!tpu.dma_semaphore, #tpu.memory_space<semaphore_mem>>) src(%arg10 : memref<128x64xf32, #tpu.memory_space<vmem>>) dst(%dma_wait3A_218 : memref<2048x64xf32, #tpu.memory_space<vmem_shared>>)
        tpu.yield
      }) : () -> ()
      %add3A_206 = arith.constant 5 : i32
      %add3A_207 = arith.addi %add3A_199, %add3A_206 : i32
      %lt3A_208 = arith.constant 50 : i32
      %lt3A_209 = arith.cmpi slt, %add3A_207, %lt3A_208 : i32
      %convert_element_type3A_210 = arith.extui %lt3A_209 : i1 to i32
      %cond3A_211 = arith.constant 0 : i32
      %cond3A_212 = arith.cmpi ne, %convert_element_type3A_210, %cond3A_211 : i32
      scf.if %cond3A_212 {
        %add3A_213 = arith.constant 5 : i32
        %add3A_214 = arith.addi %add3A_199, %add3A_213 : i32
        %dma_start3A_215 = arith.constant 0 : i32
        %dma_start3A_216 = tpu.memref_slice %arg5[%add3A_214, %dma_start3A_215] : memref<50x128xi32, #tpu.memory_space<vmem>> -> memref<1x128xi32, #tpu.memory_space<vmem>>
        %dma_start3A_217 = tpu.memref_squeeze %dma_start3A_216 : memref<1x128xi32, #tpu.memory_space<vmem>> -> memref<128xi32, #tpu.memory_space<vmem>>
        %dma_start3A_218 = arith.constant 0 : i32
        %dma_start3A_219 = arith.constant 0 : i32
        %dma_start3A_220 = tpu.memref_slice %arg3[%dma_start3A_218, %dma_start3A_219] : memref<100000x64xf32, #tpu.memory_space<hbm>> -> memref<100000x64xf32, #tpu.memory_space<hbm>>
        tpu.enqueue_indirect_dma source(%dma_start3A_220 : memref<100000x64xf32, #tpu.memory_space<hbm>>) target(%arg10 : memref<128x64xf32, #tpu.memory_space<vmem>>) offsets(%dma_start3A_217 : memref<128xi32, #tpu.memory_space<vmem>>) semaphore(%arg17 : memref<!tpu.dma_semaphore, #tpu.memory_space<semaphore_mem>>)
      } else {
      }
    }
    %scan3A_126 = arith.constant 10 : i32
    %mul3A_127 = arith.constant 128 : i32
    %mul3A_128 = arith.muli %arg1, %mul3A_127 : i32
    "tpu.region"() ({
      %run_scoped3A = tpu.sem_alloc : memref<!tpu.dma_semaphore, #tpu.memory_space<semaphore_mem>>
      %dma_start3A_129 = arith.constant 0 : i32
      %dma_start3A_130 = tpu.memref_slice %arg4[%mul3A_2, %dma_start3A_129] : memref<4096x64xf32, #tpu.memory_space<hbm>> -> memref<128x64xf32, #tpu.memory_space<hbm>>
      %dma_start3A_131 = arith.constant 0 : i32
      %dma_start3A_132 = tpu.memref_slice %arg12[%mul3A_128, %dma_start3A_131] : memref<2048x64xf32, #tpu.memory_space<vmem_shared>> -> memref<128x64xf32, #tpu.memory_space<vmem_shared>>
      tpu.enqueue_dma source(%dma_start3A_132 : memref<128x64xf32, #tpu.memory_space<vmem_shared>>) target(%dma_start3A_130 : memref<128x64xf32, #tpu.memory_space<hbm>>) target_semaphore(%run_scoped3A : memref<!tpu.dma_semaphore, #tpu.memory_space<semaphore_mem>>)
      %dma_wait3A = arith.constant 0 : i32
      %dma_wait3A_133 = tpu.memref_slice %arg4[%mul3A_2, %dma_wait3A] : memref<4096x64xf32, #tpu.memory_space<hbm>> -> memref<128x64xf32, #tpu.memory_space<hbm>>
      %dma_wait3A_134 = arith.constant 0 : i32
      %dma_wait3A_135 = tpu.memref_slice %arg12[%mul3A_128, %dma_wait3A_134] : memref<2048x64xf32, #tpu.memory_space<vmem_shared>> -> memref<128x64xf32, #tpu.memory_space<vmem_shared>>
      tpu.wait_dma2 semaphore(%run_scoped3A : memref<!tpu.dma_semaphore, #tpu.memory_space<semaphore_mem>>) src(%dma_wait3A_135 : memref<128x64xf32, #tpu.memory_space<vmem_shared>>) dst(%dma_wait3A_133 : memref<128x64xf32, #tpu.memory_space<hbm>>)
      tpu.yield
    }) : () -> ()
    return
  }
}

module attributes {stable_mosaic.version = 14 : i64} {
  func.func @_tc_body(%arg0: i32, %arg1: memref<512x1xf32, #tpu.memory_space<vmem>>, %arg2: memref<1x32xf32, #tpu.memory_space<vmem>>, %arg3: memref<1x32xf32, #tpu.memory_space<vmem>>, %arg4: memref<512x64xf32, #tpu.memory_space<vmem>>, %arg5: memref<512x64xf32, #tpu.memory_space<vmem>>, %arg6: memref<512x64xf32, #tpu.memory_space<vmem>>, %arg7: memref<512x32xf32, #tpu.memory_space<vmem>>, %arg8: memref<512x256xf32, #tpu.memory_space<vmem>>, %arg9: memref<512x256xf32, #tpu.memory_space<vmem>>) attributes {dimension_semantics = [#tpu.dimension_semantics<arbitrary>], iteration_bounds = array<i64: 8>, scalar_prefetch = 0 : i64, scratch_operands = 0 : i64, tpu.core_type = #tpu.core_type<tc>, window_params = [{transform_indices = @transform_0, window_bounds = array<i64: 512, 1>}, {pipeline_mode = #tpu.pipeline_mode<synchronous>, transform_indices = @transform_1, window_bounds = array<i64: 1, 32>}, {pipeline_mode = #tpu.pipeline_mode<synchronous>, transform_indices = @transform_2, window_bounds = array<i64: 1, 32>}, {transform_indices = @transform_3, window_bounds = array<i64: 512, 64>}, {transform_indices = @transform_4, window_bounds = array<i64: 512, 64>}, {transform_indices = @transform_5, window_bounds = array<i64: 512, 64>}, {transform_indices = @transform_6, window_bounds = array<i64: 512, 32>}, {transform_indices = @transform_7, window_bounds = array<i64: 512, 256>}, {transform_indices = @transform_8, window_bounds = array<i64: 512, 256>}]} {
    %get3A = arith.constant 0 : index
    %get3A_0 = arith.constant 0 : index
    %get3A_1 = vector.load %arg4[%get3A, %get3A_0] : memref<512x64xf32, #tpu.memory_space<vmem>>, vector<512x64xf32>
    %get3A_2 = arith.constant 0 : index
    %get3A_3 = arith.constant 0 : index
    %get3A_4 = vector.load %arg5[%get3A_2, %get3A_3] : memref<512x64xf32, #tpu.memory_space<vmem>>, vector<512x64xf32>
    %get3A_5 = arith.constant 0 : index
    %get3A_6 = arith.constant 0 : index
    %get3A_7 = vector.load %arg6[%get3A_5, %get3A_6] : memref<512x64xf32, #tpu.memory_space<vmem>>, vector<512x64xf32>
    %mul3A = arith.constant 2.000000e-02 : f32
    %mul3A_8 = vector.broadcast %mul3A : f32 to vector<512x64xf32>
    %mul3A_9 = arith.mulf %get3A_7, %mul3A_8 : vector<512x64xf32>
    %get3A_10 = arith.constant 0 : index
    %get3A_11 = arith.constant 0 : index
    %get3A_12 = vector.load %arg7[%get3A_10, %get3A_11] : memref<512x32xf32, #tpu.memory_space<vmem>>, vector<512x32xf32>
    %get3A_13 = arith.constant 0 : index
    %get3A_14 = arith.constant 0 : index
    %get3A_15 = vector.load %arg1[%get3A_13, %get3A_14] : memref<512x1xf32, #tpu.memory_space<vmem>>, vector<512x1xf32>
    %get3A_16 = arith.constant 0 : index
    %get3A_17 = arith.constant 0 : index
    %get3A_18 = vector.load %arg2[%get3A_16, %get3A_17] : memref<1x32xf32, #tpu.memory_space<vmem>>, vector<1x32xf32>
    %mul3A_19 = vector.broadcast %get3A_15 : vector<512x1xf32> to vector<512x32xf32>
    %mul3A_20 = vector.broadcast %get3A_18 : vector<1x32xf32> to vector<512x32xf32>
    %mul3A_21 = arith.mulf %mul3A_19, %mul3A_20 : vector<512x32xf32>
    %get3A_22 = arith.constant 0 : index
    %get3A_23 = arith.constant 0 : index
    %get3A_24 = vector.load %arg3[%get3A_22, %get3A_23] : memref<1x32xf32, #tpu.memory_space<vmem>>, vector<1x32xf32>
    %add3A = vector.broadcast %get3A_24 : vector<1x32xf32> to vector<512x32xf32>
    %add3A_25 = arith.addf %mul3A_21, %add3A : vector<512x32xf32>
    %concatenate3A = tpu.concatenate %get3A_1, %get3A_4, %mul3A_9, %get3A_12, %add3A_25 in 1 : vector<512x64xf32>, vector<512x64xf32>, vector<512x64xf32>, vector<512x32xf32>, vector<512x32xf32> -> vector<512x256xf32>
    %swap3A = arith.constant 0 : index
    %swap3A_26 = arith.constant 0 : index
    %swap3A_27 = vector.load %arg8[%swap3A, %swap3A_26] : memref<512x256xf32, #tpu.memory_space<vmem>>, vector<512x256xf32>
    tpu.vector_store %arg8[%swap3A, %swap3A_26], %concatenate3A {strides = array<i32>} : memref<512x256xf32, #tpu.memory_space<vmem>>, vector<512x256xf32>,
    %reduce_sum3A = arith.constant dense<0.000000e+00> : vector<512xf32>
    %reduce_sum3A_28 = vector.multi_reduction <add>, %get3A_1, %reduce_sum3A [1] : vector<512x64xf32> to vector<512xf32>
    %broadcast_in_dim3A = vector.shape_cast %reduce_sum3A_28 : vector<512xf32> to vector<512x1xf32>
    %div3A = arith.constant 6.400000e+01 : f32
    %div3A_29 = vector.broadcast %div3A : f32 to vector<512x1xf32>
    %div3A_30 = arith.divf %broadcast_in_dim3A, %div3A_29 : vector<512x1xf32>
    %sub3A = vector.broadcast %div3A_30 : vector<512x1xf32> to vector<512x64xf32>
    %sub3A_31 = arith.subf %get3A_1, %sub3A : vector<512x64xf32>
    %integer_pow3A = arith.mulf %sub3A_31, %sub3A_31 : vector<512x64xf32>
    %reduce_sum3A_32 = arith.constant dense<0.000000e+00> : vector<512xf32>
    %reduce_sum3A_33 = vector.multi_reduction <add>, %integer_pow3A, %reduce_sum3A_32 [1] : vector<512x64xf32> to vector<512xf32>
    %broadcast_in_dim3A_34 = vector.shape_cast %reduce_sum3A_33 : vector<512xf32> to vector<512x1xf32>
    %div3A_35 = arith.constant 6.400000e+01 : f32
    %div3A_36 = vector.broadcast %div3A_35 : f32 to vector<512x1xf32>
    %div3A_37 = arith.divf %broadcast_in_dim3A_34, %div3A_36 : vector<512x1xf32>
    %sub3A_38 = vector.broadcast %div3A_30 : vector<512x1xf32> to vector<512x64xf32>
    %sub3A_39 = arith.subf %get3A_1, %sub3A_38 : vector<512x64xf32>
    %add3A_40 = arith.constant 9.99999974E-6 : f32
    %add3A_41 = vector.broadcast %add3A_40 : f32 to vector<512x1xf32>
    %add3A_42 = arith.addf %div3A_37, %add3A_41 : vector<512x1xf32>
    %rsqrt3A = math.rsqrt %add3A_42 : vector<512x1xf32>
    %mul3A_43 = vector.broadcast %rsqrt3A : vector<512x1xf32> to vector<512x64xf32>
    %mul3A_44 = arith.mulf %sub3A_39, %mul3A_43 : vector<512x64xf32>
    %reduce_sum3A_45 = arith.constant dense<0.000000e+00> : vector<512xf32>
    %reduce_sum3A_46 = vector.multi_reduction <add>, %get3A_4, %reduce_sum3A_45 [1] : vector<512x64xf32> to vector<512xf32>
    %broadcast_in_dim3A_47 = vector.shape_cast %reduce_sum3A_46 : vector<512xf32> to vector<512x1xf32>
    %div3A_48 = arith.constant 6.400000e+01 : f32
    %div3A_49 = vector.broadcast %div3A_48 : f32 to vector<512x1xf32>
    %div3A_50 = arith.divf %broadcast_in_dim3A_47, %div3A_49 : vector<512x1xf32>
    %sub3A_51 = vector.broadcast %div3A_50 : vector<512x1xf32> to vector<512x64xf32>
    %sub3A_52 = arith.subf %get3A_4, %sub3A_51 : vector<512x64xf32>
    %integer_pow3A_53 = arith.mulf %sub3A_52, %sub3A_52 : vector<512x64xf32>
    %reduce_sum3A_54 = arith.constant dense<0.000000e+00> : vector<512xf32>
    %reduce_sum3A_55 = vector.multi_reduction <add>, %integer_pow3A_53, %reduce_sum3A_54 [1] : vector<512x64xf32> to vector<512xf32>
    %broadcast_in_dim3A_56 = vector.shape_cast %reduce_sum3A_55 : vector<512xf32> to vector<512x1xf32>
    %div3A_57 = arith.constant 6.400000e+01 : f32
    %div3A_58 = vector.broadcast %div3A_57 : f32 to vector<512x1xf32>
    %div3A_59 = arith.divf %broadcast_in_dim3A_56, %div3A_58 : vector<512x1xf32>
    %sub3A_60 = vector.broadcast %div3A_50 : vector<512x1xf32> to vector<512x64xf32>
    %sub3A_61 = arith.subf %get3A_4, %sub3A_60 : vector<512x64xf32>
    %add3A_62 = arith.constant 9.99999974E-6 : f32
    %add3A_63 = vector.broadcast %add3A_62 : f32 to vector<512x1xf32>
    %add3A_64 = arith.addf %div3A_59, %add3A_63 : vector<512x1xf32>
    %rsqrt3A_65 = math.rsqrt %add3A_64 : vector<512x1xf32>
    %mul3A_66 = vector.broadcast %rsqrt3A_65 : vector<512x1xf32> to vector<512x64xf32>
    %mul3A_67 = arith.mulf %sub3A_61, %mul3A_66 : vector<512x64xf32>
    %reduce_sum3A_68 = arith.constant dense<0.000000e+00> : vector<512xf32>
    %reduce_sum3A_69 = vector.multi_reduction <add>, %mul3A_9, %reduce_sum3A_68 [1] : vector<512x64xf32> to vector<512xf32>
    %broadcast_in_dim3A_70 = vector.shape_cast %reduce_sum3A_69 : vector<512xf32> to vector<512x1xf32>
    %div3A_71 = arith.constant 6.400000e+01 : f32
    %div3A_72 = vector.broadcast %div3A_71 : f32 to vector<512x1xf32>
    %div3A_73 = arith.divf %broadcast_in_dim3A_70, %div3A_72 : vector<512x1xf32>
    %sub3A_74 = vector.broadcast %div3A_73 : vector<512x1xf32> to vector<512x64xf32>
    %sub3A_75 = arith.subf %mul3A_9, %sub3A_74 : vector<512x64xf32>
    %integer_pow3A_76 = arith.mulf %sub3A_75, %sub3A_75 : vector<512x64xf32>
    %reduce_sum3A_77 = arith.constant dense<0.000000e+00> : vector<512xf32>
    %reduce_sum3A_78 = vector.multi_reduction <add>, %integer_pow3A_76, %reduce_sum3A_77 [1] : vector<512x64xf32> to vector<512xf32>
    %broadcast_in_dim3A_79 = vector.shape_cast %reduce_sum3A_78 : vector<512xf32> to vector<512x1xf32>
    %div3A_80 = arith.constant 6.400000e+01 : f32
    %div3A_81 = vector.broadcast %div3A_80 : f32 to vector<512x1xf32>
    %div3A_82 = arith.divf %broadcast_in_dim3A_79, %div3A_81 : vector<512x1xf32>
    %sub3A_83 = vector.broadcast %div3A_73 : vector<512x1xf32> to vector<512x64xf32>
    %sub3A_84 = arith.subf %mul3A_9, %sub3A_83 : vector<512x64xf32>
    %add3A_85 = arith.constant 9.99999974E-6 : f32
    %add3A_86 = vector.broadcast %add3A_85 : f32 to vector<512x1xf32>
    %add3A_87 = arith.addf %div3A_82, %add3A_86 : vector<512x1xf32>
    %rsqrt3A_88 = math.rsqrt %add3A_87 : vector<512x1xf32>
    %mul3A_89 = vector.broadcast %rsqrt3A_88 : vector<512x1xf32> to vector<512x64xf32>
    %mul3A_90 = arith.mulf %sub3A_84, %mul3A_89 : vector<512x64xf32>
    %reduce_sum3A_91 = arith.constant dense<0.000000e+00> : vector<512xf32>
    %reduce_sum3A_92 = vector.multi_reduction <add>, %get3A_12, %reduce_sum3A_91 [1] : vector<512x32xf32> to vector<512xf32>
    %broadcast_in_dim3A_93 = vector.shape_cast %reduce_sum3A_92 : vector<512xf32> to vector<512x1xf32>
    %div3A_94 = arith.constant 3.200000e+01 : f32
    %div3A_95 = vector.broadcast %div3A_94 : f32 to vector<512x1xf32>
    %div3A_96 = arith.divf %broadcast_in_dim3A_93, %div3A_95 : vector<512x1xf32>
    %sub3A_97 = vector.broadcast %div3A_96 : vector<512x1xf32> to vector<512x32xf32>
    %sub3A_98 = arith.subf %get3A_12, %sub3A_97 : vector<512x32xf32>
    %integer_pow3A_99 = arith.mulf %sub3A_98, %sub3A_98 : vector<512x32xf32>
    %reduce_sum3A_100 = arith.constant dense<0.000000e+00> : vector<512xf32>
    %reduce_sum3A_101 = vector.multi_reduction <add>, %integer_pow3A_99, %reduce_sum3A_100 [1] : vector<512x32xf32> to vector<512xf32>
    %broadcast_in_dim3A_102 = vector.shape_cast %reduce_sum3A_101 : vector<512xf32> to vector<512x1xf32>
    %div3A_103 = arith.constant 3.200000e+01 : f32
    %div3A_104 = vector.broadcast %div3A_103 : f32 to vector<512x1xf32>
    %div3A_105 = arith.divf %broadcast_in_dim3A_102, %div3A_104 : vector<512x1xf32>
    %sub3A_106 = vector.broadcast %div3A_96 : vector<512x1xf32> to vector<512x32xf32>
    %sub3A_107 = arith.subf %get3A_12, %sub3A_106 : vector<512x32xf32>
    %add3A_108 = arith.constant 9.99999974E-6 : f32
    %add3A_109 = vector.broadcast %add3A_108 : f32 to vector<512x1xf32>
    %add3A_110 = arith.addf %div3A_105, %add3A_109 : vector<512x1xf32>
    %rsqrt3A_111 = math.rsqrt %add3A_110 : vector<512x1xf32>
    %mul3A_112 = vector.broadcast %rsqrt3A_111 : vector<512x1xf32> to vector<512x32xf32>
    %mul3A_113 = arith.mulf %sub3A_107, %mul3A_112 : vector<512x32xf32>
    %reduce_sum3A_114 = arith.constant dense<0.000000e+00> : vector<512xf32>
    %reduce_sum3A_115 = vector.multi_reduction <add>, %add3A_25, %reduce_sum3A_114 [1] : vector<512x32xf32> to vector<512xf32>
    %broadcast_in_dim3A_116 = vector.shape_cast %reduce_sum3A_115 : vector<512xf32> to vector<512x1xf32>
    %div3A_117 = arith.constant 3.200000e+01 : f32
    %div3A_118 = vector.broadcast %div3A_117 : f32 to vector<512x1xf32>
    %div3A_119 = arith.divf %broadcast_in_dim3A_116, %div3A_118 : vector<512x1xf32>
    %sub3A_120 = vector.broadcast %div3A_119 : vector<512x1xf32> to vector<512x32xf32>
    %sub3A_121 = arith.subf %add3A_25, %sub3A_120 : vector<512x32xf32>
    %integer_pow3A_122 = arith.mulf %sub3A_121, %sub3A_121 : vector<512x32xf32>
    %reduce_sum3A_123 = arith.constant dense<0.000000e+00> : vector<512xf32>
    %reduce_sum3A_124 = vector.multi_reduction <add>, %integer_pow3A_122, %reduce_sum3A_123 [1] : vector<512x32xf32> to vector<512xf32>
    %broadcast_in_dim3A_125 = vector.shape_cast %reduce_sum3A_124 : vector<512xf32> to vector<512x1xf32>
    %div3A_126 = arith.constant 3.200000e+01 : f32
    %div3A_127 = vector.broadcast %div3A_126 : f32 to vector<512x1xf32>
    %div3A_128 = arith.divf %broadcast_in_dim3A_125, %div3A_127 : vector<512x1xf32>
    %sub3A_129 = vector.broadcast %div3A_119 : vector<512x1xf32> to vector<512x32xf32>
    %sub3A_130 = arith.subf %add3A_25, %sub3A_129 : vector<512x32xf32>
    %add3A_131 = arith.constant 9.99999974E-6 : f32
    %add3A_132 = vector.broadcast %add3A_131 : f32 to vector<512x1xf32>
    %add3A_133 = arith.addf %div3A_128, %add3A_132 : vector<512x1xf32>
    %rsqrt3A_134 = math.rsqrt %add3A_133 : vector<512x1xf32>
    %mul3A_135 = vector.broadcast %rsqrt3A_134 : vector<512x1xf32> to vector<512x32xf32>
    %mul3A_136 = arith.mulf %sub3A_130, %mul3A_135 : vector<512x32xf32>
    %concatenate3A_137 = tpu.concatenate %mul3A_44, %mul3A_67, %mul3A_90, %mul3A_113, %mul3A_136 in 1 : vector<512x64xf32>, vector<512x64xf32>, vector<512x64xf32>, vector<512x32xf32>, vector<512x32xf32> -> vector<512x256xf32>
    %swap3A_138 = arith.constant 0 : index
    %swap3A_139 = arith.constant 0 : index
    %swap3A_140 = vector.load %arg9[%swap3A_138, %swap3A_139] : memref<512x256xf32, #tpu.memory_space<vmem>>, vector<512x256xf32>
    tpu.vector_store %arg9[%swap3A_138, %swap3A_139], %concatenate3A_137 {strides = array<i32>} : memref<512x256xf32, #tpu.memory_space<vmem>>, vector<512x256xf32>,
    return
  }
  func.func @transform_0(%arg0: i32) -> (i32, i32) {
    %c0_i32 = arith.constant 0 : i32
    %c0_i32_0 = arith.constant 0 : i32
    return %arg0, %c0_i32 : i32, i32
  }
  func.func @transform_1(%arg0: i32) -> (i32, i32) {
    %c0_i32 = arith.constant 0 : i32
    %c0_i32_0 = arith.constant 0 : i32
    %c0_i32_1 = arith.constant 0 : i32
    return %c0_i32, %c0_i32_0 : i32, i32
  }
  func.func @transform_2(%arg0: i32) -> (i32, i32) {
    %c0_i32 = arith.constant 0 : i32
    %c0_i32_0 = arith.constant 0 : i32
    %c0_i32_1 = arith.constant 0 : i32
    return %c0_i32, %c0_i32_0 : i32, i32
  }
  func.func @transform_3(%arg0: i32) -> (i32, i32) {
    %c0_i32 = arith.constant 0 : i32
    %c0_i32_0 = arith.constant 0 : i32
    return %arg0, %c0_i32 : i32, i32
  }
  func.func @transform_4(%arg0: i32) -> (i32, i32) {
    %c0_i32 = arith.constant 0 : i32
    %c0_i32_0 = arith.constant 0 : i32
    return %arg0, %c0_i32 : i32, i32
  }
  func.func @transform_5(%arg0: i32) -> (i32, i32) {
    %c0_i32 = arith.constant 0 : i32
    %c0_i32_0 = arith.constant 0 : i32
    return %arg0, %c0_i32 : i32, i32
  }
  func.func @transform_6(%arg0: i32) -> (i32, i32) {
    %c0_i32 = arith.constant 0 : i32
    %c0_i32_0 = arith.constant 0 : i32
    return %arg0, %c0_i32 : i32, i32
  }
  func.func @transform_7(%arg0: i32) -> (i32, i32) {
    %c0_i32 = arith.constant 0 : i32
    %c0_i32_0 = arith.constant 0 : i32
    return %arg0, %c0_i32 : i32, i32
  }
  func.func @transform_8(%arg0: i32) -> (i32, i32) {
    %c0_i32 = arith.constant 0 : i32
    %c0_i32_0 = arith.constant 0 : i32
    return %arg0, %c0_i32 : i32, i32
  }
}

</mosaic_0001>

<sc_bundles>
// kernel: kernel.5.cloned.1.call-start
scs
__scs_entry_jumppad:
0x0: {  	(pc) =	sbr.rel $0x88, $3  }
0x1: {  	(tag) =	ssettag $0x0;
	lr =	simm.s32 $0x1  }
0x2: {  	[smem:$0x3F96] =	sst lr;
	_ =	strace $0xD0000000  }
0x3: {  	_ = 	snop  }
0x4: {  	_ = 	snop  }
0x5: {  	_ = 	snop  }
0x6: {  	_ = 	snop  }
0x7: {  	_ = 	snop  }
__scs_overlays_trampoline_lowered:
0x8: {  	[smem:$0x3FA5] =	sst s0  }
0x9: {  	[smem:$0x3FA6] =	sst s1  }
0xa: {  	[smem:$0x3FA7] =	sst s2  }
0xb: {  	[smem:$0x3FA8] =	sst s3  }
0xc: {  	[smem:$0x3FA9] =	sst s4  }
0xd: {  	[smem:$0x3FAA] =	sst s5  }
0xe: {  	[smem:$0x3FAB] =	sst s6  }
0xf: {  	[smem:$0x3FAC] =	sst s7  }
0x10: {  	[smem:$0x3FAD] =	sst s8  }
0x11: {  	[smem:$0x3FAE] =	sst s9;
	s0 =	simm.s32 @!p0 $0x0  }
0x12: {  	s1 =	sld [smem:$0x3F94];
	s0 =	simm.s32 @p0 $0x1  }
0x13: {  	[smem:$0x3FAF] =	sst s0;
	s0 =	simm.s32 @!p1 $0x0  }
0x14: {  	s2 =	sld [smem:$0x3F93];
	s0 =	simm.s32 @p1 $0x1  }
0x15: {  	[smem:$0x3FB0] =	sst s0;
	s0 =	simm.s32 @!p2 $0x0  }
0x16: {  	s3 =	sld [smem:$0x3FDB];
	s0 =	simm.s32 @p2 $0x1  }
0x17: {  	s4 =	simm.s32 $0x1BF5;
	[smem:$0x3FB2] =	sst s0  }
0x18: {  	s0 =	sld [smem:$0x3F95];
	_ =	swait.ge [sflag:s4], $0x0  }
0x19: {  	s7 =	sld [smem:$0x3F96]  }
0x1a: {  	s8 =	sadd.s32 $0xFFFFE003, lr  }
0x1b: {  	s9 =	sadd.s32 $0xFFFFFEF7, lr;
	s5 =	simm.s32 $0xFFFFFFFF;
	p2 =	slt.u32 s8, $0xFFFFF086  }
0x1c: {  	p1 =	slt.u32 s9, $0xF7A;
	s5 =	simm.s32 @!p2 $0x0  }
0x1d: {  	s5 =	simm.s32 @p1 $0x1;
	p0 =	seq.s32 s7, s2  }
0x1e: {  	s7 =	smul.u32 @!p0 $0xF7A, s2;
	p2 =	seq.s32 @!p0 s5, $0x0  }
0x1f: {  	s9 =	smul.u32 $0xF7A, s1;
	s8 =	simm.s32 @!p0 $0x1BF5;
	p2 =	por !p2, p0  }
0x20: {  	[sflag:s8] =	ssyncset.s32 @!p0 $0xFFFFF086;
	s6 =	sadd.s32 @!p0 s3, s7;
	s7 =	simm.s32 @!p0 $0x108  }
0x21: {  	s3 =	sadd.s32 s3, s9;
	s6 =	sadd.s32 @!p0 $0x88, s6;
	s7 =	simm.s32 @p2 $0x1082  }
0x22: {  	[simem:s7], [sflag:s8] =	dma.local @!p0 [hbm:s6], $0xF7A  }
0x23: {  	s9 =	sor.u32 $0xD0000000, s2;
	s6 =	simm.s32 $0x108;
	_ =	swait.ge @!p0 [sflag:s8], $0x0  }
0x24: {  	s3 =	sadd.s32 $0x88, s3;
	s6 =	simm.s32 @!p1 $0x1082;
	[sflag:s4] =	ssyncset.s32 $0xFFFFF086  }
0x25: {  	[simem:s6], [sflag:s4] =	dma.local [hbm:s3], $0xF7A  }
0x26: {  	[smem:$0x3F96] =	sst s1;
	(tag) =	ssettag s2;
	_ =	strace s9  }
0x27: {  	s1 =	sld [smem:$0x3FA6]  }
0x28: {  	s2 =	sld [smem:$0x3FA7]  }
0x29: {  	s4 =	sld [smem:$0x3FA9]  }
0x2a: {  	p0 =	seq.s32 s5, $0x0;
	s5 =	sld [smem:$0x3FAA]  }
0x2b: {  	s6 =	sld [smem:$0x3FAB]  }
0x2c: {  	s7 =	sld [smem:$0x3FAC]  }
0x2d: {  	s3 =	simm.s32 $0x108;
	s8 =	sld [smem:$0x3FAD]  }
0x2e: {  	s3 =	simm.s32 @!p0 $0x1082;
	s9 =	sld [smem:$0x3FAE]  }
0x2f: {  	lr =	sadd.s32 s0, s3;
	s0 =	sld [smem:$0x3FA5]  }
0x30: {  	s3 =	sld [smem:$0x3FA8]  }
0x31: {  	[smem:$0x3FB1] =	sst s10  }
0x32: {  	s10 =	sld [smem:$0x3FAF];
	_ =	sdelay $0x3  }
0x33: {  	p0 =	seq.s32 s10, $0x1;
	s10 =	sld [smem:$0x3FB1];
	_ =	sdelay $0x3  }
0x34: {  	[smem:$0x3FB1] =	sst s10  }
0x35: {  	s10 =	sld [smem:$0x3FB0];
	_ =	sdelay $0x3  }
0x36: {  	p1 =	seq.s32 s10, $0x1;
	s10 =	sld [smem:$0x3FB1];
	_ =	sdelay $0x3  }
0x37: {  	[smem:$0x3FB1] =	sst s10  }
0x38: {  	s10 =	sld [smem:$0x3FB2]  }
0x39: {  	_ = 	snop;
	(pc) =	sbr.ind lr, $3  }
0x3a: {  	_ = 	snop  }
0x3b: {  	_ = 	snop  }
0x3c: {  	p2 =	seq.s32 s10, $0x1;
	s10 =	sld [smem:$0x3FB1]  }
0x3d: {  	_ =	shalt  }
0x3e: {  	_ =	shalt  }
0x3f: {  	_ =	shalt  }
0x40: {  	_ =	shalt  }
0x41: {  	_ =	shalt  }
0x42: {  	_ =	shalt  }
0x43: {  	_ =	shalt  }
0x44: {  	_ =	shalt  }
0x45: {  	_ =	shalt  }
0x46: {  	_ =	shalt  }
0x47: {  	_ =	shalt  }
0x48: {  	_ =	shalt  }
0x49: {  	_ =	shalt  }
0x4a: {  	_ =	shalt  }
0x4b: {  	_ =	shalt  }
0x4c: {  	_ =	shalt  }
0x4d: {  	_ =	shalt  }
0x4e: {  	_ =	shalt  }
0x4f: {  	_ =	shalt  }
0x50: {  	_ =	shalt  }
0x51: {  	_ =	shalt  }
0x52: {  	_ =	shalt  }
0x53: {  	_ =	shalt  }
0x54: {  	_ =	shalt  }
0x55: {  	_ =	shalt  }
0x56: {  	_ =	shalt  }
0x57: {  	_ =	shalt  }
0x58: {  	_ =	shalt  }
0x59: {  	_ =	shalt  }
0x5a: {  	_ =	shalt  }
0x5b: {  	_ =	shalt  }
0x5c: {  	_ =	shalt  }
0x5d: {  	_ =	shalt  }
0x5e: {  	_ =	shalt  }
0x5f: {  	_ =	shalt  }
0x60: {  	_ =	shalt  }
0x61: {  	_ =	shalt  }
0x62: {  	_ =	shalt  }
0x63: {  	_ =	shalt  }
0x64: {  	_ =	shalt  }
0x65: {  	_ =	shalt  }
0x66: {  	_ =	shalt  }
0x67: {  	_ =	shalt  }
0x68: {  	_ =	shalt  }
0x69: {  	_ =	shalt  }
0x6a: {  	_ =	shalt  }
0x6b: {  	_ =	shalt  }
0x6c: {  	_ =	shalt  }
0x6d: {  	_ =	shalt  }
0x6e: {  	_ =	shalt  }
0x6f: {  	_ =	shalt  }
0x70: {  	_ =	shalt  }
0x71: {  	_ =	shalt  }
0x72: {  	_ =	shalt  }
0x73: {  	_ =	shalt  }
0x74: {  	_ =	shalt  }
0x75: {  	_ =	shalt  }
0x76: {  	_ =	shalt  }
0x77: {  	_ =	shalt  }
0x78: {  	_ =	shalt  }
0x79: {  	_ =	shalt  }
0x7a: {  	_ =	shalt  }
0x7b: {  	_ =	shalt  }
0x7c: {  	_ =	shalt  }
0x7d: {  	_ =	shalt  }
0x7e: {  	_ =	shalt  }
0x7f: {  	_ =	shalt  }
0x80: {  	_ =	shalt  }
0x81: {  	_ =	shalt  }
0x82: {  	_ =	shalt  }
0x83: {  	_ =	shalt  }
0x84: {  	_ =	shalt  }
0x85: {  	_ =	shalt  }
0x86: {  	_ =	shalt  }
0x87: {  	_ =	shalt  }
.Lfunc_end0:
.L_simem_size_0:
called_computation_lowered:
.L_overlay_start_0:
0x88: {  	s2 =	sld [smem:$0x3FD9]  }
0x89: {  	s3 =	sld [smem:$0x3FFE];
	_ =	sdelay $0x1  }
0x8a: {  	s1 =	srdreg.scid  }
0x8b: {  	s0 =	sand.u32 $0x1, s1  }
0x8c: {  	s16 =	sshll.u32 s0, $0xA;
	s2 =	sadd.s32 s3, s2  }
0x8d: {  	s2 =	sadd.s32 s2, s16  }
0x8e: {  	[smem:$0x3FBD] =	sst s2  }
0x8f: {  	_ = 	snop  }
0x90: {  	(tm) =	ssettm $0x1  }
0x91: {  	s17 =	sld [smem:$0x3FFB];
	_ =	sdelay $0x3  }
0x92: {  	_ =	strace s17  }
0x93: {  	s2 =	sld [smem:$0x3FFC];
	_ =	sdelay $0x3  }
0x94: {  	_ =	strace s2  }
0x95: {  	s2 =	sld [smem:$0x3FFD];
	_ =	sdelay $0x3  }
0x96: {  	_ =	strace s2  }
0x97: {  	_ =	strace $0x8FFFFFFF  }
0x98: {  	s18 =	sld [smem:$0x3FDB];
	_ =	sdelay $0x1  }
0x99: {  	s19 =	simm.s32 $_scs_section_size  }
0x9a: {  	s4 =	simm.s32 $_size__tile_overlayer_lowered;
	s5 =	simm.s32 $_tile_overlayer_lowered  }
0x9b: {  	s22 =	simm.s32 $0x1BFF;
	s21 =	sshll.u32 s5, $0x1;
	s2 =	sadd.s32 s19, s18  }
0x9c: {  	s6 =	simm.s32 $0x0;
	s20 =	sshll.u32 s4, $0x1;
	s4 =	sadd.s32 s21, s2  }
0x9d: {  	[timem:s6], [sflag:s22] =	dma.local [hbm:s4], s20  }
0x9e: {  	_ =	swait.ge [sflag:s22], s20  }
0x9f: {  	s3 =	ssub.s32 $0x0, s20;
	[sflag:s22] =	ssyncset.done $0x0  }
0xa0: {  	[sflag:s22] =	ssyncadd.s32 s3;
	_ =	sdelay $0x1  }
0xa1: {  	s23 =	simm.s32 $0x1B8B  }
0xa2: {  	_ =	swait.ge [sflag:s23], $0x1  }
0xa3: {  	[sflag:s23] =	ssyncset.done $0x0  }
0xa4: {  	s25 =	simm.s32 $0x1B8E;
	s24 =	sld [smem:$0x3FFE];
	[sflag:s23] =	ssyncadd.s32 $0xFFFFFFFF  }
0xa5: {  	s26 =	simm.s32 $execute0_lowered;
	[smem:$0x3FD2] =	sst s25  }
0xa6: {  	s4 =	sshll.u32 s26, $0x1;
	_ =	strace $0x80000046;
	[dreg:$0x1] =	wrdreg $0xFFFFFFFF  }
0xa7: {  	s28 =	simm.s32 $_size_execute0_lowered;
	s2 =	sadd.s32 s2, s4;
	[dreg:$0x0] =	wrdreg $0x0  }
0xa8: {  	s4 =	sshll.u32 s28, $0x1;
	[dreg:$0x2] =	wrdreg s2  }
0xa9: {  	[dreg:$0x3] =	wrdreg s4  }
0xaa: {  	[dreg:$0x4] =	wrdreg $0xC0  }
0xab: {  	_ =	task [dreg:s6], $0x5FFFF  }
0xac: {  	[dreg:$0x1] =	wrdreg $0xFFFFFFFF  }
0xad: {  	[dreg:$0x0] =	wrdreg $0x60  }
0xae: {  	[dreg:$0x2] =	wrdreg s24  }
0xaf: {  	[dreg:$0x3] =	wrdreg $0xB9800  }
0xb0: {  	[dreg:$0x4] =	wrdreg $0x9  }
0xb1: {  	_ =	task.clear_ibuf [dreg:s6], $0x5FFFF;
	_ =	strace $0x90000046  }
0xb2: {  	s29 =	simm.s32 $0x9;
	_ =	strace $0x80000048  }
0xb3: {  	_ =	swait.ge [sflag:s29], $0x1  }
0xb4: {  	[sflag:s29] =	ssyncadd.s32 $0xFFFFFFFF  }
0xb5: {  	_ =	strace $0x90000048  }
0xb6: {  	_ =	sfence  }
0xb7: {  	s30 =	sld [smem:$0x0];
	_ =	sdelay $0x2  }
0xb8: {  	s31 =	sshll.u32 s1, $0xD;
	s1 =	sshrl.u32 s1, $0x2  }
0xb9: {  	s3 =	sand.u32 $0x4000, s31;
	s1 =	sadd.s32 s1, s30  }
0xba: {  	s0 =	sor.u32 s3, s0;
	s1 =	sshll.u32 s1, $0x11  }
0xbb: {  	s0 =	sor.u32 s1, s0  }
0xbc: {  	s0 =	sadd.s32 $0x8F2B, s0  }
0xbd: {  	[sflag:s0] =	ssyncadd.remote.s32 $0x1  }
0xbe: {  	_ =	sfence.sel $0xFFFF  }
0xbf: {  	[dreg:$0x0] =	wrdreg $0xFFFFFFFF;
	(pc) =	sbr.abs _section_cstart, $3  }
0xc0: {  	[dreg:$0x1] =	wrdreg $0xFFFFFFFF  }
0xc1: {  	_ =	task.clear_ibuf [dreg:s6], $0x2FFFF;
	_ =	strace $0x9FFFFFFF  }
0xc2: {  	(tm) =	ssettm $0x7FFFFFFF  }
0xc3: {  	_ =	shalt  }
tec
execute0_lowered:
.L_overlay_start_1:
0x0: {  	(tag) =	ssettag $0x1  }
0x1: {  	s0 =	srdreg.scid;
	s1 =	rddreg [dreg:$0x0]  }
0x2: {  	s8 =	stileid.u32;
	s2 =	rddreg [dreg:$0x1]  }
0x3: {  	s3 =	simm.s32 $0x0;
	s10 =	simm.s32 $0x6;
	s11 =	simm.s32 $0x1900  }
0x4: {  	s12 =	simm.s32 $0x3900;
	s14 =	simm.s32 $0x5900;
	s16 =	simm.s32 $0x7900  }
0x5: {  	s19 =	simm.s32 $0x9900;
	s20 =	simm.s32 $0x1;
	s21 =	simm.s32 $0xB900  }
0x6: {  	s0 =	sand.u32 $0x1, s0;
	s4 =	sshll.u32 s8, $0x8;
	[smem:$0x7FF] =	sst s3  }
0x7: {  	s23 =	sshll.u32 s8, $0x7;
	s22 =	sshll.u32 s8, $0xD;
	s8 =	simm.s32 $0x80  }
0x8: {  	s5 =	sshll.u32 s0, $0x7;
	_ =	strace $0x80000047;
	s0 =	ssub.s32 $0x2, s0  }
0x9: {  	s24 =	sor.u32 $0x10, s23;
	s26 =	sor.u32 $0x20, s23;
	s28 =	sor.u32 $0x30, s23  }
0xa: {  	v7 =	vlaneseq.u32;
	s29 =	sor.u32 $0x40, s23;
	s30 =	sor.u32 $0x50, s23;
	s31 =	sor.u32 $0x60, s23  }
0xb: {  	s9 =	sor.u32 $0x70, s23;
	s25 =	sadd.s32 s22, s2;
	v0 =	vor.u32 s23, v7;
	s23 =	simm.s32 $0x2  }
0xc: {  	s5 =	sor.u32 s5, s4;
	s7 =	sshrl.u32 s0, $0x1;
	s17 =	sshrl.u32 s25, $0x3  }
0xd: {  	v1 =	vor.u32 s24, v7;
	s24 =	simm.s32 $0x300;
	s25 =	simm.s32 $0x3;
	v2 =	vor.u32 s26, v7;
	s26 =	simm.s32 $0x380  }
.Ltmp0:
0xe: {  	v3 =	vor.u32 s28, v7;
	v4 =	vor.u32 s29, v7;
	s28 =	simm.s32 $0x4;
	s29 =	simm.s32 $0x400;
	(pc) =	sbr.rel .LBB2_1-.Ltmp0, $4  }
0xf: {  	v5 =	vor.u32 s30, v7;
	v6 =	vor.u32 s31, v7;
	s30 =	simm.s32 $0x5;
	s31 =	simm.s32 $0x480;
	s4 =	sshrl.u32 s5, $0x3  }
0x10: {  	s5 =	sshll.u32 s5, $0x3;
	s0 =	ssub.s32 s0, s7;
	s6 =	sadd.s32 s4, s1  }
0x11: {  	s4 =	sadd.s32 $0x18A200, s1;
	s1 =	sadd.s32 s5, s1;
	s7 =	smax.u32 s0, $0x1  }
0x12: {  	v7 =	vor.u32 s9, v7;
	s5 =	sadd.s32 $0x3800, s6;
	s6 =	sadd.s32 $0x9C00, s1;
	s1 =	simm.s32 $0x0  }
.LBB2_4:
0x13: {  	_ =	swait.ge [sflag:s30], $0x2000  }
0x14: {  	[sflag:s30] =	ssyncset.done $0x0  }
0x15: {  	[sflag:s30] =	ssyncadd.s32 $0xFFFFE000  }
0x16: {  	[spmem:s2] =	stream.indirect.scatter.add.f32 [tilespmem:s19], [sflag:$0x6], $0x40, s21, s8, $0xb8;
	[tilespmem:$0xD980] =	vst v63  }
0x17: {  	s0 =	stileid.u32;
	s1 =	sadd.s32 $0x1, s1;
	_ =	swait.ge [sflag:s10], $0x2000  }
0x18: {  	s0 =	sshll.u32 s0, $0x6;
	p0 =	sne.s32 s1, s7;
	[sflag:s10] =	ssyncset.done $0x0  }
.Ltmp1:
0x19: {  	s0 =	sor.u32 $0x1C06, s0;
	[sflag:s10] =	ssyncadd.s32 $0xFFFFE000;
	(pc) =	sbr.rel @!p0 .LBB2_5-.Ltmp1, $4  }
0x1a: {  	[hbm:s6], [sflag:s0] =	dma.local [spmem:s17], $0x400  }
0x1b: {  	_ =	swait.ge [sflag:s10], $0x400  }
0x1c: {  	[sflag:s10] =	ssyncset.done $0x0  }
0x1d: {  	[sflag:s10] =	ssyncadd.s32 $0xFFFFFC00  }
.LBB2_1:
0x1e: {  	s0 =	simm.s32 $0x1000  }
0x1f: {  	[tilespmem:s3], [sflag:$0x6] =	stream.strided.gather [hbm4b:s5+s8], $0x1900, s0, s8, $0x38;
	[tilespmem:$0xD980] =	vst v63  }
0x20: {  	_ =	swait.ge [sflag:s10], $0x1900  }
0x21: {  	[sflag:s10] =	ssyncset.done $0x0  }
0x22: {  	[sflag:s10] =	ssyncadd.s32 $0xFFFFE700  }
0x23: {  	[tilespmem:$0xB900] =	vst v0  }
0x24: {  	[tilespmem:$0xB910] =	vst v1  }
0x25: {  	[tilespmem:$0xB920] =	vst v2  }
0x26: {  	[tilespmem:$0xB930] =	vst v3  }
0x27: {  	[tilespmem:$0xB940] =	vst v4  }
0x28: {  	[tilespmem:$0xB950] =	vst v5  }
0x29: {  	[tilespmem:$0xB960] =	vst v6  }
0x2a: {  	[tilespmem:$0xB970] =	vst v7  }
0x2b: {  	[tilespmem:s11], [sflag:$0x1] =	stream.indirect.gather [hbm4b:s4+s8], $0x40, s3, s8, $0xb8;
	[tilespmem:$0xD980] =	vst v63  }
0x2c: {  	_ = 	snop  }
0x2d: {  	[tilespmem:s12], [sflag:$0x2] =	stream.indirect.gather [hbm4b:s4+s8], $0x40, s8, s8, $0xb8;
	[tilespmem:$0xD980] =	vst v63  }
0x2e: {  	s13 =	simm.s32 $0x100  }
0x2f: {  	[tilespmem:s14], [sflag:$0x3] =	stream.indirect.gather [hbm4b:s4+s8], $0x40, s13, s8, $0xb8;
	[tilespmem:$0xD980] =	vst v63  }
0x30: {  	s15 =	simm.s32 $0x180  }
0x31: {  	[tilespmem:s16], [sflag:$0x4] =	stream.indirect.gather [hbm4b:s4+s8], $0x40, s15, s8, $0xb8;
	[tilespmem:$0xD980] =	vst v63  }
0x32: {  	s18 =	simm.s32 $0x200  }
0x33: {  	[tilespmem:s19], [sflag:$0x5] =	stream.indirect.gather [hbm4b:s4+s8], $0x40, s18, s8, $0xb8;
	[tilespmem:$0xD980] =	vst v63  }
0x34: {  	_ =	swait.ge [sflag:s20], $0x2000  }
0x35: {  	[sflag:s20] =	ssyncset.done $0x0  }
0x36: {  	[sflag:s20] =	ssyncadd.s32 $0xFFFFE000  }
0x37: {  	[spmem:s2] =	stream.indirect.scatter [tilespmem:s11], [sflag:$0x6], $0x40, s21, s8, $0xb8;
	[tilespmem:$0xD980] =	vst v63  }
0x38: {  	_ =	swait.ge [sflag:s10], $0x2000  }
0x39: {  	[sflag:s10] =	ssyncset.done $0x0  }
0x3a: {  	s22 =	simm.s32 $0x280;
	[sflag:s10] =	ssyncadd.s32 $0xFFFFE000  }
0x3b: {  	[tilespmem:s11], [sflag:$0x1] =	stream.indirect.gather [hbm4b:s4+s8], $0x40, s22, s8, $0xb8;
	[tilespmem:$0xD980] =	vst v63  }
0x3c: {  	_ =	swait.ge [sflag:s23], $0x2000  }
0x3d: {  	[sflag:s23] =	ssyncset.done $0x0  }
0x3e: {  	[sflag:s23] =	ssyncadd.s32 $0xFFFFE000  }
0x3f: {  	[spmem:s2] =	stream.indirect.scatter.add.f32 [tilespmem:s12], [sflag:$0x6], $0x40, s21, s8, $0xb8;
	[tilespmem:$0xD980] =	vst v63  }
0x40: {  	_ =	swait.ge [sflag:s10], $0x2000  }
0x41: {  	[sflag:s10] =	ssyncset.done $0x0  }
0x42: {  	[sflag:s10] =	ssyncadd.s32 $0xFFFFE000  }
0x43: {  	[tilespmem:s12], [sflag:$0x2] =	stream.indirect.gather [hbm4b:s4+s8], $0x40, s24, s8, $0xb8;
	[tilespmem:$0xD980] =	vst v63  }
0x44: {  	_ =	swait.ge [sflag:s25], $0x2000  }
0x45: {  	[sflag:s25] =	ssyncset.done $0x0  }
0x46: {  	[sflag:s25] =	ssyncadd.s32 $0xFFFFE000  }
0x47: {  	[spmem:s2] =	stream.indirect.scatter.add.f32 [tilespmem:s14], [sflag:$0x6], $0x40, s21, s8, $0xb8;
	[tilespmem:$0xD980] =	vst v63  }
0x48: {  	_ =	swait.ge [sflag:s10], $0x2000  }
0x49: {  	[sflag:s10] =	ssyncset.done $0x0  }
0x4a: {  	[sflag:s10] =	ssyncadd.s32 $0xFFFFE000  }
0x4b: {  	[tilespmem:s14], [sflag:$0x3] =	stream.indirect.gather [hbm4b:s4+s8], $0x40, s26, s8, $0xb8;
	[tilespmem:$0xD980] =	vst v63  }
0x4c: {  	_ =	swait.ge [sflag:s28], $0x2000  }
0x4d: {  	[sflag:s28] =	ssyncset.done $0x0  }
0x4e: {  	[sflag:s28] =	ssyncadd.s32 $0xFFFFE000  }
0x4f: {  	[spmem:s2] =	stream.indirect.scatter.add.f32 [tilespmem:s16], [sflag:$0x6], $0x40, s21, s8, $0xb8;
	[tilespmem:$0xD980] =	vst v63  }
0x50: {  	_ =	swait.ge [sflag:s10], $0x2000  }
0x51: {  	[sflag:s10] =	ssyncset.done $0x0  }
0x52: {  	[sflag:s10] =	ssyncadd.s32 $0xFFFFE000  }
0x53: {  	[tilespmem:s16], [sflag:$0x4] =	stream.indirect.gather [hbm4b:s4+s8], $0x40, s29, s8, $0xb8;
	[tilespmem:$0xD980] =	vst v63  }
0x54: {  	_ =	swait.ge [sflag:s30], $0x2000  }
0x55: {  	[sflag:s30] =	ssyncset.done $0x0  }
0x56: {  	[sflag:s30] =	ssyncadd.s32 $0xFFFFE000  }
0x57: {  	[spmem:s2] =	stream.indirect.scatter.add.f32 [tilespmem:s19], [sflag:$0x6], $0x40, s21, s8, $0xb8;
	[tilespmem:$0xD980] =	vst v63  }
0x58: {  	_ =	swait.ge [sflag:s10], $0x2000  }
0x59: {  	[sflag:s10] =	ssyncset.done $0x0  }
0x5a: {  	s0 =	simm.s32 $0xFFFFB000;
	[sflag:s10] =	ssyncadd.s32 $0xFFFFE000  }
0x5b: {  	[tilespmem:s19], [sflag:$0x5] =	stream.indirect.gather [hbm4b:s4+s8], $0x40, s31, s8, $0xb8;
	[tilespmem:$0xD980] =	vst v63  }
.LBB2_2:
0x5c: {  	_ =	swait.ge [sflag:s20], $0x2000  }
0x5d: {  	[sflag:s20] =	ssyncset.done $0x0  }
0x5e: {  	[sflag:s20] =	ssyncadd.s32 $0xFFFFE000  }
0x5f: {  	[spmem:s2] =	stream.indirect.scatter.add.f32 [tilespmem:s11], [sflag:$0x6], $0x40, s21, s8, $0xb8;
	[tilespmem:$0xD980] =	vst v63  }
0x60: {  	p0 =	seq.s32 s0, $0x0;
	_ =	swait.ge [sflag:s10], $0x2000  }
0x61: {  	s9 =	sshra.s32 @!p0 s0, $0x2;
	s15 =	simm.s32 @!p0 $0x80;
	[sflag:s10] =	ssyncset.done $0x0  }
0x62: {  	s18 =	simm.s32 @!p0 $0x1900;
	s13 =	sadd.s32 @!p0 $0x1900, s9;
	[sflag:s10] =	ssyncadd.s32 $0xFFFFE000  }
0x63: {  	[tilespmem:s18], [sflag:$0x1] =	stream.indirect.gather @!p0 [hbm4b:s4+s15], $0x40, s13, s15, $0xb8;
	[tilespmem:$0xD980] =	vst v63  }
0x64: {  	_ =	swait.ge [sflag:s23], $0x2000  }
0x65: {  	[sflag:s23] =	ssyncset.done $0x0  }
0x66: {  	[sflag:s23] =	ssyncadd.s32 $0xFFFFE000  }
0x67: {  	[spmem:s2] =	stream.indirect.scatter.add.f32 [tilespmem:s12], [sflag:$0x6], $0x40, s21, s8, $0xb8;
	[tilespmem:$0xD980] =	vst v63  }
0x68: {  	_ =	swait.ge [sflag:s10], $0x2000  }
0x69: {  	[sflag:s10] =	ssyncset.done $0x0  }
0x6a: {  	s13 =	simm.s32 @p0 $0x3;
	[sflag:s10] =	ssyncadd.s32 $0xFFFFE000  }
0x6b: {  	_ =	swait.ge @p0 [sflag:s13], $0x2000  }
0x6c: {  	s22 =	simm.s32 @p0 $0x5900;
	[sflag:s13] =	ssyncset.done @p0 $0x0  }
0x6d: {  	s18 =	simm.s32 @p0 $0xB900;
	[sflag:s13] =	ssyncadd.s32 @p0 $0xFFFFE000;
	s13 =	simm.s32 @p0 $0x80  }
0x6e: {  	[spmem:s2] =	stream.indirect.scatter.add.f32 @p0 [tilespmem:s22], [sflag:$0x6], $0x40, s18, s13, $0xb8;
	[tilespmem:$0xD980] =	vst v63  }
0x6f: {  	s13 =	simm.s32 @p0 $0x6  }
0x70: {  	_ =	swait.ge @p0 [sflag:s13], $0x2000  }
0x71: {  	[sflag:s13] =	ssyncset.done @p0 $0x0  }
0x72: {  	s18 =	simm.s32 @!p0 $0x3900;
	[sflag:s13] =	ssyncadd.s32 @p0 $0xFFFFE000;
	s13 =	sadd.s32 @!p0 $0x1980, s9  }
0x73: {  	[tilespmem:s18], [sflag:$0x2] =	stream.indirect.gather @!p0 [hbm4b:s4+s15], $0x40, s13, s15, $0xb8;
	[tilespmem:$0xD980] =	vst v63  }
0x74: {  	s13 =	simm.s32 @!p0 $0x3  }
0x75: {  	_ =	swait.ge @!p0 [sflag:s13], $0x2000  }
0x76: {  	[sflag:s13] =	ssyncset.done @!p0 $0x0  }
0x77: {  	s18 =	simm.s32 @!p0 $0x5900;
	[sflag:s13] =	ssyncadd.s32 @!p0 $0xFFFFE000;
	s13 =	simm.s32 @!p0 $0xB900  }
0x78: {  	[spmem:s2] =	stream.indirect.scatter.add.f32 @!p0 [tilespmem:s18], [sflag:$0x6], $0x40, s13, s15, $0xb8;
	[tilespmem:$0xD980] =	vst v63  }
0x79: {  	s13 =	simm.s32 @!p0 $0x6  }
0x7a: {  	_ =	swait.ge @!p0 [sflag:s13], $0x2000  }
0x7b: {  	[sflag:s13] =	ssyncset.done @!p0 $0x0  }
0x7c: {  	s9 =	sadd.s32 @!p0 $0x1A00, s9;
	[sflag:s13] =	ssyncadd.s32 @!p0 $0xFFFFE000  }
0x7d: {  	[tilespmem:s18], [sflag:$0x3] =	stream.indirect.gather @!p0 [hbm4b:s4+s15], $0x40, s9, s15, $0xb8;
	[tilespmem:$0xD980] =	vst v63  }
0x7e: {  	_ =	swait.ge [sflag:s28], $0x2000  }
0x7f: {  	[sflag:s28] =	ssyncset.done $0x0  }
.Ltmp2:
0x80: {  	[sflag:s28] =	ssyncadd.s32 $0xFFFFE000;
	(pc) =	sbr.rel @p0 .LBB2_4-.Ltmp2, $4  }
0x81: {  	[spmem:s2] =	stream.indirect.scatter.add.f32 [tilespmem:s16], [sflag:$0x6], $0x40, s21, s8, $0xb8;
	[tilespmem:$0xD980] =	vst v63  }
0x82: {  	_ =	swait.ge [sflag:s10], $0x2000  }
0x83: {  	[sflag:s10] =	ssyncset.done $0x0  }
0x84: {  	[sflag:s10] =	ssyncadd.s32 $0xFFFFE000  }
0x85: {  	s9 =	sshra.s32 s0, $0x2  }
0x86: {  	s13 =	sadd.s32 $0x1A80, s9  }
0x87: {  	[tilespmem:s16], [sflag:$0x4] =	stream.indirect.gather [hbm4b:s4+s8], $0x40, s13, s8, $0xb8;
	[tilespmem:$0xD980] =	vst v63  }
0x88: {  	_ =	swait.ge [sflag:s30], $0x2000  }
0x89: {  	[sflag:s30] =	ssyncset.done $0x0  }
0x8a: {  	[sflag:s30] =	ssyncadd.s32 $0xFFFFE000  }
0x8b: {  	[spmem:s2] =	stream.indirect.scatter.add.f32 [tilespmem:s19], [sflag:$0x6], $0x40, s21, s8, $0xb8;
	[tilespmem:$0xD980] =	vst v63  }
.Ltmp3:
0x8c: {  	_ = 	snop;
	(pc) =	sbr.rel .LBB2_2-.Ltmp3, $4  }
0x8d: {  	_ =	swait.ge [sflag:s10], $0x2000  }
0x8e: {  	[sflag:s10] =	ssyncset.done $0x0  }
0x8f: {  	s0 =	sadd.s32 $0xA00, s0;
	s9 =	sadd.s32 $0x1B00, s9;
	[sflag:s10] =	ssyncadd.s32 $0xFFFFE000  }
0x90: {  	[tilespmem:s19], [sflag:$0x5] =	stream.indirect.gather [hbm4b:s4+s8], $0x40, s9, s8, $0xb8;
	[tilespmem:$0xD980] =	vst v63  }
.LBB2_5:
0x91: {  	_ =	sfence.sel $0x180000  }
0x92: {  	[bflag:$0x0] =	sbarrier.arrive $0xFFFF  }
0x93: {  	_ =	strace $0x90000047  }
0x94: {  	s0 =	stileid.u32;
	[bflag:$0x2] =	sbarrier.arrive $0xFFFF  }
0x95: {  	p0 =	sne.s32 s0, $0x0;
	s0 =	rddreg [dreg:$0x2]  }
0x96: {  	s0 =	sadd.s32 @!p0 $0x100000, s0  }
0x97: {  	[sflag:s0] =	ssyncadd.tile.s32 @!p0 $0x1;
	_ =	shalt  }
.Lfunc_end2:
_tile_overlayer_lowered:
.L_overlay_start_2:
0x98: {  	(tag) =	ssettag $0x2  }
0x99: {  	s0 =	rddreg [dreg:$0x0];
	s2 =	stileid.u32  }
0x9a: {  	s1 =	rddreg [dreg:$0x1];
	p0 =	sne.s32 s2, $0x0  }
0x9b: {  	s3 =	rddreg [dreg:$0x2];
	[bflag:$0x3] =	sbarrier.arrive $0xFFFF;
	s2 =	simm.s32 @!p0 $0x1C06  }
0x9c: {  	[timem:s3], [sflag:s2] =	dma.local @!p0 [hbm:s0], s1  }
0x9d: {  	s0 =	simm.s32 @!p0 $0x6  }
0x9e: {  	_ =	swait.ge @!p0 [sflag:s0], s1  }
0x9f: {  	s1 =	ssub.s32 @!p0 $0x0, s1;
	[sflag:s0] =	ssyncset.done @!p0 $0x0  }
0xa0: {  	[sflag:s0] =	ssyncadd.s32 @!p0 s1  }
0xa1: {  	[bflag:$0x3] =	sbarrier.arrive $0xFFFF  }
0xa2: {  	_ =	shalt  }

// kernel: kernel.8.cloned.1.call-start
scs
__scs_entry_jumppad:
0x0: {  	(pc) =	sbr.rel $0x88, $3  }
0x1: {  	(tag) =	ssettag $0x0;
	lr =	simm.s32 $0x1  }
0x2: {  	[smem:$0x3F96] =	sst lr;
	_ =	strace $0xD0000000  }
0x3: {  	_ = 	snop  }
0x4: {  	_ = 	snop  }
0x5: {  	_ = 	snop  }
0x6: {  	_ = 	snop  }
0x7: {  	_ = 	snop  }
__scs_overlays_trampoline_lowered:
0x8: {  	[smem:$0x3FA5] =	sst s0  }
0x9: {  	[smem:$0x3FA6] =	sst s1  }
0xa: {  	[smem:$0x3FA7] =	sst s2  }
0xb: {  	[smem:$0x3FA8] =	sst s3  }
0xc: {  	[smem:$0x3FA9] =	sst s4  }
0xd: {  	[smem:$0x3FAA] =	sst s5  }
0xe: {  	[smem:$0x3FAB] =	sst s6  }
0xf: {  	[smem:$0x3FAC] =	sst s7  }
0x10: {  	[smem:$0x3FAD] =	sst s8  }
0x11: {  	[smem:$0x3FAE] =	sst s9;
	s0 =	simm.s32 @!p0 $0x0  }
0x12: {  	s1 =	sld [smem:$0x3F94];
	s0 =	simm.s32 @p0 $0x1  }
0x13: {  	[smem:$0x3FAF] =	sst s0;
	s0 =	simm.s32 @!p1 $0x0  }
0x14: {  	s2 =	sld [smem:$0x3F93];
	s0 =	simm.s32 @p1 $0x1  }
0x15: {  	[smem:$0x3FB0] =	sst s0;
	s0 =	simm.s32 @!p2 $0x0  }
0x16: {  	s3 =	sld [smem:$0x3FDB];
	s0 =	simm.s32 @p2 $0x1  }
0x17: {  	s4 =	simm.s32 $0x1BF5;
	[smem:$0x3FB2] =	sst s0  }
0x18: {  	s0 =	sld [smem:$0x3F95];
	_ =	swait.ge [sflag:s4], $0x0  }
0x19: {  	s7 =	sld [smem:$0x3F96]  }
0x1a: {  	s8 =	sadd.s32 $0xFFFFE003, lr  }
0x1b: {  	s9 =	sadd.s32 $0xFFFFFEF7, lr;
	s5 =	simm.s32 $0xFFFFFFFF;
	p2 =	slt.u32 s8, $0xFFFFF086  }
0x1c: {  	p1 =	slt.u32 s9, $0xF7A;
	s5 =	simm.s32 @!p2 $0x0  }
0x1d: {  	s5 =	simm.s32 @p1 $0x1;
	p0 =	seq.s32 s7, s2  }
0x1e: {  	s7 =	smul.u32 @!p0 $0xF7A, s2;
	p2 =	seq.s32 @!p0 s5, $0x0  }
0x1f: {  	s9 =	smul.u32 $0xF7A, s1;
	s8 =	simm.s32 @!p0 $0x1BF5;
	p2 =	por !p2, p0  }
0x20: {  	[sflag:s8] =	ssyncset.s32 @!p0 $0xFFFFF086;
	s6 =	sadd.s32 @!p0 s3, s7;
	s7 =	simm.s32 @!p0 $0x108  }
0x21: {  	s3 =	sadd.s32 s3, s9;
	s6 =	sadd.s32 @!p0 $0x88, s6;
	s7 =	simm.s32 @p2 $0x1082  }
0x22: {  	[simem:s7], [sflag:s8] =	dma.local @!p0 [hbm:s6], $0xF7A  }
0x23: {  	s9 =	sor.u32 $0xD0000000, s2;
	s6 =	simm.s32 $0x108;
	_ =	swait.ge @!p0 [sflag:s8], $0x0  }
0x24: {  	s3 =	sadd.s32 $0x88, s3;
	s6 =	simm.s32 @!p1 $0x1082;
	[sflag:s4] =	ssyncset.s32 $0xFFFFF086  }
0x25: {  	[simem:s6], [sflag:s4] =	dma.local [hbm:s3], $0xF7A  }
0x26: {  	[smem:$0x3F96] =	sst s1;
	(tag) =	ssettag s2;
	_ =	strace s9  }
0x27: {  	s1 =	sld [smem:$0x3FA6]  }
0x28: {  	s2 =	sld [smem:$0x3FA7]  }
0x29: {  	s4 =	sld [smem:$0x3FA9]  }
0x2a: {  	p0 =	seq.s32 s5, $0x0;
	s5 =	sld [smem:$0x3FAA]  }
0x2b: {  	s6 =	sld [smem:$0x3FAB]  }
0x2c: {  	s7 =	sld [smem:$0x3FAC]  }
0x2d: {  	s3 =	simm.s32 $0x108;
	s8 =	sld [smem:$0x3FAD]  }
0x2e: {  	s3 =	simm.s32 @!p0 $0x1082;
	s9 =	sld [smem:$0x3FAE]  }
0x2f: {  	lr =	sadd.s32 s0, s3;
	s0 =	sld [smem:$0x3FA5]  }
0x30: {  	s3 =	sld [smem:$0x3FA8]  }
0x31: {  	[smem:$0x3FB1] =	sst s10  }
0x32: {  	s10 =	sld [smem:$0x3FAF];
	_ =	sdelay $0x3  }
0x33: {  	p0 =	seq.s32 s10, $0x1;
	s10 =	sld [smem:$0x3FB1];
	_ =	sdelay $0x3  }
0x34: {  	[smem:$0x3FB1] =	sst s10  }
0x35: {  	s10 =	sld [smem:$0x3FB0];
	_ =	sdelay $0x3  }
0x36: {  	p1 =	seq.s32 s10, $0x1;
	s10 =	sld [smem:$0x3FB1];
	_ =	sdelay $0x3  }
0x37: {  	[smem:$0x3FB1] =	sst s10  }
0x38: {  	s10 =	sld [smem:$0x3FB2]  }
0x39: {  	_ = 	snop;
	(pc) =	sbr.ind lr, $3  }
0x3a: {  	_ = 	snop  }
0x3b: {  	_ = 	snop  }
0x3c: {  	p2 =	seq.s32 s10, $0x1;
	s10 =	sld [smem:$0x3FB1]  }
0x3d: {  	_ =	shalt  }
0x3e: {  	_ =	shalt  }
0x3f: {  	_ =	shalt  }
0x40: {  	_ =	shalt  }
0x41: {  	_ =	shalt  }
0x42: {  	_ =	shalt  }
0x43: {  	_ =	shalt  }
0x44: {  	_ =	shalt  }
0x45: {  	_ =	shalt  }
0x46: {  	_ =	shalt  }
0x47: {  	_ =	shalt  }
0x48: {  	_ =	shalt  }
0x49: {  	_ =	shalt  }
0x4a: {  	_ =	shalt  }
0x4b: {  	_ =	shalt  }
0x4c: {  	_ =	shalt  }
0x4d: {  	_ =	shalt  }
0x4e: {  	_ =	shalt  }
0x4f: {  	_ =	shalt  }
0x50: {  	_ =	shalt  }
0x51: {  	_ =	shalt  }
0x52: {  	_ =	shalt  }
0x53: {  	_ =	shalt  }
0x54: {  	_ =	shalt  }
0x55: {  	_ =	shalt  }
0x56: {  	_ =	shalt  }
0x57: {  	_ =	shalt  }
0x58: {  	_ =	shalt  }
0x59: {  	_ =	shalt  }
0x5a: {  	_ =	shalt  }
0x5b: {  	_ =	shalt  }
0x5c: {  	_ =	shalt  }
0x5d: {  	_ =	shalt  }
0x5e: {  	_ =	shalt  }
0x5f: {  	_ =	shalt  }
0x60: {  	_ =	shalt  }
0x61: {  	_ =	shalt  }
0x62: {  	_ =	shalt  }
0x63: {  	_ =	shalt  }
0x64: {  	_ =	shalt  }
0x65: {  	_ =	shalt  }
0x66: {  	_ =	shalt  }
0x67: {  	_ =	shalt  }
0x68: {  	_ =	shalt  }
0x69: {  	_ =	shalt  }
0x6a: {  	_ =	shalt  }
0x6b: {  	_ =	shalt  }
0x6c: {  	_ =	shalt  }
0x6d: {  	_ =	shalt  }
0x6e: {  	_ =	shalt  }
0x6f: {  	_ =	shalt  }
0x70: {  	_ =	shalt  }
0x71: {  	_ =	shalt  }
0x72: {  	_ =	shalt  }
0x73: {  	_ =	shalt  }
0x74: {  	_ =	shalt  }
0x75: {  	_ =	shalt  }
0x76: {  	_ =	shalt  }
0x77: {  	_ =	shalt  }
0x78: {  	_ =	shalt  }
0x79: {  	_ =	shalt  }
0x7a: {  	_ =	shalt  }
0x7b: {  	_ =	shalt  }
0x7c: {  	_ =	shalt  }
0x7d: {  	_ =	shalt  }
0x7e: {  	_ =	shalt  }
0x7f: {  	_ =	shalt  }
0x80: {  	_ =	shalt  }
0x81: {  	_ =	shalt  }
0x82: {  	_ =	shalt  }
0x83: {  	_ =	shalt  }
0x84: {  	_ =	shalt  }
0x85: {  	_ =	shalt  }
0x86: {  	_ =	shalt  }
0x87: {  	_ =	shalt  }
.Lfunc_end0:
.L_simem_size_0:
called_computation.1_lowered:
.L_overlay_start_0:
0x88: {  	s2 =	sld [smem:$0x3FD9]  }
0x89: {  	s3 =	sld [smem:$0x3FFE];
	_ =	sdelay $0x1  }
0x8a: {  	s1 =	srdreg.scid  }
0x8b: {  	s0 =	sand.u32 $0x1, s1  }
0x8c: {  	s15 =	sshll.u32 s0, $0xA;
	s2 =	sadd.s32 s3, s2  }
0x8d: {  	s2 =	sadd.s32 s2, s15  }
0x8e: {  	[smem:$0x3FBD] =	sst s2  }
0x8f: {  	_ = 	snop  }
0x90: {  	s5 =	sld [smem:$0x3FD0]  }
0x91: {  	s2 =	sld [smem:$0x3FC9]  }
0x92: {  	s16 =	sld [smem:$0x3FC8]  }
0x93: {  	s7 =	simm.s32 $0xB;
	s6 =	simm.s32 $0x10;
	s4 =	sld [smem:$0x3FC6]  }
0x94: {  	[smem:s6], [sflag:s7] =	dma.local [hbm:s5], $0x1  }
0x95: {  	_ =	swait.eq [sflag:s7], $0x1  }
0x96: {  	[sflag:s7] =	ssyncset.done $0x0  }
0x97: {  	s17 =	sld [smem:$0x10];
	[sflag:s7] =	ssyncadd.s32 $0xFFFFFFFF  }
0x98: {  	s18 =	sld [smem:$0x11];
	(tm) =	ssettm $0x1  }
0x99: {  	s19 =	sld [smem:$0x3FFB];
	_ =	sdelay $0x3  }
0x9a: {  	_ =	strace s19  }
0x9b: {  	s5 =	sld [smem:$0x3FFC];
	_ =	sdelay $0x3  }
0x9c: {  	_ =	strace s5  }
0x9d: {  	s5 =	sld [smem:$0x3FFD];
	_ =	sdelay $0x3  }
0x9e: {  	_ =	strace s5  }
0x9f: {  	_ =	strace $0x8FFFFFFF  }
0xa0: {  	s20 =	sld [smem:$0x3FDB];
	_ =	sdelay $0x1  }
0xa1: {  	s8 =	simm.s32 $_scs_section_size  }
0xa2: {  	s9 =	simm.s32 $_size__tile_overlayer_lowered;
	s10 =	simm.s32 $_tile_overlayer_lowered  }
0xa3: {  	s11 =	simm.s32 $0x1BFF;
	s21 =	sshll.u32 s10, $0x1;
	s8 =	sadd.s32 s8, s20  }
0xa4: {  	s22 =	simm.s32 $0x0;
	s9 =	sshll.u32 s9, $0x1;
	s10 =	sadd.s32 s21, s8  }
0xa5: {  	[timem:s22], [sflag:s11] =	dma.local [hbm:s10], s9  }
0xa6: {  	_ =	swait.ge [sflag:s11], s9  }
0xa7: {  	s9 =	ssub.s32 $0x0, s9;
	[sflag:s11] =	ssyncset.done $0x0  }
0xa8: {  	[sflag:s11] =	ssyncadd.s32 s9;
	_ =	sdelay $0x1  }
0xa9: {  	s23 =	simm.s32 $0x1B8B  }
0xaa: {  	_ =	swait.ge [sflag:s23], $0x1  }
0xab: {  	[sflag:s23] =	ssyncset.done $0x0  }
0xac: {  	[sflag:s23] =	ssyncadd.s32 $0xFFFFFFFF  }
0xad: {  	s9 =	sld [smem:$0x0]  }
0xae: {  	s10 =	sand.u32 $0xFFFFFFFE, s1  }
0xaf: {  	p0 =	sne.s32 s1, s10  }
0xb0: {  	s10 =	sshll.u32 @p0 s10, $0xE  }
0xb1: {  	s10 =	sadd.s32 @p0 $0x11B8D, s10;
	s11 =	sshll.u32 @p0 s9, $0x11  }
0xb2: {  	s10 =	sor.u32 @p0 s11, s10  }
0xb3: {  	[sflag:s10] =	ssyncadd.remote.s32 @p0 $0x1;
	_ =	sdelay $0x1  }
0xb4: {  	s10 =	simm.s32 @p0 $0x1B8D  }
0xb5: {  	_ =	swait.eq @p0 [sflag:s10], $0x1  }
0xb6: {  	[sflag:s10] =	ssyncadd.s32 @p0 $0xFFFFFFFF  }
0xb7: {  	s11 =	sshll.u32 @!p0 s1, $0xE  }
0xb8: {  	s11 =	sor.u32 @!p0 $0x4000, s11;
	s10 =	simm.s32 @!p0 $0x1B8D  }
0xb9: {  	s9 =	sshll.u32 @!p0 s9, $0x11;
	s11 =	sadd.s32 @!p0 $0x11B8D, s11;
	_ =	swait.eq @!p0 [sflag:s10], $0x1  }
0xba: {  	s9 =	sor.u32 @!p0 s9, s11;
	[sflag:s10] =	ssyncadd.s32 @!p0 $0xFFFFFFFF  }
0xbb: {  	s25 =	simm.s32 $0x1B8E;
	s24 =	sld [smem:$0x3FFE];
	[sflag:s9] =	ssyncadd.remote.s32 @!p0 $0x1  }
0xbc: {  	s26 =	simm.s32 $execute0_lowered;
	[smem:$0x3FD2] =	sst s25  }
0xbd: {  	s10 =	sshll.u32 s26, $0x1;
	_ =	strace $0x80000049;
	[dreg:$0x1] =	wrdreg $0xFFFFFFFF  }
0xbe: {  	s28 =	simm.s32 $_size_execute0_lowered;
	s8 =	sadd.s32 s8, s10;
	[dreg:$0x0] =	wrdreg $0x0  }
0xbf: {  	s10 =	sshll.u32 s28, $0x1;
	[dreg:$0x2] =	wrdreg s8  }
0xc0: {  	[dreg:$0x3] =	wrdreg s10  }
0xc1: {  	[dreg:$0x4] =	wrdreg $0xC0  }
0xc2: {  	_ =	task [dreg:s22], $0x5FFFF  }
0xc3: {  	[dreg:$0x1] =	wrdreg $0xFFFFFFFF  }
0xc4: {  	[dreg:$0x0] =	wrdreg $0x60  }
0xc5: {  	[dreg:$0x2] =	wrdreg s2  }
0xc6: {  	[dreg:$0x3] =	wrdreg s16  }
0xc7: {  	[dreg:$0x4] =	wrdreg s4  }
0xc8: {  	[dreg:$0x5] =	wrdreg s24  }
0xc9: {  	[dreg:$0x6] =	wrdreg s18  }
0xca: {  	[dreg:$0x7] =	wrdreg s17  }
0xcb: {  	[dreg:$0x8] =	wrdreg $0xA  }
0xcc: {  	_ =	task.clear_ibuf [dreg:s22], $0x9FFFF;
	_ =	strace $0x90000049  }
0xcd: {  	s29 =	simm.s32 $0xA;
	_ =	strace $0x8000004B  }
0xce: {  	_ =	swait.ge [sflag:s29], $0x1  }
0xcf: {  	[sflag:s29] =	ssyncadd.s32 $0xFFFFFFFF  }
0xd0: {  	_ =	strace $0x9000004B  }
0xd1: {  	_ =	sfence  }
0xd2: {  	s30 =	sld [smem:$0x0];
	_ =	sdelay $0x2  }
0xd3: {  	s31 =	sshll.u32 s1, $0xD;
	s1 =	sshrl.u32 s1, $0x2  }
0xd4: {  	s3 =	sand.u32 $0x4000, s31;
	s1 =	sadd.s32 s1, s30  }
0xd5: {  	s0 =	sor.u32 s3, s0;
	s1 =	sshll.u32 s1, $0x11  }
0xd6: {  	s0 =	sor.u32 s1, s0  }
0xd7: {  	s0 =	sadd.s32 $0x8F2B, s0  }
0xd8: {  	[sflag:s0] =	ssyncadd.remote.s32 $0x1  }
0xd9: {  	_ =	sfence.sel $0xFFFF  }
0xda: {  	[dreg:$0x0] =	wrdreg $0xFFFFFFFF;
	(pc) =	sbr.abs _section_cstart, $3  }
0xdb: {  	[dreg:$0x1] =	wrdreg $0xFFFFFFFF  }
0xdc: {  	_ =	task.clear_ibuf [dreg:s22], $0x2FFFF;
	_ =	strace $0x9FFFFFFF  }
0xdd: {  	(tm) =	ssettm $0x7FFFFFFF  }
tec
execute0_lowered:
.L_overlay_start_1:
0x0: {  	(tag) =	ssettag $0x1  }
0x1: {  	s6 =	rddreg [dreg:$0x0]  }
0x2: {  	s8 =	rddreg [dreg:$0x1]  }
0x3: {  	s10 =	rddreg [dreg:$0x2]  }
0x4: {  	s7 =	rddreg [dreg:$0x3]  }
0x5: {  	s9 =	rddreg [dreg:$0x4]  }
0x6: {  	s11 =	rddreg [dreg:$0x5];
	s2 =	simm.s32 $0x0  }
0x7: {  	s3 =	srdreg.scid;
	s0 =	stileid.u32;
	s17 =	simm.s32 $0x0  }
0x8: {  	[smem:$0x7FF] =	sst s2;
	s5 =	sand.u32 $0x1, s3;
	s3 =	sadd.s32 $0x24D800, s7  }
0x9: {  	s12 =	sshll.u32 s0, $0x8;
	s4 =	sadd.s32 $0x3D4200, s7;
	s13 =	sshll.u32 s5, $0x7  }
0xa: {  	_ =	strace $0x8000004A;
	s28 =	ssub.s32 $0x2, s5;
	s12 =	sor.u32 s13, s12  }
0xb: {  	s5 =	sadd.s32 $0x11C00, s7;
	s15 =	sshrl.u32 s28, $0x1;
	s14 =	sshll.u32 s12, $0x4  }
0xc: {  	s13 =	ssub.s32 s28, s15;
	s12 =	sshrl.u32 s12, $0x3;
	s16 =	sadd.s32 s14, s7  }
0xd: {  	s29 =	sadd.s32 s6, s12;
	s30 =	sadd.s32 s9, s14;
	s31 =	sadd.s32 s8, s12  }
0xe: {  	s9 =	sadd.s32 s11, s14;
	s10 =	sadd.s32 s10, s12;
	[dreg:$0x7] =	wrdreg s29  }
0xf: {  	s12 =	smax.u32 s13, $0x1;
	s13 =	simm.s32 $0x2;
	[dreg:$0x8] =	wrdreg s30  }
0x10: {  	s14 =	simm.s32 $0x1;
	[dreg:$0x9] =	wrdreg s31;
	s11 =	sadd.s32 $0x15C00, s16  }
.LBB2_1:
0x11: {  	s0 =	rddreg [dreg:$0x7]  }
0x12: {  	[tilespmem:s2], [sflag:$0x2] =	stream.linear.gather [hbm4b:s0+s2], $0x80, $0x38;
	[tilespmem:$0x8080] =	vst v63  }
0x13: {  	_ =	swait.ge [sflag:s13], $0x80  }
0x14: {  	[sflag:s13] =	ssyncset.done $0x0  }
0x15: {  	[sflag:s13] =	ssyncadd.s32 $0xFFFFFF80  }
0x16: {  	v0 =	vld [tilespmem:s2+$0x0];
	_ =	sdelay $0x4  }
0x17: {  	v0 =	vshll.u32 v0, $0x4  }
0x18: {  	(v2sf) =	vpush v0, $0x0  }
0x19: {  	(v2sf) =	vpush v0, $0x1  }
0x1a: {  	(v2sf) =	vpush v0, $0x2;
	_ =	sdelay $0x1  }
0x1b: {  	(v2sf) =	vpush v0, $0x4;
	_ =	sdelay $0x1  }
0x1c: {  	(v2sf) =	vpush v0, $0x3  }
0x1d: {  	(v2sf) =	vpush v0, $0x5  }
0x1e: {  	s19 =	simm.s32 $0x2000;
	s18 =	simm.s32 $0x0;
	s20 =	simm.s32 $0x0;
	(v2sf) =	vpush v0, $0x6  }
.LBB2_2:
0x1f: {  	p0 =	sne.s32 s19, $0xE000  }
0x20: {  	s31 =	sadd.s32 $0x100, s18;
	s24 =	sadd.s32 $0x600, s18;
	s21 =	smov.u32 s19  }
0x21: {  	s19 =	sadd.s32 $0x2000, s19;
	s28 =	sadd.s32 $0x400, s18;
	s22 =	sadd.s32 $0x680, s18;
	(v2sf) =	vpush v0, $0x7  }
0x22: {  	s30 =	sadd.s32 $0x300, s18;
	s26 =	sadd.s32 $0x480, s18;
	s23 =	sadd.s32 $0x700, s18  }
0x23: {  	s0 =	sadd.s32 $0x80, s18;
	s1 =	sadd.s32 $0x280, s18;
	(v2sf) =	vpush v0, $0x8  }
0x24: {  	s16 =	sadd.s32 $0x380, s18;
	s20 =	sadd.s32 $0x10, s20  }
0x25: {  	s15 =	sadd.s32 $0x180, s18;
	s25 =	sadd.s32 $0x580, s18;
	s29 =	spop (v2sf);
	(v2sf) =	vpush v0, $0x9  }
0x26: {  	s6 =	sand.u32 $0x1FFFFFF0, s29;
	s29 =	sadd.s32 $0x500, s18;
	s7 =	spop (v2sf)  }
0x27: {  	s6 =	sadd.s32 s3, s6;
	s7 =	sand.u32 $0x1FFFFFF0, s7;
	s8 =	spop (v2sf);
	(v2sf) =	vpush v0, $0xA  }
0x28: {  	[tilespmem:s0], [sflag:$0x1] =	stream.linear.gather [hbm4b:s6+s2], $0x80, $0x38;
	[tilespmem:$0x8080] =	vst v63  }
0x29: {  	s0 =	sadd.s32 s3, s7;
	s6 =	sadd.s32 $0x200, s18;
	s7 =	spop (v2sf);
	(v2sf) =	vpush v0, $0xB  }
0x2a: {  	[tilespmem:s31], [sflag:$0x1] =	stream.linear.gather [hbm4b:s0+s2], $0x80, $0x38;
	[tilespmem:$0x8080] =	vst v63  }
0x2b: {  	s0 =	sand.u32 $0x1FFFFFF0, s8;
	s7 =	sand.u32 $0x1FFFFFF0, s7;
	s8 =	spop (v2sf);
	(v2sf) =	vpush v0, $0xC  }
0x2c: {  	s0 =	sadd.s32 s3, s0;
	s8 =	sand.u32 $0x1FFFFFF0, s8;
	s31 =	spop (v2sf)  }
0x2d: {  	[tilespmem:s15], [sflag:$0x1] =	stream.linear.gather [hbm4b:s0+s2], $0x80, $0x38;
	(v2sf) =	vpush v0, $0xD;
	[tilespmem:$0x8080] =	vst v63  }
0x2e: {  	s0 =	sadd.s32 s3, s8;
	s8 =	sand.u32 $0x1FFFFFF0, s31;
	s15 =	spop (v2sf)  }
0x2f: {  	[tilespmem:s6], [sflag:$0x1] =	stream.linear.gather [hbm4b:s0+s2], $0x80, $0x38;
	(v2sf) =	vpush v0, $0xE;
	[tilespmem:$0x8080] =	vst v63  }
0x30: {  	s0 =	sadd.s32 s3, s7;
	s6 =	sand.u32 $0x1FFFFFF0, s15;
	s7 =	spop (v2sf)  }
0x31: {  	[tilespmem:s1], [sflag:$0x1] =	stream.linear.gather [hbm4b:s0+s2], $0x80, $0x38;
	(v2sf) =	vpush v0, $0xF;
	[tilespmem:$0x8080] =	vst v63  }
0x32: {  	s0 =	sadd.s32 s3, s8;
	s1 =	sand.u32 $0x1FFFFFF0, s7;
	s7 =	spop (v2sf)  }
0x33: {  	[tilespmem:s30], [sflag:$0x1] =	stream.linear.gather [hbm4b:s0+s2], $0x80, $0x38;
	[tilespmem:$0x8080] =	vst v63  }
0x34: {  	s0 =	sadd.s32 s3, s6;
	s6 =	sand.u32 $0x1FFFFFF0, s7;
	s7 =	spop (v2sf)  }
0x35: {  	[tilespmem:s16], [sflag:$0x1] =	stream.linear.gather [hbm4b:s0+s2], $0x80, $0x38;
	[tilespmem:$0x8080] =	vst v63  }
0x36: {  	s0 =	sadd.s32 s3, s1;
	s1 =	sand.u32 $0x1FFFFFF0, s7;
	s7 =	spop (v2sf)  }
0x37: {  	[tilespmem:s28], [sflag:$0x1] =	stream.linear.gather [hbm4b:s0+s2], $0x80, $0x38;
	[tilespmem:$0x8080] =	vst v63  }
0x38: {  	s0 =	sadd.s32 s3, s6;
	s6 =	sand.u32 $0x1FFFFFF0, s7;
	s7 =	spop (v2sf)  }
0x39: {  	[tilespmem:s26], [sflag:$0x1] =	stream.linear.gather [hbm4b:s0+s2], $0x80, $0x38;
	[tilespmem:$0x8080] =	vst v63  }
0x3a: {  	s0 =	sadd.s32 s3, s1;
	s1 =	sand.u32 $0x1FFFFFF0, s7;
	s7 =	spop (v2sf)  }
0x3b: {  	[tilespmem:s29], [sflag:$0x1] =	stream.linear.gather [hbm4b:s0+s2], $0x80, $0x38;
	[tilespmem:$0x8080] =	vst v63  }
0x3c: {  	s0 =	sadd.s32 s3, s6;
	s6 =	sand.u32 $0x1FFFFFF0, s7;
	s7 =	spop (v2sf)  }
0x3d: {  	[tilespmem:s25], [sflag:$0x1] =	stream.linear.gather [hbm4b:s0+s2], $0x80, $0x38;
	[tilespmem:$0x8080] =	vst v63  }
0x3e: {  	s0 =	sadd.s32 s3, s1;
	s1 =	sand.u32 $0x1FFFFFF0, s7;
	s7 =	spop (v2sf)  }
0x3f: {  	[tilespmem:s24], [sflag:$0x1] =	stream.linear.gather [hbm4b:s0+s2], $0x80, $0x38;
	[tilespmem:$0x8080] =	vst v63  }
0x40: {  	s0 =	sadd.s32 s3, s6;
	s6 =	sand.u32 $0x1FFFFFF0, s7;
	s7 =	spop (v2sf)  }
0x41: {  	[tilespmem:s22], [sflag:$0x1] =	stream.linear.gather [hbm4b:s0+s2], $0x80, $0x38;
	[tilespmem:$0x8080] =	vst v63  }
0x42: {  	s0 =	sadd.s32 s3, s1;
	s1 =	sand.u32 $0x1FFFFFF0, s7  }
0x43: {  	[tilespmem:s23], [sflag:$0x1] =	stream.linear.gather [hbm4b:s0+s2], $0x80, $0x38;
	[tilespmem:$0x8080] =	vst v63  }
0x44: {  	s6 =	sadd.s32 s3, s6;
	s0 =	sadd.s32 $0x780, s18  }
0x45: {  	[tilespmem:s0], [sflag:$0x1] =	stream.linear.gather [hbm4b:s6+s2], $0x80, $0x38;
	[tilespmem:$0x8080] =	vst v63  }
0x46: {  	s1 =	sadd.s32 s3, s1;
	s0 =	sadd.s32 $0x800, s18  }
0x47: {  	[tilespmem:s0], [sflag:$0x1] =	stream.linear.gather [hbm4b:s1+s2], $0x80, $0x38;
	[tilespmem:$0x8080] =	vst v63  }
0x48: {  	v0 =	vld [tilespmem:s20+$0x0];
	_ =	sdelay $0x4  }
0x49: {  	v0 =	vshll.u32 v0, $0x4  }
0x4a: {  	(v2sf) =	vpush v0, $0x0  }
0x4b: {  	(v2sf) =	vpush v0, $0x1  }
0x4c: {  	(v2sf) =	vpush v0, $0x2;
	_ =	sdelay $0x1  }
0x4d: {  	(v2sf) =	vpush v0, $0x4  }
.Ltmp0:
0x4e: {  	(pc) =	sbr.rel @p0 .LBB2_2-.Ltmp0, $3  }
0x4f: {  	(v2sf) =	vpush v0, $0x3  }
0x50: {  	(v2sf) =	vpush v0, $0x5;
	_ =	sdelay $0x1  }
0x51: {  	s18 =	sshra.s32 s21, $0x2;
	(v2sf) =	vpush v0, $0x6  }
0x52: {  	_ =	sdelay $0x1  }
0x53: {  	s0 =	sadd.s32 $0x100, s18;
	s21 =	sadd.s32 $0x600, s18  }
0x54: {  	s1 =	sadd.s32 $0x400, s18;
	s19 =	sadd.s32 $0x680, s18;
	(v2sf) =	vpush v0, $0x7;
	s6 =	sadd.s32 $0x300, s18  }
0x55: {  	s7 =	sadd.s32 $0x480, s18;
	s20 =	sadd.s32 $0x700, s18;
	s8 =	sadd.s32 $0x80, s18  }
0x56: {  	s15 =	sadd.s32 $0x280, s18;
	s16 =	sadd.s32 $0x380, s18;
	(v2sf) =	vpush v0, $0x8;
	s22 =	spop (v2sf)  }
0x57: {  	s23 =	sadd.s32 $0x180, s18;
	s22 =	sand.u32 $0x1FFFFFF0, s22;
	s24 =	spop (v2sf)  }
0x58: {  	(v2sf) =	vpush v0, $0x9;
	s22 =	sadd.s32 s3, s22;
	s24 =	sand.u32 $0x1FFFFFF0, s24;
	s25 =	spop (v2sf)  }
0x59: {  	[tilespmem:s8], [sflag:$0x1] =	stream.linear.gather [hbm4b:s22+s2], $0x80, $0x38;
	[tilespmem:$0x8080] =	vst v63  }
0x5a: {  	s26 =	sadd.s32 $0x200, s18;
	(v2sf) =	vpush v0, $0xA;
	s30 =	sadd.s32 s3, s24;
	s31 =	spop (v2sf)  }
0x5b: {  	[tilespmem:s0], [sflag:$0x1] =	stream.linear.gather [hbm4b:s30+s2], $0x80, $0x38;
	[tilespmem:$0x8080] =	vst v63  }
0x5c: {  	s8 =	sadd.s32 $0x580, s18;
	s28 =	sand.u32 $0x1FFFFFF0, s25;
	(v2sf) =	vpush v0, $0xB;
	s29 =	spop (v2sf)  }
0x5d: {  	s22 =	sadd.s32 s3, s28;
	s0 =	sadd.s32 $0x500, s18;
	s25 =	sand.u32 $0x1FFFFFF0, s29  }
0x5e: {  	(v2sf) =	vpush v0, $0xC;
	[tilespmem:s23], [sflag:$0x1] =	stream.linear.gather [hbm4b:s22+s2], $0x80, $0x38;
	[tilespmem:$0x8080] =	vst v63  }
0x5f: {  	s30 =	sand.u32 $0x1FFFFFF0, s31;
	s31 =	spop (v2sf);
	s28 =	sadd.s32 s3, s25  }
0x60: {  	(v2sf) =	vpush v0, $0xD;
	[tilespmem:s26], [sflag:$0x1] =	stream.linear.gather [hbm4b:s28+s2], $0x80, $0x38;
	[tilespmem:$0x8080] =	vst v63  }
0x61: {  	s22 =	sadd.s32 s3, s30;
	s23 =	sand.u32 $0x1FFFFFF0, s31;
	s29 =	spop (v2sf)  }
0x62: {  	(v2sf) =	vpush v0, $0xE;
	[tilespmem:s15], [sflag:$0x1] =	stream.linear.gather [hbm4b:s22+s2], $0x80, $0x38;
	[tilespmem:$0x8080] =	vst v63  }
0x63: {  	s23 =	sadd.s32 s3, s23;
	s30 =	sand.u32 $0x1FFFFFF0, s29;
	s31 =	spop (v2sf)  }
0x64: {  	(v2sf) =	vpush v0, $0xF;
	[tilespmem:s6], [sflag:$0x1] =	stream.linear.gather [hbm4b:s23+s2], $0x80, $0x38;
	[tilespmem:$0x8080] =	vst v63  }
0x65: {  	s24 =	sand.u32 $0x1FFFFFF0, s31;
	s25 =	spop (v2sf);
	s15 =	sadd.s32 s3, s30  }
0x66: {  	[tilespmem:s16], [sflag:$0x1] =	stream.linear.gather [hbm4b:s15+s2], $0x80, $0x38;
	[tilespmem:$0x8080] =	vst v63  }
0x67: {  	s26 =	sand.u32 $0x1FFFFFF0, s25;
	s6 =	sadd.s32 s3, s24;
	s28 =	spop (v2sf)  }
0x68: {  	[tilespmem:s1], [sflag:$0x1] =	stream.linear.gather [hbm4b:s6+s2], $0x80, $0x38;
	[tilespmem:$0x8080] =	vst v63  }
0x69: {  	s15 =	sadd.s32 s3, s26;
	s29 =	sand.u32 $0x1FFFFFF0, s28;
	s30 =	spop (v2sf)  }
0x6a: {  	[tilespmem:s7], [sflag:$0x1] =	stream.linear.gather [hbm4b:s15+s2], $0x80, $0x38;
	[tilespmem:$0x8080] =	vst v63  }
0x6b: {  	s6 =	sand.u32 $0x1FFFFFF0, s30;
	s1 =	sadd.s32 s3, s29;
	s31 =	spop (v2sf)  }
0x6c: {  	[tilespmem:s0], [sflag:$0x1] =	stream.linear.gather [hbm4b:s1+s2], $0x80, $0x38;
	[tilespmem:$0x8080] =	vst v63  }
0x6d: {  	s6 =	sadd.s32 s3, s6;
	s7 =	sand.u32 $0x1FFFFFF0, s31;
	s15 =	spop (v2sf)  }
0x6e: {  	[tilespmem:s8], [sflag:$0x1] =	stream.linear.gather [hbm4b:s6+s2], $0x80, $0x38;
	[tilespmem:$0x8080] =	vst v63  }
0x6f: {  	s0 =	sadd.s32 s3, s7;
	s1 =	sand.u32 $0x1FFFFFF0, s15;
	s16 =	spop (v2sf)  }
0x70: {  	[tilespmem:s21], [sflag:$0x1] =	stream.linear.gather [hbm4b:s0+s2], $0x80, $0x38;
	[tilespmem:$0x8080] =	vst v63  }
0x71: {  	s1 =	sadd.s32 s3, s1;
	s22 =	spop (v2sf);
	s21 =	sand.u32 $0x1FFFFFF0, s16  }
0x72: {  	[tilespmem:s19], [sflag:$0x1] =	stream.linear.gather [hbm4b:s1+s2], $0x80, $0x38;
	[tilespmem:$0x8080] =	vst v63  }
0x73: {  	s23 =	sand.u32 $0x1FFFFFF0, s22;
	s24 =	spop (v2sf);
	s0 =	sadd.s32 s3, s21  }
0x74: {  	[tilespmem:s20], [sflag:$0x1] =	stream.linear.gather [hbm4b:s0+s2], $0x80, $0x38;
	[tilespmem:$0x8080] =	vst v63  }
0x75: {  	s26 =	sadd.s32 $0x780, s18;
	s25 =	sand.u32 $0x1FFFFFF0, s24;
	s1 =	sadd.s32 s3, s23  }
0x76: {  	[tilespmem:s26], [sflag:$0x1] =	stream.linear.gather [hbm4b:s1+s2], $0x80, $0x38;
	[tilespmem:$0x8080] =	vst v63  }
0x77: {  	s28 =	sadd.s32 $0x800, s18;
	s0 =	sadd.s32 s3, s25  }
0x78: {  	[tilespmem:s28], [sflag:$0x1] =	stream.linear.gather [hbm4b:s0+s2], $0x80, $0x38;
	[tilespmem:$0x8080] =	vst v63  }
0x79: {  	_ =	swait.ge [sflag:s14], $0x4000  }
0x7a: {  	s30 =	simm.s32 $0x80;
	[sflag:s14] =	ssyncset.done $0x0  }
0x7b: {  	s19 =	simm.s32 $0x0;
	s29 =	rddreg [dreg:$0x8];
	[sflag:s14] =	ssyncadd.s32 $0xFFFFC000  }
0x7c: {  	[hbm4b:s29+s19] =	stream.linear.scatter [tilespmem:s30], [sflag:$0x2], $0x4000, $0x38;
	[tilespmem:$0x8080] =	vst v63  }
0x7d: {  	_ =	swait.ge [sflag:s13], $0x4000  }
0x7e: {  	[sflag:s13] =	ssyncset.done $0x0  }
0x7f: {  	s31 =	rddreg [dreg:$0x9];
	[sflag:s13] =	ssyncadd.s32 $0xFFFFC000  }
0x80: {  	[tilespmem:s19], [sflag:$0x2] =	stream.linear.gather [hbm4b:s31+s19], $0x80, $0x38;
	[tilespmem:$0x8080] =	vst v63  }
0x81: {  	_ =	swait.ge [sflag:s13], $0x80  }
0x82: {  	[sflag:s13] =	ssyncset.done $0x0  }
0x83: {  	[sflag:s13] =	ssyncadd.s32 $0xFFFFFF80  }
0x84: {  	v0 =	vld [tilespmem:s19+$0x0];
	_ =	sdelay $0x4  }
0x85: {  	v0 =	vshll.u32 v0, $0x4  }
0x86: {  	(v2sf) =	vpush v0, $0x0  }
0x87: {  	(v2sf) =	vpush v0, $0x1  }
0x88: {  	(v2sf) =	vpush v0, $0x2;
	_ =	sdelay $0x1  }
0x89: {  	(v2sf) =	vpush v0, $0x4;
	_ =	sdelay $0x1  }
0x8a: {  	(v2sf) =	vpush v0, $0x3  }
0x8b: {  	(v2sf) =	vpush v0, $0x5  }
0x8c: {  	s18 =	simm.s32 $0x0;
	s20 =	simm.s32 $0x2000;
	(v2sf) =	vpush v0, $0x6  }
.LBB2_4:
0x8d: {  	p0 =	sne.s32 s20, $0xE000  }
0x8e: {  	s0 =	sadd.s32 $0x100, s18;
	s24 =	sadd.s32 $0x600, s18;
	s21 =	smov.u32 s20  }
0x8f: {  	s20 =	sadd.s32 $0x2000, s20;
	s28 =	sadd.s32 $0x400, s18;
	s22 =	sadd.s32 $0x680, s18;
	(v2sf) =	vpush v0, $0x7  }
0x90: {  	s30 =	sadd.s32 $0x300, s18;
	s26 =	sadd.s32 $0x480, s18;
	s23 =	sadd.s32 $0x700, s18  }
0x91: {  	s1 =	sadd.s32 $0x80, s18;
	s6 =	sadd.s32 $0x280, s18;
	(v2sf) =	vpush v0, $0x8  }
0x92: {  	s7 =	sadd.s32 $0x380, s18;
	s19 =	sadd.s32 $0x10, s19  }
0x93: {  	s8 =	sadd.s32 $0x180, s18;
	s25 =	sadd.s32 $0x580, s18;
	s15 =	spop (v2sf);
	(v2sf) =	vpush v0, $0x9  }
0x94: {  	s29 =	sadd.s32 $0x500, s18;
	s15 =	sand.u32 $0x1FFFFFF0, s15;
	s16 =	spop (v2sf)  }
0x95: {  	s15 =	sadd.s32 s4, s15;
	s16 =	sand.u32 $0x1FFFFFF0, s16;
	s31 =	spop (v2sf);
	(v2sf) =	vpush v0, $0xA  }
0x96: {  	[tilespmem:s1], [sflag:$0x1] =	stream.linear.gather [hbm4b:s15+s2], $0x80, $0x38;
	[tilespmem:$0x8080] =	vst v63  }
0x97: {  	s1 =	sadd.s32 s4, s16;
	s15 =	sadd.s32 $0x200, s18;
	s16 =	spop (v2sf);
	(v2sf) =	vpush v0, $0xB  }
0x98: {  	[tilespmem:s0], [sflag:$0x1] =	stream.linear.gather [hbm4b:s1+s2], $0x80, $0x38;
	[tilespmem:$0x8080] =	vst v63  }
0x99: {  	s0 =	sand.u32 $0x1FFFFFF0, s31;
	s1 =	sand.u32 $0x1FFFFFF0, s16;
	s16 =	spop (v2sf);
	(v2sf) =	vpush v0, $0xC  }
0x9a: {  	s0 =	sadd.s32 s4, s0;
	s16 =	sand.u32 $0x1FFFFFF0, s16;
	s31 =	spop (v2sf)  }
0x9b: {  	[tilespmem:s8], [sflag:$0x1] =	stream.linear.gather [hbm4b:s0+s2], $0x80, $0x38;
	(v2sf) =	vpush v0, $0xD;
	[tilespmem:$0x8080] =	vst v63  }
0x9c: {  	s0 =	sadd.s32 s4, s16;
	s8 =	sand.u32 $0x1FFFFFF0, s31;
	s16 =	spop (v2sf)  }
0x9d: {  	[tilespmem:s15], [sflag:$0x1] =	stream.linear.gather [hbm4b:s0+s2], $0x80, $0x38;
	(v2sf) =	vpush v0, $0xE;
	[tilespmem:$0x8080] =	vst v63  }
0x9e: {  	s0 =	sadd.s32 s4, s1;
	s1 =	sand.u32 $0x1FFFFFF0, s16;
	s15 =	spop (v2sf)  }
0x9f: {  	[tilespmem:s6], [sflag:$0x1] =	stream.linear.gather [hbm4b:s0+s2], $0x80, $0x38;
	(v2sf) =	vpush v0, $0xF;
	[tilespmem:$0x8080] =	vst v63  }
0xa0: {  	s0 =	sadd.s32 s4, s8;
	s6 =	sand.u32 $0x1FFFFFF0, s15;
	s8 =	spop (v2sf)  }
0xa1: {  	[tilespmem:s30], [sflag:$0x1] =	stream.linear.gather [hbm4b:s0+s2], $0x80, $0x38;
	[tilespmem:$0x8080] =	vst v63  }
0xa2: {  	s0 =	sadd.s32 s4, s1;
	s1 =	sand.u32 $0x1FFFFFF0, s8;
	s8 =	spop (v2sf)  }
0xa3: {  	[tilespmem:s7], [sflag:$0x1] =	stream.linear.gather [hbm4b:s0+s2], $0x80, $0x38;
	[tilespmem:$0x8080] =	vst v63  }
0xa4: {  	s0 =	sadd.s32 s4, s6;
	s6 =	sand.u32 $0x1FFFFFF0, s8;
	s7 =	spop (v2sf)  }
0xa5: {  	[tilespmem:s28], [sflag:$0x1] =	stream.linear.gather [hbm4b:s0+s2], $0x80, $0x38;
	[tilespmem:$0x8080] =	vst v63  }
0xa6: {  	s0 =	sadd.s32 s4, s1;
	s1 =	sand.u32 $0x1FFFFFF0, s7;
	s7 =	spop (v2sf)  }
0xa7: {  	[tilespmem:s26], [sflag:$0x1] =	stream.linear.gather [hbm4b:s0+s2], $0x80, $0x38;
	[tilespmem:$0x8080] =	vst v63  }
0xa8: {  	s0 =	sadd.s32 s4, s6;
	s6 =	sand.u32 $0x1FFFFFF0, s7;
	s7 =	spop (v2sf)  }
0xa9: {  	[tilespmem:s29], [sflag:$0x1] =	stream.linear.gather [hbm4b:s0+s2], $0x80, $0x38;
	[tilespmem:$0x8080] =	vst v63  }
0xaa: {  	s0 =	sadd.s32 s4, s1;
	s1 =	sand.u32 $0x1FFFFFF0, s7;
	s7 =	spop (v2sf)  }
0xab: {  	[tilespmem:s25], [sflag:$0x1] =	stream.linear.gather [hbm4b:s0+s2], $0x80, $0x38;
	[tilespmem:$0x8080] =	vst v63  }
0xac: {  	s0 =	sadd.s32 s4, s6;
	s6 =	sand.u32 $0x1FFFFFF0, s7;
	s7 =	spop (v2sf)  }
0xad: {  	[tilespmem:s24], [sflag:$0x1] =	stream.linear.gather [hbm4b:s0+s2], $0x80, $0x38;
	[tilespmem:$0x8080] =	vst v63  }
0xae: {  	s0 =	sadd.s32 s4, s1;
	s1 =	sand.u32 $0x1FFFFFF0, s7;
	s7 =	spop (v2sf)  }
0xaf: {  	[tilespmem:s22], [sflag:$0x1] =	stream.linear.gather [hbm4b:s0+s2], $0x80, $0x38;
	[tilespmem:$0x8080] =	vst v63  }
0xb0: {  	s0 =	sadd.s32 s4, s6;
	s6 =	sand.u32 $0x1FFFFFF0, s7  }
0xb1: {  	[tilespmem:s23], [sflag:$0x1] =	stream.linear.gather [hbm4b:s0+s2], $0x80, $0x38;
	[tilespmem:$0x8080] =	vst v63  }
0xb2: {  	s1 =	sadd.s32 s4, s1;
	s0 =	sadd.s32 $0x780, s18  }
0xb3: {  	[tilespmem:s0], [sflag:$0x1] =	stream.linear.gather [hbm4b:s1+s2], $0x80, $0x38;
	[tilespmem:$0x8080] =	vst v63  }
0xb4: {  	s0 =	sadd.s32 $0x800, s18;
	s1 =	sadd.s32 s4, s6  }
0xb5: {  	[tilespmem:s0], [sflag:$0x1] =	stream.linear.gather [hbm4b:s1+s2], $0x80, $0x38;
	[tilespmem:$0x8080] =	vst v63  }
0xb6: {  	v0 =	vld [tilespmem:s19+$0x0];
	_ =	sdelay $0x4  }
0xb7: {  	v0 =	vshll.u32 v0, $0x4  }
0xb8: {  	(v2sf) =	vpush v0, $0x0  }
0xb9: {  	(v2sf) =	vpush v0, $0x1  }
0xba: {  	(v2sf) =	vpush v0, $0x2;
	_ =	sdelay $0x1  }
0xbb: {  	(v2sf) =	vpush v0, $0x4  }
.Ltmp1:
0xbc: {  	(pc) =	sbr.rel @p0 .LBB2_4-.Ltmp1, $3  }
0xbd: {  	(v2sf) =	vpush v0, $0x3  }
0xbe: {  	(v2sf) =	vpush v0, $0x5;
	_ =	sdelay $0x1  }
0xbf: {  	s18 =	sshra.s32 s21, $0x2;
	(v2sf) =	vpush v0, $0x6  }
0xc0: {  	_ =	sdelay $0x1  }
0xc1: {  	s0 =	sadd.s32 $0x100, s18;
	s21 =	sadd.s32 $0x600, s18  }
0xc2: {  	s1 =	sadd.s32 $0x400, s18;
	s19 =	sadd.s32 $0x680, s18;
	(v2sf) =	vpush v0, $0x7;
	s6 =	sadd.s32 $0x300, s18  }
0xc3: {  	s7 =	sadd.s32 $0x480, s18;
	s20 =	sadd.s32 $0x700, s18;
	s8 =	sadd.s32 $0x80, s18  }
0xc4: {  	s15 =	sadd.s32 $0x280, s18;
	s16 =	sadd.s32 $0x380, s18;
	(v2sf) =	vpush v0, $0x8;
	s22 =	spop (v2sf)  }
0xc5: {  	s23 =	sadd.s32 $0x180, s18;
	s22 =	sand.u32 $0x1FFFFFF0, s22;
	s24 =	spop (v2sf)  }
0xc6: {  	(v2sf) =	vpush v0, $0x9;
	s22 =	sadd.s32 s4, s22;
	s24 =	sand.u32 $0x1FFFFFF0, s24;
	s25 =	spop (v2sf)  }
0xc7: {  	[tilespmem:s8], [sflag:$0x1] =	stream.linear.gather [hbm4b:s22+s2], $0x80, $0x38;
	[tilespmem:$0x8080] =	vst v63  }
0xc8: {  	s26 =	sadd.s32 $0x200, s18;
	(v2sf) =	vpush v0, $0xA;
	s30 =	sadd.s32 s4, s24;
	s31 =	spop (v2sf)  }
0xc9: {  	[tilespmem:s0], [sflag:$0x1] =	stream.linear.gather [hbm4b:s30+s2], $0x80, $0x38;
	[tilespmem:$0x8080] =	vst v63  }
0xca: {  	s8 =	sadd.s32 $0x580, s18;
	s28 =	sand.u32 $0x1FFFFFF0, s25;
	(v2sf) =	vpush v0, $0xB;
	s29 =	spop (v2sf)  }
0xcb: {  	s22 =	sadd.s32 s4, s28;
	s0 =	sadd.s32 $0x500, s18;
	s25 =	sand.u32 $0x1FFFFFF0, s29  }
0xcc: {  	(v2sf) =	vpush v0, $0xC;
	[tilespmem:s23], [sflag:$0x1] =	stream.linear.gather [hbm4b:s22+s2], $0x80, $0x38;
	[tilespmem:$0x8080] =	vst v63  }
0xcd: {  	s30 =	sand.u32 $0x1FFFFFF0, s31;
	s31 =	spop (v2sf);
	s28 =	sadd.s32 s4, s25  }
0xce: {  	(v2sf) =	vpush v0, $0xD;
	[tilespmem:s26], [sflag:$0x1] =	stream.linear.gather [hbm4b:s28+s2], $0x80, $0x38;
	[tilespmem:$0x8080] =	vst v63  }
0xcf: {  	s22 =	sadd.s32 s4, s30;
	s23 =	sand.u32 $0x1FFFFFF0, s31;
	s29 =	spop (v2sf)  }
0xd0: {  	(v2sf) =	vpush v0, $0xE;
	[tilespmem:s15], [sflag:$0x1] =	stream.linear.gather [hbm4b:s22+s2], $0x80, $0x38;
	[tilespmem:$0x8080] =	vst v63  }
0xd1: {  	s23 =	sadd.s32 s4, s23;
	s30 =	sand.u32 $0x1FFFFFF0, s29;
	s31 =	spop (v2sf)  }
0xd2: {  	(v2sf) =	vpush v0, $0xF;
	[tilespmem:s6], [sflag:$0x1] =	stream.linear.gather [hbm4b:s23+s2], $0x80, $0x38;
	[tilespmem:$0x8080] =	vst v63  }
0xd3: {  	s24 =	sand.u32 $0x1FFFFFF0, s31;
	s25 =	spop (v2sf);
	s15 =	sadd.s32 s4, s30  }
0xd4: {  	[tilespmem:s16], [sflag:$0x1] =	stream.linear.gather [hbm4b:s15+s2], $0x80, $0x38;
	[tilespmem:$0x8080] =	vst v63  }
0xd5: {  	s26 =	sand.u32 $0x1FFFFFF0, s25;
	s6 =	sadd.s32 s4, s24;
	s28 =	spop (v2sf)  }
0xd6: {  	[tilespmem:s1], [sflag:$0x1] =	stream.linear.gather [hbm4b:s6+s2], $0x80, $0x38;
	[tilespmem:$0x8080] =	vst v63  }
0xd7: {  	s15 =	sadd.s32 s4, s26;
	s29 =	sand.u32 $0x1FFFFFF0, s28;
	s30 =	spop (v2sf)  }
0xd8: {  	[tilespmem:s7], [sflag:$0x1] =	stream.linear.gather [hbm4b:s15+s2], $0x80, $0x38;
	[tilespmem:$0x8080] =	vst v63  }
0xd9: {  	s6 =	sand.u32 $0x1FFFFFF0, s30;
	s1 =	sadd.s32 s4, s29;
	s31 =	spop (v2sf)  }
0xda: {  	[tilespmem:s0], [sflag:$0x1] =	stream.linear.gather [hbm4b:s1+s2], $0x80, $0x38;
	[tilespmem:$0x8080] =	vst v63  }
0xdb: {  	s6 =	sadd.s32 s4, s6;
	s15 =	sand.u32 $0x1FFFFFF0, s31;
	s16 =	spop (v2sf)  }
0xdc: {  	[tilespmem:s8], [sflag:$0x1] =	stream.linear.gather [hbm4b:s6+s2], $0x80, $0x38;
	[tilespmem:$0x8080] =	vst v63  }
0xdd: {  	s0 =	sadd.s32 s4, s15;
	s1 =	sand.u32 $0x1FFFFFF0, s16;
	s22 =	spop (v2sf)  }
0xde: {  	[tilespmem:s21], [sflag:$0x1] =	stream.linear.gather [hbm4b:s0+s2], $0x80, $0x38;
	[tilespmem:$0x8080] =	vst v63  }
0xdf: {  	s23 =	sand.u32 $0x1FFFFFF0, s22;
	s1 =	sadd.s32 s4, s1;
	s24 =	spop (v2sf)  }
0xe0: {  	[tilespmem:s19], [sflag:$0x1] =	stream.linear.gather [hbm4b:s1+s2], $0x80, $0x38;
	[tilespmem:$0x8080] =	vst v63  }
0xe1: {  	s25 =	sand.u32 $0x1FFFFFF0, s24;
	s26 =	spop (v2sf);
	s0 =	sadd.s32 s4, s23  }
0xe2: {  	[tilespmem:s20], [sflag:$0x1] =	stream.linear.gather [hbm4b:s0+s2], $0x80, $0x38;
	[tilespmem:$0x8080] =	vst v63  }
0xe3: {  	s29 =	sadd.s32 $0x780, s18;
	s28 =	sand.u32 $0x1FFFFFF0, s26;
	s1 =	sadd.s32 s4, s25  }
0xe4: {  	[tilespmem:s29], [sflag:$0x1] =	stream.linear.gather [hbm4b:s1+s2], $0x80, $0x38;
	[tilespmem:$0x8080] =	vst v63  }
0xe5: {  	s30 =	sadd.s32 $0x800, s18;
	s0 =	sadd.s32 s4, s28  }
0xe6: {  	[tilespmem:s30], [sflag:$0x1] =	stream.linear.gather [hbm4b:s0+s2], $0x80, $0x38;
	[tilespmem:$0x8080] =	vst v63  }
0xe7: {  	_ =	swait.ge [sflag:s14], $0x4000  }
0xe8: {  	[sflag:s14] =	ssyncset.done $0x0  }
0xe9: {  	s31 =	simm.s32 $0x80;
	s19 =	simm.s32 $0x0;
	[sflag:s14] =	ssyncadd.s32 $0xFFFFC000  }
0xea: {  	[hbm4b:s9+s19] =	stream.linear.scatter [tilespmem:s31], [sflag:$0x2], $0x4000, $0x38;
	[tilespmem:$0x8080] =	vst v63  }
0xeb: {  	_ =	swait.ge [sflag:s13], $0x4000  }
0xec: {  	[sflag:s13] =	ssyncset.done $0x0  }
0xed: {  	[sflag:s13] =	ssyncadd.s32 $0xFFFFC000  }
0xee: {  	[tilespmem:s19], [sflag:$0x2] =	stream.linear.gather [hbm4b:s10+s19], $0x80, $0x38;
	[tilespmem:$0x8080] =	vst v63  }
0xef: {  	_ =	swait.ge [sflag:s13], $0x80  }
0xf0: {  	[sflag:s13] =	ssyncset.done $0x0  }
0xf1: {  	[sflag:s13] =	ssyncadd.s32 $0xFFFFFF80  }
0xf2: {  	v0 =	vld [tilespmem:s19+$0x0];
	_ =	sdelay $0x4  }
0xf3: {  	v0 =	vshll.u32 v0, $0x4  }
0xf4: {  	(v2sf) =	vpush v0, $0x0  }
0xf5: {  	(v2sf) =	vpush v0, $0x1  }
0xf6: {  	(v2sf) =	vpush v0, $0x2;
	_ =	sdelay $0x1  }
0xf7: {  	(v2sf) =	vpush v0, $0x4;
	_ =	sdelay $0x1  }
0xf8: {  	(v2sf) =	vpush v0, $0x3  }
0xf9: {  	(v2sf) =	vpush v0, $0x5  }
0xfa: {  	s18 =	simm.s32 $0x0;
	s20 =	simm.s32 $0x2000;
	(v2sf) =	vpush v0, $0x6  }
.LBB2_6:
0xfb: {  	p0 =	sne.s32 s20, $0xE000  }
0xfc: {  	s0 =	sadd.s32 $0x4100, s18;
	s24 =	sadd.s32 $0x4600, s18;
	s21 =	smov.u32 s20  }
0xfd: {  	s20 =	sadd.s32 $0x2000, s20;
	s28 =	sadd.s32 $0x4400, s18;
	s22 =	sadd.s32 $0x4680, s18;
	(v2sf) =	vpush v0, $0x7  }
0xfe: {  	s30 =	sadd.s32 $0x4300, s18;
	s26 =	sadd.s32 $0x4480, s18;
	s23 =	sadd.s32 $0x4700, s18  }
0xff: {  	s1 =	sadd.s32 $0x4080, s18;
	s6 =	sadd.s32 $0x4280, s18;
	(v2sf) =	vpush v0, $0x8  }
0x100: {  	s7 =	sadd.s32 $0x4380, s18;
	s19 =	sadd.s32 $0x10, s19  }
0x101: {  	s8 =	sadd.s32 $0x4180, s18;
	s25 =	sadd.s32 $0x4580, s18;
	s15 =	spop (v2sf);
	(v2sf) =	vpush v0, $0x9  }
0x102: {  	s29 =	sadd.s32 $0x4500, s18;
	s15 =	sand.u32 $0x1FFFFFF0, s15;
	s16 =	spop (v2sf)  }
0x103: {  	s15 =	sadd.s32 s5, s15;
	s16 =	sand.u32 $0x1FFFFFF0, s16;
	s31 =	spop (v2sf);
	(v2sf) =	vpush v0, $0xA  }
0x104: {  	[tilespmem:s1], [sflag:$0x1] =	stream.linear.gather [hbm4b:s15+s2], $0x80, $0x38;
	[tilespmem:$0x8080] =	vst v63  }
0x105: {  	s1 =	sadd.s32 s5, s16;
	s15 =	sadd.s32 $0x4200, s18;
	s16 =	spop (v2sf);
	(v2sf) =	vpush v0, $0xB  }
0x106: {  	[tilespmem:s0], [sflag:$0x1] =	stream.linear.gather [hbm4b:s1+s2], $0x80, $0x38;
	[tilespmem:$0x8080] =	vst v63  }
0x107: {  	s0 =	sand.u32 $0x1FFFFFF0, s31;
	s1 =	sand.u32 $0x1FFFFFF0, s16;
	s16 =	spop (v2sf);
	(v2sf) =	vpush v0, $0xC  }
0x108: {  	s0 =	sadd.s32 s5, s0;
	s16 =	sand.u32 $0x1FFFFFF0, s16;
	s31 =	spop (v2sf)  }
0x109: {  	[tilespmem:s8], [sflag:$0x1] =	stream.linear.gather [hbm4b:s0+s2], $0x80, $0x38;
	(v2sf) =	vpush v0, $0xD;
	[tilespmem:$0x8080] =	vst v63  }
0x10a: {  	s0 =	sadd.s32 s5, s16;
	s8 =	sand.u32 $0x1FFFFFF0, s31;
	s16 =	spop (v2sf)  }
0x10b: {  	[tilespmem:s15], [sflag:$0x1] =	stream.linear.gather [hbm4b:s0+s2], $0x80, $0x38;
	(v2sf) =	vpush v0, $0xE;
	[tilespmem:$0x8080] =	vst v63  }
0x10c: {  	s0 =	sadd.s32 s5, s1;
	s1 =	sand.u32 $0x1FFFFFF0, s16;
	s15 =	spop (v2sf)  }
0x10d: {  	[tilespmem:s6], [sflag:$0x1] =	stream.linear.gather [hbm4b:s0+s2], $0x80, $0x38;
	(v2sf) =	vpush v0, $0xF;
	[tilespmem:$0x8080] =	vst v63  }
0x10e: {  	s0 =	sadd.s32 s5, s8;
	s6 =	sand.u32 $0x1FFFFFF0, s15;
	s8 =	spop (v2sf)  }
0x10f: {  	[tilespmem:s30], [sflag:$0x1] =	stream.linear.gather [hbm4b:s0+s2], $0x80, $0x38;
	[tilespmem:$0x8080] =	vst v63  }
0x110: {  	s0 =	sadd.s32 s5, s1;
	s1 =	sand.u32 $0x1FFFFFF0, s8;
	s8 =	spop (v2sf)  }
0x111: {  	[tilespmem:s7], [sflag:$0x1] =	stream.linear.gather [hbm4b:s0+s2], $0x80, $0x38;
	[tilespmem:$0x8080] =	vst v63  }
0x112: {  	s0 =	sadd.s32 s5, s6;
	s6 =	sand.u32 $0x1FFFFFF0, s8;
	s7 =	spop (v2sf)  }
0x113: {  	[tilespmem:s28], [sflag:$0x1] =	stream.linear.gather [hbm4b:s0+s2], $0x80, $0x38;
	[tilespmem:$0x8080] =	vst v63  }
0x114: {  	s0 =	sadd.s32 s5, s1;
	s1 =	sand.u32 $0x1FFFFFF0, s7;
	s7 =	spop (v2sf)  }
0x115: {  	[tilespmem:s26], [sflag:$0x1] =	stream.linear.gather [hbm4b:s0+s2], $0x80, $0x38;
	[tilespmem:$0x8080] =	vst v63  }
0x116: {  	s0 =	sadd.s32 s5, s6;
	s6 =	sand.u32 $0x1FFFFFF0, s7;
	s7 =	spop (v2sf)  }
0x117: {  	[tilespmem:s29], [sflag:$0x1] =	stream.linear.gather [hbm4b:s0+s2], $0x80, $0x38;
	[tilespmem:$0x8080] =	vst v63  }
0x118: {  	s0 =	sadd.s32 s5, s1;
	s1 =	sand.u32 $0x1FFFFFF0, s7;
	s7 =	spop (v2sf)  }
0x119: {  	[tilespmem:s25], [sflag:$0x1] =	stream.linear.gather [hbm4b:s0+s2], $0x80, $0x38;
	[tilespmem:$0x8080] =	vst v63  }
0x11a: {  	s0 =	sadd.s32 s5, s6;
	s6 =	sand.u32 $0x1FFFFFF0, s7;
	s7 =	spop (v2sf)  }
0x11b: {  	[tilespmem:s24], [sflag:$0x1] =	stream.linear.gather [hbm4b:s0+s2], $0x80, $0x38;
	[tilespmem:$0x8080] =	vst v63  }
0x11c: {  	s0 =	sadd.s32 s5, s1;
	s1 =	sand.u32 $0x1FFFFFF0, s7;
	s7 =	spop (v2sf)  }
0x11d: {  	[tilespmem:s22], [sflag:$0x1] =	stream.linear.gather [hbm4b:s0+s2], $0x80, $0x38;
	[tilespmem:$0x8080] =	vst v63  }
0x11e: {  	s0 =	sadd.s32 s5, s6;
	s6 =	sand.u32 $0x1FFFFFF0, s7  }
0x11f: {  	[tilespmem:s23], [sflag:$0x1] =	stream.linear.gather [hbm4b:s0+s2], $0x80, $0x38;
	[tilespmem:$0x8080] =	vst v63  }
0x120: {  	s1 =	sadd.s32 s5, s1;
	s0 =	sadd.s32 $0x4780, s18  }
0x121: {  	[tilespmem:s0], [sflag:$0x1] =	stream.linear.gather [hbm4b:s1+s2], $0x80, $0x38;
	[tilespmem:$0x8080] =	vst v63  }
0x122: {  	s0 =	sadd.s32 $0x4800, s18;
	s1 =	sadd.s32 s5, s6  }
0x123: {  	[tilespmem:s0], [sflag:$0x1] =	stream.linear.gather [hbm4b:s1+s2], $0x80, $0x38;
	[tilespmem:$0x8080] =	vst v63  }
0x124: {  	v0 =	vld [tilespmem:s19+$0x0];
	_ =	sdelay $0x4  }
0x125: {  	v0 =	vshll.u32 v0, $0x4  }
0x126: {  	(v2sf) =	vpush v0, $0x0  }
0x127: {  	(v2sf) =	vpush v0, $0x1  }
0x128: {  	(v2sf) =	vpush v0, $0x2;
	_ =	sdelay $0x1  }
0x129: {  	(v2sf) =	vpush v0, $0x4  }
.Ltmp2:
0x12a: {  	(pc) =	sbr.rel @p0 .LBB2_6-.Ltmp2, $3  }
0x12b: {  	(v2sf) =	vpush v0, $0x3  }
0x12c: {  	(v2sf) =	vpush v0, $0x5;
	_ =	sdelay $0x1  }
0x12d: {  	s18 =	sshra.s32 s21, $0x2;
	(v2sf) =	vpush v0, $0x6  }
0x12e: {  	_ =	sdelay $0x1  }
0x12f: {  	s0 =	sadd.s32 $0x4100, s18;
	s21 =	sadd.s32 $0x4600, s18  }
0x130: {  	s1 =	sadd.s32 $0x4400, s18;
	s19 =	sadd.s32 $0x4680, s18;
	(v2sf) =	vpush v0, $0x7;
	s6 =	sadd.s32 $0x4300, s18  }
0x131: {  	s7 =	sadd.s32 $0x4480, s18;
	s20 =	sadd.s32 $0x4700, s18;
	s8 =	sadd.s32 $0x4080, s18  }
0x132: {  	s15 =	sadd.s32 $0x4280, s18;
	s16 =	sadd.s32 $0x4380, s18;
	(v2sf) =	vpush v0, $0x8;
	s22 =	spop (v2sf)  }
0x133: {  	s23 =	sadd.s32 $0x4180, s18;
	s22 =	sand.u32 $0x1FFFFFF0, s22;
	s24 =	spop (v2sf)  }
0x134: {  	(v2sf) =	vpush v0, $0x9;
	s22 =	sadd.s32 s5, s22;
	s24 =	sand.u32 $0x1FFFFFF0, s24;
	s25 =	spop (v2sf)  }
0x135: {  	[tilespmem:s8], [sflag:$0x1] =	stream.linear.gather [hbm4b:s22+s2], $0x80, $0x38;
	[tilespmem:$0x8080] =	vst v63  }
0x136: {  	s26 =	sadd.s32 $0x4200, s18;
	(v2sf) =	vpush v0, $0xA;
	s30 =	sadd.s32 s5, s24;
	s31 =	spop (v2sf)  }
0x137: {  	[tilespmem:s0], [sflag:$0x1] =	stream.linear.gather [hbm4b:s30+s2], $0x80, $0x38;
	[tilespmem:$0x8080] =	vst v63  }
0x138: {  	s8 =	sadd.s32 $0x4580, s18;
	s28 =	sand.u32 $0x1FFFFFF0, s25;
	(v2sf) =	vpush v0, $0xB;
	s29 =	spop (v2sf)  }
0x139: {  	s22 =	sadd.s32 s5, s28;
	s0 =	sadd.s32 $0x4500, s18;
	s25 =	sand.u32 $0x1FFFFFF0, s29  }
0x13a: {  	(v2sf) =	vpush v0, $0xC;
	[tilespmem:s23], [sflag:$0x1] =	stream.linear.gather [hbm4b:s22+s2], $0x80, $0x38;
	[tilespmem:$0x8080] =	vst v63  }
0x13b: {  	s30 =	sand.u32 $0x1FFFFFF0, s31;
	s31 =	spop (v2sf);
	s28 =	sadd.s32 s5, s25  }
0x13c: {  	(v2sf) =	vpush v0, $0xD;
	[tilespmem:s26], [sflag:$0x1] =	stream.linear.gather [hbm4b:s28+s2], $0x80, $0x38;
	[tilespmem:$0x8080] =	vst v63  }
0x13d: {  	s22 =	sadd.s32 s5, s30;
	s23 =	sand.u32 $0x1FFFFFF0, s31;
	s29 =	spop (v2sf)  }
0x13e: {  	(v2sf) =	vpush v0, $0xE;
	[tilespmem:s15], [sflag:$0x1] =	stream.linear.gather [hbm4b:s22+s2], $0x80, $0x38;
	[tilespmem:$0x8080] =	vst v63  }
0x13f: {  	s23 =	sadd.s32 s5, s23;
	s30 =	sand.u32 $0x1FFFFFF0, s29;
	s31 =	spop (v2sf)  }
0x140: {  	(v2sf) =	vpush v0, $0xF;
	[tilespmem:s6], [sflag:$0x1] =	stream.linear.gather [hbm4b:s23+s2], $0x80, $0x38;
	[tilespmem:$0x8080] =	vst v63  }
0x141: {  	s24 =	sand.u32 $0x1FFFFFF0, s31;
	s25 =	spop (v2sf);
	s15 =	sadd.s32 s5, s30  }
0x142: {  	[tilespmem:s16], [sflag:$0x1] =	stream.linear.gather [hbm4b:s15+s2], $0x80, $0x38;
	[tilespmem:$0x8080] =	vst v63  }
0x143: {  	s26 =	sand.u32 $0x1FFFFFF0, s25;
	s6 =	sadd.s32 s5, s24;
	s28 =	spop (v2sf)  }
0x144: {  	[tilespmem:s1], [sflag:$0x1] =	stream.linear.gather [hbm4b:s6+s2], $0x80, $0x38;
	[tilespmem:$0x8080] =	vst v63  }
0x145: {  	s15 =	sadd.s32 s5, s26;
	s29 =	sand.u32 $0x1FFFFFF0, s28;
	s30 =	spop (v2sf)  }
0x146: {  	[tilespmem:s7], [sflag:$0x1] =	stream.linear.gather [hbm4b:s15+s2], $0x80, $0x38;
	[tilespmem:$0x8080] =	vst v63  }
0x147: {  	s6 =	sand.u32 $0x1FFFFFF0, s30;
	s1 =	sadd.s32 s5, s29;
	s31 =	spop (v2sf)  }
0x148: {  	[tilespmem:s0], [sflag:$0x1] =	stream.linear.gather [hbm4b:s1+s2], $0x80, $0x38;
	[tilespmem:$0x8080] =	vst v63  }
0x149: {  	s6 =	sadd.s32 s5, s6;
	s15 =	sand.u32 $0x1FFFFFF0, s31;
	s16 =	spop (v2sf)  }
0x14a: {  	[tilespmem:s8], [sflag:$0x1] =	stream.linear.gather [hbm4b:s6+s2], $0x80, $0x38;
	[tilespmem:$0x8080] =	vst v63  }
0x14b: {  	s0 =	sadd.s32 s5, s15;
	s1 =	sand.u32 $0x1FFFFFF0, s16;
	s22 =	spop (v2sf)  }
0x14c: {  	[tilespmem:s21], [sflag:$0x1] =	stream.linear.gather [hbm4b:s0+s2], $0x80, $0x38;
	[tilespmem:$0x8080] =	vst v63  }
0x14d: {  	s23 =	sand.u32 $0x1FFFFFF0, s22;
	s1 =	sadd.s32 s5, s1;
	s24 =	spop (v2sf)  }
0x14e: {  	[tilespmem:s19], [sflag:$0x1] =	stream.linear.gather [hbm4b:s1+s2], $0x80, $0x38;
	[tilespmem:$0x8080] =	vst v63  }
0x14f: {  	s25 =	sand.u32 $0x1FFFFFF0, s24;
	s26 =	spop (v2sf);
	s0 =	sadd.s32 s5, s23  }
0x150: {  	[tilespmem:s20], [sflag:$0x1] =	stream.linear.gather [hbm4b:s0+s2], $0x80, $0x38;
	[tilespmem:$0x8080] =	vst v63  }
0x151: {  	s29 =	sadd.s32 $0x4780, s18;
	s28 =	sand.u32 $0x1FFFFFF0, s26;
	s1 =	sadd.s32 s5, s25  }
0x152: {  	[tilespmem:s29], [sflag:$0x1] =	stream.linear.gather [hbm4b:s1+s2], $0x80, $0x38;
	[tilespmem:$0x8080] =	vst v63  }
0x153: {  	s30 =	sadd.s32 $0x4800, s18;
	s0 =	sadd.s32 s5, s28  }
0x154: {  	[tilespmem:s30], [sflag:$0x1] =	stream.linear.gather [hbm4b:s0+s2], $0x80, $0x38;
	[tilespmem:$0x8080] =	vst v63  }
0x155: {  	s17 =	sadd.s32 $0x1, s17;
	_ =	swait.ge [sflag:s14], $0x4000  }
0x156: {  	p0 =	sne.s32 s17, s12;
	[sflag:s14] =	ssyncset.done $0x0  }
.Ltmp3:
0x157: {  	s31 =	simm.s32 $0x4080;
	[sflag:s14] =	ssyncadd.s32 $0xFFFFC000;
	(pc) =	sbr.rel @p0 .LBB2_1-.Ltmp3, $4  }
0x158: {  	[hbm4b:s11+s2] =	stream.linear.scatter [tilespmem:s31], [sflag:$0x2], $0x4000, $0x38;
	[tilespmem:$0x8080] =	vst v63  }
0x159: {  	_ =	swait.ge [sflag:s13], $0x4000  }
0x15a: {  	[sflag:s13] =	ssyncset.done $0x0  }
0x15b: {  	[sflag:s13] =	ssyncadd.s32 $0xFFFFC000  }
0x15c: {  	_ =	sfence.sel $0x180000  }
0x15d: {  	[bflag:$0x0] =	sbarrier.arrive $0xFFFF  }
0x15e: {  	_ =	strace $0x9000004A  }
0x15f: {  	s0 =	stileid.u32;
	[bflag:$0x2] =	sbarrier.arrive $0xFFFF  }
0x160: {  	p0 =	sne.s32 s0, $0x0;
	s0 =	rddreg [dreg:$0x6]  }
0x161: {  	s0 =	sadd.s32 @!p0 $0x100000, s0  }
0x162: {  	[sflag:s0] =	ssyncadd.tile.s32 @!p0 $0x1;
	_ =	shalt  }
.Lfunc_end2:
_tile_overlayer_lowered:
.L_overlay_start_2:
0x163: {  	(tag) =	ssettag $0x2  }
0x164: {  	s0 =	rddreg [dreg:$0x0];
	s2 =	stileid.u32  }
0x165: {  	s1 =	rddreg [dreg:$0x1];
	p0 =	sne.s32 s2, $0x0  }
0x166: {  	s3 =	rddreg [dreg:$0x2];
	[bflag:$0x3] =	sbarrier.arrive $0xFFFF;
	s2 =	simm.s32 @!p0 $0x1C02  }
0x167: {  	[timem:s3], [sflag:s2] =	dma.local @!p0 [hbm:s0], s1  }
0x168: {  	s0 =	simm.s32 @!p0 $0x2  }
0x169: {  	_ =	swait.ge @!p0 [sflag:s0], s1  }
0x16a: {  	s1 =	ssub.s32 @!p0 $0x0, s1;
	[sflag:s0] =	ssyncset.done @!p0 $0x0  }
0x16b: {  	[sflag:s0] =	ssyncadd.s32 @!p0 s1  }
0x16c: {  	[bflag:$0x3] =	sbarrier.arrive $0xFFFF  }
0x16d: {  	_ =	shalt  }

</sc_bundles>
